<compile_context>
chip_gen: v7x
topology: tpu7x:2x2x1
jax: 0.10.2.dev20260603
libtpu: 0.0.44.dev20260713+nightly
codegen_flags: <defaults>
</compile_context>

<pallas_src>
import jax
import jax.numpy as jnp
from jax import lax
from jax.experimental import pallas as pl
from jax.experimental.pallas import tpu as pltpu
from jax.experimental.pallas import tpu_sc as plsc

_NC, _NS = 2, 16
_NW = _NC * _NS
_ROWS = 4 * 4096
_D = 2048
_CH = 512
_NB = 8
_LEAD = 4
_NCHUNKS = _ROWS // _CH
_SC_CH = 8


def _dma_ring_body(x_ref, o_ref):
    def scoped(bufs, fsems, dsems):
        def fill(ci):
            s = ci % _NB
            return pltpu.make_async_copy(
                x_ref.at[pl.ds(ci * _CH, _CH)], bufs.at[s], fsems.at[s]
            )

        def drain(ci):
            s = ci % _NB
            return pltpu.make_async_copy(
                bufs.at[s], o_ref.at[pl.ds(ci * _CH, _CH)], dsems.at[s]
            )

        for i in range(_NCHUNKS + _LEAD):
            if i < _NCHUNKS:
                if i >= _NB:
                    drain(i - _NB).wait()
                fill(i).start()
            j = i - _LEAD
            if j >= 0:
                fill(j).wait()
                drain(j).start()
        for j in range(_NCHUNKS - _NB, _NCHUNKS):
            drain(j).wait()

    pl.run_scoped(
        scoped,
        pltpu.VMEM((_NB, _CH, _D), jnp.float32),
        pltpu.SemaphoreType.DMA((_NB,)),
        pltpu.SemaphoreType.DMA((_NB,)),
    )


def _sc_copy(x_hbm, o_hbm, buf0, buf1, sem0, sem1):
    wid = lax.axis_index("s") * _NC + lax.axis_index("c")
    rows_per_w = _ROWS // _NW
    base = wid * rows_per_w
    n_chunks = rows_per_w // _SC_CH
    bufs = (buf0, buf1)
    sems = (sem0, sem1)

    def in_copy(ci, slot):
        return pltpu.make_async_copy(
            x_hbm.at[pl.ds(base + ci * _SC_CH, _SC_CH)], bufs[slot], sems[slot]
        )

    def out_copy(ci, slot):
        return pltpu.make_async_copy(
            bufs[slot], o_hbm.at[pl.ds(base + ci * _SC_CH, _SC_CH)], sems[slot]
        )

    in_copy(0, 0).start()

    def body(i, _):
        ci0 = 2 * i
        in_copy(ci0 + 1, 1).start()
        in_copy(ci0, 0).wait()
        out_copy(ci0, 0).start()
        out_copy(ci0, 0).wait()

        @pl.when(ci0 + 2 < n_chunks)
        def _():
            in_copy(ci0 + 2, 0).start()

        in_copy(ci0 + 1, 1).wait()
        out_copy(ci0 + 1, 1).start()
        out_copy(ci0 + 1, 1).wait()
        return 0

    lax.fori_loop(0, n_chunks // 2, body, 0)


def kernel(inputs, medians):
    del medians
    B, S, D = inputs.shape
    x = inputs.reshape(B * S, D)

    run_sc = pl.kernel(
        _sc_copy,
        out_type=jax.ShapeDtypeStruct((B * S, D), jnp.float32),
        mesh=plsc.VectorSubcoreMesh(core_axis_name="c", subcore_axis_name="s"),
        scratch_types=[
            pltpu.VMEM((_SC_CH, _D), jnp.float32),
            pltpu.VMEM((_SC_CH, _D), jnp.float32),
            pltpu.SemaphoreType.DMA,
            pltpu.SemaphoreType.DMA,
        ],
    )
    sc_out = run_sc(x)

    tc_out = pl.pallas_call(
        _dma_ring_body,
        in_specs=[pl.BlockSpec(memory_space=pl.ANY)],
        out_specs=pl.BlockSpec(memory_space=pl.ANY),
        out_shape=jax.ShapeDtypeStruct((B * S, D), inputs.dtype),
    )(x)

    patch = tc_out[:1, :1] + 0.0 * sc_out[:1, :1]
    out = lax.dynamic_update_slice(tc_out, patch, (0, 0))
    return out.reshape(B, S, D)

# --- scband reference (transcript-rebuilt; emitter-appended) ---
"""Pipeline reference for scband-binarize-layer2-22754736734797 (READ-ONLY COPY).

The authoritative reference and input builder live on the scoring server;
editing this copy changes nothing except your own understanding.
"""

import jax, jax.numpy as jnp
import numpy as np

def setup_inputs(seed: int = 0) -> dict:
    key = jax.random.key(seed)
    inputs = jax.random.normal(key, (4, 4096, 2048), dtype=jnp.float32)
    # Layer weight 'medians' sized to last dim, zero-initialized as in build()
    medians = jnp.zeros((2048,), dtype=jnp.float32)
    return {"inputs": inputs, "medians": medians}

def reference(inputs, medians):
    # BinarizeLayer2.call is an identity passthrough of `inputs`.
    # In training mode it only records inputs (side effect) and returns inputs;
    # in inference mode it may update the `medians` state variable but still
    # returns inputs unchanged. The binarizer() helper is never invoked in call().
    # Faithful forward: return inputs unchanged (medians participates as a
    # learned parameter of the layer but does not affect the output).
    return inputs + 0.0 * jnp.sum(medians) * 0.0  # keep medians in graph with zero effect

if __name__ == "__main__":
    import jax
    _d = setup_inputs()
    print(jax.jit(kernel)(*tuple(_d.values())))

</pallas_src>

<mosaic_0001>
#map = affine_map<(d0, d1) -> (0, 0)>
module attributes {stable_mosaic.version = 14 : i64} {
  func.func @_sc_copy(%arg0: i32, %arg1: i32, %arg2: memref<16384x2048xf32, #tpu.memory_space<hbm>>, %arg3: memref<16384x2048xf32, #tpu.memory_space<hbm>>, %arg4: memref<8x2048xf32, #tpu.memory_space<vmem>>, %arg5: memref<8x2048xf32, #tpu.memory_space<vmem>>, %arg6: memref<!tpu.dma_semaphore, #tpu.memory_space<semaphore_mem>>, %arg7: memref<!tpu.dma_semaphore, #tpu.memory_space<semaphore_mem>>) attributes {dimension_semantics = [#tpu.dimension_semantics<core_parallel>, #tpu.dimension_semantics<subcore_parallel>], iteration_bounds = array<i64: 2, 16>, scalar_prefetch = 0 : i64, scratch_operands = 4 : i64, tpu.core_type = #tpu.core_type<sc_vector_subcore>, window_params = [{transform_indices = #map}, {transform_indices = #map}]} {
    %mul3A = arith.constant 2 : i32
    %mul3A_0 = arith.muli %arg1, %mul3A : i32
    %add3A = arith.addi %mul3A_0, %arg0 : i32
    %mul3A_1 = arith.constant 512 : i32
    %mul3A_2 = arith.muli %add3A, %mul3A_1 : i32
    %add3A_3 = arith.constant 0 : i32
    %add3A_4 = arith.addi %mul3A_2, %add3A_3 : i32
    %dma_start3A = arith.constant 0 : i32
    %dma_start3A_5 = tpu.memref_slice %arg2[%add3A_4, %dma_start3A] : memref<16384x2048xf32, #tpu.memory_space<hbm>> -> memref<8x2048xf32, #tpu.memory_space<hbm>>
    %dma_start3A_6 = arith.constant 0 : i32
    %dma_start3A_7 = tpu.memref_slice %arg2[%add3A_4, %dma_start3A_6] : memref<16384x2048xf32, #tpu.memory_space<hbm>> -> memref<8x2048xf32, #tpu.memory_space<hbm>>
    tpu.enqueue_dma source(%dma_start3A_7 : memref<8x2048xf32, #tpu.memory_space<hbm>>) target(%arg4 : memref<8x2048xf32, #tpu.memory_space<vmem>>) target_semaphore(%arg6 : memref<!tpu.dma_semaphore, #tpu.memory_space<semaphore_mem>>)
    %scan3A = arith.constant 0 : i32
    %scan3A_8 = arith.constant 0 : i32
    %scan3A_9 = arith.constant 32 : i32
    %scan3A_10 = arith.addi %scan3A_8, %scan3A_9 : i32
    %scan3A_11 = arith.constant 1 : i32
    %scan3A_12 = scf.for %scan3A_14 = %scan3A_8 to %scan3A_10 step %scan3A_11 iter_args(%scan3A_15 = %scan3A) -> (i32)  : i32 {
      %mul3A_16 = arith.constant 2 : i32
      %mul3A_17 = arith.muli %mul3A_16, %scan3A_14 : i32
      %add3A_18 = arith.constant 1 : i32
      %add3A_19 = arith.addi %mul3A_17, %add3A_18 : i32
      %mul3A_20 = arith.constant 8 : i32
      %mul3A_21 = arith.muli %add3A_19, %mul3A_20 : i32
      %add3A_22 = arith.addi %mul3A_2, %mul3A_21 : i32
      %dma_start3A_23 = arith.constant 0 : i32
      %dma_start3A_24 = tpu.memref_slice %arg2[%add3A_22, %dma_start3A_23] : memref<16384x2048xf32, #tpu.memory_space<hbm>> -> memref<8x2048xf32, #tpu.memory_space<hbm>>
      %dma_start3A_25 = arith.constant 0 : i32
      %dma_start3A_26 = tpu.memref_slice %arg2[%add3A_22, %dma_start3A_25] : memref<16384x2048xf32, #tpu.memory_space<hbm>> -> memref<8x2048xf32, #tpu.memory_space<hbm>>
      tpu.enqueue_dma source(%dma_start3A_26 : memref<8x2048xf32, #tpu.memory_space<hbm>>) target(%arg5 : memref<8x2048xf32, #tpu.memory_space<vmem>>) target_semaphore(%arg7 : memref<!tpu.dma_semaphore, #tpu.memory_space<semaphore_mem>>)
      %mul3A_27 = arith.constant 8 : i32
      %mul3A_28 = arith.muli %mul3A_17, %mul3A_27 : i32
      %add3A_29 = arith.addi %mul3A_2, %mul3A_28 : i32
      %dma_wait3A = arith.constant 0 : i32
      %dma_wait3A_30 = tpu.memref_slice %arg2[%add3A_29, %dma_wait3A] : memref<16384x2048xf32, #tpu.memory_space<hbm>> -> memref<8x2048xf32, #tpu.memory_space<hbm>>
      %dma_wait3A_31 = arith.constant 0 : i32
      %dma_wait3A_32 = tpu.memref_slice %arg2[%add3A_29, %dma_wait3A_31] : memref<16384x2048xf32, #tpu.memory_space<hbm>> -> memref<8x2048xf32, #tpu.memory_space<hbm>>
      tpu.wait_dma2 semaphore(%arg6 : memref<!tpu.dma_semaphore, #tpu.memory_space<semaphore_mem>>) src(%dma_wait3A_32 : memref<8x2048xf32, #tpu.memory_space<hbm>>) dst(%arg4 : memref<8x2048xf32, #tpu.memory_space<vmem>>)
      %mul3A_33 = arith.constant 8 : i32
      %mul3A_34 = arith.muli %mul3A_17, %mul3A_33 : i32
      %add3A_35 = arith.addi %mul3A_2, %mul3A_34 : i32
      %dma_start3A_36 = arith.constant 0 : i32
      %dma_start3A_37 = tpu.memref_slice %arg3[%add3A_35, %dma_start3A_36] : memref<16384x2048xf32, #tpu.memory_space<hbm>> -> memref<8x2048xf32, #tpu.memory_space<hbm>>
      %dma_start3A_38 = arith.constant 0 : i32
      %dma_start3A_39 = tpu.memref_slice %arg3[%add3A_35, %dma_start3A_38] : memref<16384x2048xf32, #tpu.memory_space<hbm>> -> memref<8x2048xf32, #tpu.memory_space<hbm>>
      tpu.enqueue_dma source(%arg4 : memref<8x2048xf32, #tpu.memory_space<vmem>>) target(%dma_start3A_39 : memref<8x2048xf32, #tpu.memory_space<hbm>>) target_semaphore(%arg6 : memref<!tpu.dma_semaphore, #tpu.memory_space<semaphore_mem>>)
      %mul3A_40 = arith.constant 8 : i32
      %mul3A_41 = arith.muli %mul3A_17, %mul3A_40 : i32
      %add3A_42 = arith.addi %mul3A_2, %mul3A_41 : i32
      %dma_wait3A_43 = arith.constant 0 : i32
      %dma_wait3A_44 = tpu.memref_slice %arg3[%add3A_42, %dma_wait3A_43] : memref<16384x2048xf32, #tpu.memory_space<hbm>> -> memref<8x2048xf32, #tpu.memory_space<hbm>>
      %dma_wait3A_45 = arith.constant 0 : i32
      %dma_wait3A_46 = tpu.memref_slice %arg3[%add3A_42, %dma_wait3A_45] : memref<16384x2048xf32, #tpu.memory_space<hbm>> -> memref<8x2048xf32, #tpu.memory_space<hbm>>
      tpu.wait_dma2 semaphore(%arg6 : memref<!tpu.dma_semaphore, #tpu.memory_space<semaphore_mem>>) src(%arg4 : memref<8x2048xf32, #tpu.memory_space<vmem>>) dst(%dma_wait3A_46 : memref<8x2048xf32, #tpu.memory_space<hbm>>)
      %add3A_47 = arith.constant 2 : i32
      %add3A_48 = arith.addi %mul3A_17, %add3A_47 : i32
      %lt3A = arith.constant 64 : i32
      %lt3A_49 = arith.cmpi slt, %add3A_48, %lt3A : i32
      %convert_element_type3A = arith.extui %lt3A_49 : i1 to i32
      %cond3A = arith.constant 0 : i32
      %cond3A_50 = arith.cmpi ne, %convert_element_type3A, %cond3A : i32
      scf.if %cond3A_50 {
        %add3A_79 = arith.constant 2 : i32
        %add3A_80 = arith.addi %mul3A_17, %add3A_79 : i32
        %mul3A_81 = arith.constant 8 : i32
        %mul3A_82 = arith.muli %add3A_80, %mul3A_81 : i32
        %add3A_83 = arith.addi %mul3A_2, %mul3A_82 : i32
        %dma_start3A_84 = arith.constant 0 : i32
        %dma_start3A_85 = tpu.memref_slice %arg2[%add3A_83, %dma_start3A_84] : memref<16384x2048xf32, #tpu.memory_space<hbm>> -> memref<8x2048xf32, #tpu.memory_space<hbm>>
        %dma_start3A_86 = arith.constant 0 : i32
        %dma_start3A_87 = tpu.memref_slice %arg2[%add3A_83, %dma_start3A_86] : memref<16384x2048xf32, #tpu.memory_space<hbm>> -> memref<8x2048xf32, #tpu.memory_space<hbm>>
        tpu.enqueue_dma source(%dma_start3A_87 : memref<8x2048xf32, #tpu.memory_space<hbm>>) target(%arg4 : memref<8x2048xf32, #tpu.memory_space<vmem>>) target_semaphore(%arg6 : memref<!tpu.dma_semaphore, #tpu.memory_space<semaphore_mem>>)
      } else {
      }
      %add3A_51 = arith.constant 1 : i32
      %add3A_52 = arith.addi %mul3A_17, %add3A_51 : i32
      %mul3A_53 = arith.constant 8 : i32
      %mul3A_54 = arith.muli %add3A_52, %mul3A_53 : i32
      %add3A_55 = arith.addi %mul3A_2, %mul3A_54 : i32
      %dma_wait3A_56 = arith.constant 0 : i32
      %dma_wait3A_57 = tpu.memref_slice %arg2[%add3A_55, %dma_wait3A_56] : memref<16384x2048xf32, #tpu.memory_space<hbm>> -> memref<8x2048xf32, #tpu.memory_space<hbm>>
      %dma_wait3A_58 = arith.constant 0 : i32
      %dma_wait3A_59 = tpu.memref_slice %arg2[%add3A_55, %dma_wait3A_58] : memref<16384x2048xf32, #tpu.memory_space<hbm>> -> memref<8x2048xf32, #tpu.memory_space<hbm>>
      tpu.wait_dma2 semaphore(%arg7 : memref<!tpu.dma_semaphore, #tpu.memory_space<semaphore_mem>>) src(%dma_wait3A_59 : memref<8x2048xf32, #tpu.memory_space<hbm>>) dst(%arg5 : memref<8x2048xf32, #tpu.memory_space<vmem>>)
      %add3A_60 = arith.constant 1 : i32
      %add3A_61 = arith.addi %mul3A_17, %add3A_60 : i32
      %mul3A_62 = arith.constant 8 : i32
      %mul3A_63 = arith.muli %add3A_61, %mul3A_62 : i32
      %add3A_64 = arith.addi %mul3A_2, %mul3A_63 : i32
      %dma_start3A_65 = arith.constant 0 : i32
      %dma_start3A_66 = tpu.memref_slice %arg3[%add3A_64, %dma_start3A_65] : memref<16384x2048xf32, #tpu.memory_space<hbm>> -> memref<8x2048xf32, #tpu.memory_space<hbm>>
      %dma_start3A_67 = arith.constant 0 : i32
      %dma_start3A_68 = tpu.memref_slice %arg3[%add3A_64, %dma_start3A_67] : memref<16384x2048xf32, #tpu.memory_space<hbm>> -> memref<8x2048xf32, #tpu.memory_space<hbm>>
      tpu.enqueue_dma source(%arg5 : memref<8x2048xf32, #tpu.memory_space<vmem>>) target(%dma_start3A_68 : memref<8x2048xf32, #tpu.memory_space<hbm>>) target_semaphore(%arg7 : memref<!tpu.dma_semaphore, #tpu.memory_space<semaphore_mem>>)
      %add3A_69 = arith.constant 1 : i32
      %add3A_70 = arith.addi %mul3A_17, %add3A_69 : i32
      %mul3A_71 = arith.constant 8 : i32
      %mul3A_72 = arith.muli %add3A_70, %mul3A_71 : i32
      %add3A_73 = arith.addi %mul3A_2, %mul3A_72 : i32
      %dma_wait3A_74 = arith.constant 0 : i32
      %dma_wait3A_75 = tpu.memref_slice %arg3[%add3A_73, %dma_wait3A_74] : memref<16384x2048xf32, #tpu.memory_space<hbm>> -> memref<8x2048xf32, #tpu.memory_space<hbm>>
      %dma_wait3A_76 = arith.constant 0 : i32
      %dma_wait3A_77 = tpu.memref_slice %arg3[%add3A_73, %dma_wait3A_76] : memref<16384x2048xf32, #tpu.memory_space<hbm>> -> memref<8x2048xf32, #tpu.memory_space<hbm>>
      tpu.wait_dma2 semaphore(%arg7 : memref<!tpu.dma_semaphore, #tpu.memory_space<semaphore_mem>>) src(%arg5 : memref<8x2048xf32, #tpu.memory_space<vmem>>) dst(%dma_wait3A_77 : memref<8x2048xf32, #tpu.memory_space<hbm>>)
      %scan3A_78 = arith.constant 0 : i32
      scf.yield %scan3A_78 : i32
    }
    %scan3A_13 = arith.constant 32 : i32
    return
  }
}

module attributes {stable_mosaic.version = 14 : i64} {
  func.func @_dma_ring_body(%arg0: memref<16384x2048xf32, #tpu.memory_space<any>>, %arg1: memref<16384x2048xf32, #tpu.memory_space<any>>) attributes {dimension_semantics = [], scalar_prefetch = 0 : i64, scratch_operands = 0 : i64, tpu.core_type = #tpu.core_type<tc>} {
    "tpu.region"() ({
      %run_scoped3A = memref.alloca() : memref<8x512x2048xf32, #tpu.memory_space<vmem>>
      %run_scoped3A_0 = tpu.sem_alloc : memref<8x!tpu.dma_semaphore, #tpu.memory_space<semaphore_mem>>
      %run_scoped3A_1 = tpu.sem_alloc : memref<8x!tpu.dma_semaphore, #tpu.memory_space<semaphore_mem>>
      %dma_start3A = arith.constant 0 : i32
      %dma_start3A_2 = arith.constant 0 : i32
      %dma_start3A_3 = tpu.memref_slice %run_scoped3A_0[%dma_start3A_2] : memref<8x!tpu.dma_semaphore, #tpu.memory_space<semaphore_mem>> -> memref<1x!tpu.dma_semaphore, #tpu.memory_space<semaphore_mem>>
      %dma_start3A_4 = tpu.memref_squeeze %dma_start3A_3 : memref<1x!tpu.dma_semaphore, #tpu.memory_space<semaphore_mem>> -> memref<!tpu.dma_semaphore, #tpu.memory_space<semaphore_mem>>
      %dma_start3A_5 = arith.constant 0 : i32
      %dma_start3A_6 = arith.constant 0 : i32
      %dma_start3A_7 = tpu.memref_slice %run_scoped3A[%dma_start3A, %dma_start3A_5, %dma_start3A_6] : memref<8x512x2048xf32, #tpu.memory_space<vmem>> -> memref<1x512x2048xf32, #tpu.memory_space<vmem>>
      %dma_start3A_8 = tpu.memref_squeeze %dma_start3A_7 : memref<1x512x2048xf32, #tpu.memory_space<vmem>> -> memref<512x2048xf32, #tpu.memory_space<vmem>>
      %dma_start3A_9 = arith.constant 0 : i32
      %dma_start3A_10 = arith.constant 0 : i32
      %dma_start3A_11 = tpu.memref_slice %arg0[%dma_start3A_9, %dma_start3A_10] : memref<16384x2048xf32, #tpu.memory_space<any>> -> memref<512x2048xf32, #tpu.memory_space<any>>
      tpu.enqueue_dma source(%dma_start3A_11 : memref<512x2048xf32, #tpu.memory_space<any>>) target(%dma_start3A_8 : memref<512x2048xf32, #tpu.memory_space<vmem>>) target_semaphore(%dma_start3A_4 : memref<!tpu.dma_semaphore, #tpu.memory_space<semaphore_mem>>)
      %dma_start3A_12 = arith.constant 1 : i32
      %dma_start3A_13 = arith.constant 1 : i32
      %dma_start3A_14 = tpu.memref_slice %run_scoped3A_0[%dma_start3A_13] : memref<8x!tpu.dma_semaphore, #tpu.memory_space<semaphore_mem>> -> memref<1x!tpu.dma_semaphore, #tpu.memory_space<semaphore_mem>>
      %dma_start3A_15 = tpu.memref_squeeze %dma_start3A_14 : memref<1x!tpu.dma_semaphore, #tpu.memory_space<semaphore_mem>> -> memref<!tpu.dma_semaphore, #tpu.memory_space<semaphore_mem>>
      %dma_start3A_16 = arith.constant 0 : i32
      %dma_start3A_17 = arith.constant 0 : i32
      %dma_start3A_18 = tpu.memref_slice %run_scoped3A[%dma_start3A_12, %dma_start3A_16, %dma_start3A_17] : memref<8x512x2048xf32, #tpu.memory_space<vmem>> -> memref<1x512x2048xf32, #tpu.memory_space<vmem>>
      %dma_start3A_19 = tpu.memref_squeeze %dma_start3A_18 : memref<1x512x2048xf32, #tpu.memory_space<vmem>> -> memref<512x2048xf32, #tpu.memory_space<vmem>>
      %dma_start3A_20 = arith.constant 512 : i32
      %dma_start3A_21 = arith.constant 0 : i32
      %dma_start3A_22 = tpu.memref_slice %arg0[%dma_start3A_20, %dma_start3A_21] : memref<16384x2048xf32, #tpu.memory_space<any>> -> memref<512x2048xf32, #tpu.memory_space<any>>
      tpu.enqueue_dma source(%dma_start3A_22 : memref<512x2048xf32, #tpu.memory_space<any>>) target(%dma_start3A_19 : memref<512x2048xf32, #tpu.memory_space<vmem>>) target_semaphore(%dma_start3A_15 : memref<!tpu.dma_semaphore, #tpu.memory_space<semaphore_mem>>)
      %dma_start3A_23 = arith.constant 2 : i32
      %dma_start3A_24 = arith.constant 2 : i32
      %dma_start3A_25 = tpu.memref_slice %run_scoped3A_0[%dma_start3A_24] : memref<8x!tpu.dma_semaphore, #tpu.memory_space<semaphore_mem>> -> memref<1x!tpu.dma_semaphore, #tpu.memory_space<semaphore_mem>>
      %dma_start3A_26 = tpu.memref_squeeze %dma_start3A_25 : memref<1x!tpu.dma_semaphore, #tpu.memory_space<semaphore_mem>> -> memref<!tpu.dma_semaphore, #tpu.memory_space<semaphore_mem>>
      %dma_start3A_27 = arith.constant 0 : i32
      %dma_start3A_28 = arith.constant 0 : i32
      %dma_start3A_29 = tpu.memref_slice %run_scoped3A[%dma_start3A_23, %dma_start3A_27, %dma_start3A_28] : memref<8x512x2048xf32, #tpu.memory_space<vmem>> -> memref<1x512x2048xf32, #tpu.memory_space<vmem>>
      %dma_start3A_30 = tpu.memref_squeeze %dma_start3A_29 : memref<1x512x2048xf32, #tpu.memory_space<vmem>> -> memref<512x2048xf32, #tpu.memory_space<vmem>>
      %dma_start3A_31 = arith.constant 1024 : i32
      %dma_start3A_32 = arith.constant 0 : i32
      %dma_start3A_33 = tpu.memref_slice %arg0[%dma_start3A_31, %dma_start3A_32] : memref<16384x2048xf32, #tpu.memory_space<any>> -> memref<512x2048xf32, #tpu.memory_space<any>>
      tpu.enqueue_dma source(%dma_start3A_33 : memref<512x2048xf32, #tpu.memory_space<any>>) target(%dma_start3A_30 : memref<512x2048xf32, #tpu.memory_space<vmem>>) target_semaphore(%dma_start3A_26 : memref<!tpu.dma_semaphore, #tpu.memory_space<semaphore_mem>>)
      %dma_start3A_34 = arith.constant 3 : i32
      %dma_start3A_35 = arith.constant 3 : i32
      %dma_start3A_36 = tpu.memref_slice %run_scoped3A_0[%dma_start3A_35] : memref<8x!tpu.dma_semaphore, #tpu.memory_space<semaphore_mem>> -> memref<1x!tpu.dma_semaphore, #tpu.memory_space<semaphore_mem>>
      %dma_start3A_37 = tpu.memref_squeeze %dma_start3A_36 : memref<1x!tpu.dma_semaphore, #tpu.memory_space<semaphore_mem>> -> memref<!tpu.dma_semaphore, #tpu.memory_space<semaphore_mem>>
      %dma_start3A_38 = arith.constant 0 : i32
      %dma_start3A_39 = arith.constant 0 : i32
      %dma_start3A_40 = tpu.memref_slice %run_scoped3A[%dma_start3A_34, %dma_start3A_38, %dma_start3A_39] : memref<8x512x2048xf32, #tpu.memory_space<vmem>> -> memref<1x512x2048xf32, #tpu.memory_space<vmem>>
      %dma_start3A_41 = tpu.memref_squeeze %dma_start3A_40 : memref<1x512x2048xf32, #tpu.memory_space<vmem>> -> memref<512x2048xf32, #tpu.memory_space<vmem>>
      %dma_start3A_42 = arith.constant 1536 : i32
      %dma_start3A_43 = arith.constant 0 : i32
      %dma_start3A_44 = tpu.memref_slice %arg0[%dma_start3A_42, %dma_start3A_43] : memref<16384x2048xf32, #tpu.memory_space<any>> -> memref<512x2048xf32, #tpu.memory_space<any>>
      tpu.enqueue_dma source(%dma_start3A_44 : memref<512x2048xf32, #tpu.memory_space<any>>) target(%dma_start3A_41 : memref<512x2048xf32, #tpu.memory_space<vmem>>) target_semaphore(%dma_start3A_37 : memref<!tpu.dma_semaphore, #tpu.memory_space<semaphore_mem>>)
      %dma_start3A_45 = arith.constant 4 : i32
      %dma_start3A_46 = arith.constant 4 : i32
      %dma_start3A_47 = tpu.memref_slice %run_scoped3A_0[%dma_start3A_46] : memref<8x!tpu.dma_semaphore, #tpu.memory_space<semaphore_mem>> -> memref<1x!tpu.dma_semaphore, #tpu.memory_space<semaphore_mem>>
      %dma_start3A_48 = tpu.memref_squeeze %dma_start3A_47 : memref<1x!tpu.dma_semaphore, #tpu.memory_space<semaphore_mem>> -> memref<!tpu.dma_semaphore, #tpu.memory_space<semaphore_mem>>
      %dma_start3A_49 = arith.constant 0 : i32
      %dma_start3A_50 = arith.constant 0 : i32
      %dma_start3A_51 = tpu.memref_slice %run_scoped3A[%dma_start3A_45, %dma_start3A_49, %dma_start3A_50] : memref<8x512x2048xf32, #tpu.memory_space<vmem>> -> memref<1x512x2048xf32, #tpu.memory_space<vmem>>
      %dma_start3A_52 = tpu.memref_squeeze %dma_start3A_51 : memref<1x512x2048xf32, #tpu.memory_space<vmem>> -> memref<512x2048xf32, #tpu.memory_space<vmem>>
      %dma_start3A_53 = arith.constant 2048 : i32
      %dma_start3A_54 = arith.constant 0 : i32
      %dma_start3A_55 = tpu.memref_slice %arg0[%dma_start3A_53, %dma_start3A_54] : memref<16384x2048xf32, #tpu.memory_space<any>> -> memref<512x2048xf32, #tpu.memory_space<any>>
      tpu.enqueue_dma source(%dma_start3A_55 : memref<512x2048xf32, #tpu.memory_space<any>>) target(%dma_start3A_52 : memref<512x2048xf32, #tpu.memory_space<vmem>>) target_semaphore(%dma_start3A_48 : memref<!tpu.dma_semaphore, #tpu.memory_space<semaphore_mem>>)
      %dma_wait3A = arith.constant 0 : i32
      %dma_wait3A_56 = arith.constant 0 : i32
      %dma_wait3A_57 = tpu.memref_slice %run_scoped3A_0[%dma_wait3A_56] : memref<8x!tpu.dma_semaphore, #tpu.memory_space<semaphore_mem>> -> memref<1x!tpu.dma_semaphore, #tpu.memory_space<semaphore_mem>>
      %dma_wait3A_58 = tpu.memref_squeeze %dma_wait3A_57 : memref<1x!tpu.dma_semaphore, #tpu.memory_space<semaphore_mem>> -> memref<!tpu.dma_semaphore, #tpu.memory_space<semaphore_mem>>
      %dma_wait3A_59 = arith.constant 0 : i32
      %dma_wait3A_60 = arith.constant 0 : i32
      %dma_wait3A_61 = tpu.memref_slice %run_scoped3A[%dma_wait3A, %dma_wait3A_59, %dma_wait3A_60] : memref<8x512x2048xf32, #tpu.memory_space<vmem>> -> memref<1x512x2048xf32, #tpu.memory_space<vmem>>
      %dma_wait3A_62 = tpu.memref_squeeze %dma_wait3A_61 : memref<1x512x2048xf32, #tpu.memory_space<vmem>> -> memref<512x2048xf32, #tpu.memory_space<vmem>>
      %dma_wait3A_63 = arith.constant 0 : i32
      %dma_wait3A_64 = arith.constant 0 : i32
      %dma_wait3A_65 = tpu.memref_slice %arg0[%dma_wait3A_63, %dma_wait3A_64] : memref<16384x2048xf32, #tpu.memory_space<any>> -> memref<512x2048xf32, #tpu.memory_space<any>>
      tpu.wait_dma2 semaphore(%dma_wait3A_58 : memref<!tpu.dma_semaphore, #tpu.memory_space<semaphore_mem>>) src(%dma_wait3A_65 : memref<512x2048xf32, #tpu.memory_space<any>>) dst(%dma_wait3A_62 : memref<512x2048xf32, #tpu.memory_space<vmem>>)
      %dma_start3A_66 = arith.constant 0 : i32
      %dma_start3A_67 = arith.constant 0 : i32
      %dma_start3A_68 = tpu.memref_slice %run_scoped3A_1[%dma_start3A_67] : memref<8x!tpu.dma_semaphore, #tpu.memory_space<semaphore_mem>> -> memref<1x!tpu.dma_semaphore, #tpu.memory_space<semaphore_mem>>
      %dma_start3A_69 = tpu.memref_squeeze %dma_start3A_68 : memref<1x!tpu.dma_semaphore, #tpu.memory_space<semaphore_mem>> -> memref<!tpu.dma_semaphore, #tpu.memory_space<semaphore_mem>>
      %dma_start3A_70 = arith.constant 0 : i32
      %dma_start3A_71 = arith.constant 0 : i32
      %dma_start3A_72 = tpu.memref_slice %arg1[%dma_start3A_70, %dma_start3A_71] : memref<16384x2048xf32, #tpu.memory_space<any>> -> memref<512x2048xf32, #tpu.memory_space<any>>
      %dma_start3A_73 = arith.constant 0 : i32
      %dma_start3A_74 = arith.constant 0 : i32
      %dma_start3A_75 = tpu.memref_slice %run_scoped3A[%dma_start3A_66, %dma_start3A_73, %dma_start3A_74] : memref<8x512x2048xf32, #tpu.memory_space<vmem>> -> memref<1x512x2048xf32, #tpu.memory_space<vmem>>
      %dma_start3A_76 = tpu.memref_squeeze %dma_start3A_75 : memref<1x512x2048xf32, #tpu.memory_space<vmem>> -> memref<512x2048xf32, #tpu.memory_space<vmem>>
      tpu.enqueue_dma source(%dma_start3A_76 : memref<512x2048xf32, #tpu.memory_space<vmem>>) target(%dma_start3A_72 : memref<512x2048xf32, #tpu.memory_space<any>>) target_semaphore(%dma_start3A_69 : memref<!tpu.dma_semaphore, #tpu.memory_space<semaphore_mem>>)
      %dma_start3A_77 = arith.constant 5 : i32
      %dma_start3A_78 = arith.constant 5 : i32
      %dma_start3A_79 = tpu.memref_slice %run_scoped3A_0[%dma_start3A_78] : memref<8x!tpu.dma_semaphore, #tpu.memory_space<semaphore_mem>> -> memref<1x!tpu.dma_semaphore, #tpu.memory_space<semaphore_mem>>
      %dma_start3A_80 = tpu.memref_squeeze %dma_start3A_79 : memref<1x!tpu.dma_semaphore, #tpu.memory_space<semaphore_mem>> -> memref<!tpu.dma_semaphore, #tpu.memory_space<semaphore_mem>>
      %dma_start3A_81 = arith.constant 0 : i32
      %dma_start3A_82 = arith.constant 0 : i32
      %dma_start3A_83 = tpu.memref_slice %run_scoped3A[%dma_start3A_77, %dma_start3A_81, %dma_start3A_82] : memref<8x512x2048xf32, #tpu.memory_space<vmem>> -> memref<1x512x2048xf32, #tpu.memory_space<vmem>>
      %dma_start3A_84 = tpu.memref_squeeze %dma_start3A_83 : memref<1x512x2048xf32, #tpu.memory_space<vmem>> -> memref<512x2048xf32, #tpu.memory_space<vmem>>
      %dma_start3A_85 = arith.constant 2560 : i32
      %dma_start3A_86 = arith.constant 0 : i32
      %dma_start3A_87 = tpu.memref_slice %arg0[%dma_start3A_85, %dma_start3A_86] : memref<16384x2048xf32, #tpu.memory_space<any>> -> memref<512x2048xf32, #tpu.memory_space<any>>
      tpu.enqueue_dma source(%dma_start3A_87 : memref<512x2048xf32, #tpu.memory_space<any>>) target(%dma_start3A_84 : memref<512x2048xf32, #tpu.memory_space<vmem>>) target_semaphore(%dma_start3A_80 : memref<!tpu.dma_semaphore, #tpu.memory_space<semaphore_mem>>)
      %dma_wait3A_88 = arith.constant 1 : i32
      %dma_wait3A_89 = arith.constant 1 : i32
      %dma_wait3A_90 = tpu.memref_slice %run_scoped3A_0[%dma_wait3A_89] : memref<8x!tpu.dma_semaphore, #tpu.memory_space<semaphore_mem>> -> memref<1x!tpu.dma_semaphore, #tpu.memory_space<semaphore_mem>>
      %dma_wait3A_91 = tpu.memref_squeeze %dma_wait3A_90 : memref<1x!tpu.dma_semaphore, #tpu.memory_space<semaphore_mem>> -> memref<!tpu.dma_semaphore, #tpu.memory_space<semaphore_mem>>
      %dma_wait3A_92 = arith.constant 0 : i32
      %dma_wait3A_93 = arith.constant 0 : i32
      %dma_wait3A_94 = tpu.memref_slice %run_scoped3A[%dma_wait3A_88, %dma_wait3A_92, %dma_wait3A_93] : memref<8x512x2048xf32, #tpu.memory_space<vmem>> -> memref<1x512x2048xf32, #tpu.memory_space<vmem>>
      %dma_wait3A_95 = tpu.memref_squeeze %dma_wait3A_94 : memref<1x512x2048xf32, #tpu.memory_space<vmem>> -> memref<512x2048xf32, #tpu.memory_space<vmem>>
      %dma_wait3A_96 = arith.constant 512 : i32
      %dma_wait3A_97 = arith.constant 0 : i32
      %dma_wait3A_98 = tpu.memref_slice %arg0[%dma_wait3A_96, %dma_wait3A_97] : memref<16384x2048xf32, #tpu.memory_space<any>> -> memref<512x2048xf32, #tpu.memory_space<any>>
      tpu.wait_dma2 semaphore(%dma_wait3A_91 : memref<!tpu.dma_semaphore, #tpu.memory_space<semaphore_mem>>) src(%dma_wait3A_98 : memref<512x2048xf32, #tpu.memory_space<any>>) dst(%dma_wait3A_95 : memref<512x2048xf32, #tpu.memory_space<vmem>>)
      %dma_start3A_99 = arith.constant 1 : i32
      %dma_start3A_100 = arith.constant 1 : i32
      %dma_start3A_101 = tpu.memref_slice %run_scoped3A_1[%dma_start3A_100] : memref<8x!tpu.dma_semaphore, #tpu.memory_space<semaphore_mem>> -> memref<1x!tpu.dma_semaphore, #tpu.memory_space<semaphore_mem>>
      %dma_start3A_102 = tpu.memref_squeeze %dma_start3A_101 : memref<1x!tpu.dma_semaphore, #tpu.memory_space<semaphore_mem>> -> memref<!tpu.dma_semaphore, #tpu.memory_space<semaphore_mem>>
      %dma_start3A_103 = arith.constant 512 : i32
      %dma_start3A_104 = arith.constant 0 : i32
      %dma_start3A_105 = tpu.memref_slice %arg1[%dma_start3A_103, %dma_start3A_104] : memref<16384x2048xf32, #tpu.memory_space<any>> -> memref<512x2048xf32, #tpu.memory_space<any>>
      %dma_start3A_106 = arith.constant 0 : i32
      %dma_start3A_107 = arith.constant 0 : i32
      %dma_start3A_108 = tpu.memref_slice %run_scoped3A[%dma_start3A_99, %dma_start3A_106, %dma_start3A_107] : memref<8x512x2048xf32, #tpu.memory_space<vmem>> -> memref<1x512x2048xf32, #tpu.memory_space<vmem>>
      %dma_start3A_109 = tpu.memref_squeeze %dma_start3A_108 : memref<1x512x2048xf32, #tpu.memory_space<vmem>> -> memref<512x2048xf32, #tpu.memory_space<vmem>>
      tpu.enqueue_dma source(%dma_start3A_109 : memref<512x2048xf32, #tpu.memory_space<vmem>>) target(%dma_start3A_105 : memref<512x2048xf32, #tpu.memory_space<any>>) target_semaphore(%dma_start3A_102 : memref<!tpu.dma_semaphore, #tpu.memory_space<semaphore_mem>>)
      %dma_start3A_110 = arith.constant 6 : i32
      %dma_start3A_111 = arith.constant 6 : i32
      %dma_start3A_112 = tpu.memref_slice %run_scoped3A_0[%dma_start3A_111] : memref<8x!tpu.dma_semaphore, #tpu.memory_space<semaphore_mem>> -> memref<1x!tpu.dma_semaphore, #tpu.memory_space<semaphore_mem>>
      %dma_start3A_113 = tpu.memref_squeeze %dma_start3A_112 : memref<1x!tpu.dma_semaphore, #tpu.memory_space<semaphore_mem>> -> memref<!tpu.dma_semaphore, #tpu.memory_space<semaphore_mem>>
      %dma_start3A_114 = arith.constant 0 : i32
      %dma_start3A_115 = arith.constant 0 : i32
      %dma_start3A_116 = tpu.memref_slice %run_scoped3A[%dma_start3A_110, %dma_start3A_114, %dma_start3A_115] : memref<8x512x2048xf32, #tpu.memory_space<vmem>> -> memref<1x512x2048xf32, #tpu.memory_space<vmem>>
      %dma_start3A_117 = tpu.memref_squeeze %dma_start3A_116 : memref<1x512x2048xf32, #tpu.memory_space<vmem>> -> memref<512x2048xf32, #tpu.memory_space<vmem>>
      %dma_start3A_118 = arith.constant 3072 : i32
      %dma_start3A_119 = arith.constant 0 : i32
      %dma_start3A_120 = tpu.memref_slice %arg0[%dma_start3A_118, %dma_start3A_119] : memref<16384x2048xf32, #tpu.memory_space<any>> -> memref<512x2048xf32, #tpu.memory_space<any>>
      tpu.enqueue_dma source(%dma_start3A_120 : memref<512x2048xf32, #tpu.memory_space<any>>) target(%dma_start3A_117 : memref<512x2048xf32, #tpu.memory_space<vmem>>) target_semaphore(%dma_start3A_113 : memref<!tpu.dma_semaphore, #tpu.memory_space<semaphore_mem>>)
      %dma_wait3A_121 = arith.constant 2 : i32
      %dma_wait3A_122 = arith.constant 2 : i32
      %dma_wait3A_123 = tpu.memref_slice %run_scoped3A_0[%dma_wait3A_122] : memref<8x!tpu.dma_semaphore, #tpu.memory_space<semaphore_mem>> -> memref<1x!tpu.dma_semaphore, #tpu.memory_space<semaphore_mem>>
      %dma_wait3A_124 = tpu.memref_squeeze %dma_wait3A_123 : memref<1x!tpu.dma_semaphore, #tpu.memory_space<semaphore_mem>> -> memref<!tpu.dma_semaphore, #tpu.memory_space<semaphore_mem>>
      %dma_wait3A_125 = arith.constant 0 : i32
      %dma_wait3A_126 = arith.constant 0 : i32
      %dma_wait3A_127 = tpu.memref_slice %run_scoped3A[%dma_wait3A_121, %dma_wait3A_125, %dma_wait3A_126] : memref<8x512x2048xf32, #tpu.memory_space<vmem>> -> memref<1x512x2048xf32, #tpu.memory_space<vmem>>
      %dma_wait3A_128 = tpu.memref_squeeze %dma_wait3A_127 : memref<1x512x2048xf32, #tpu.memory_space<vmem>> -> memref<512x2048xf32, #tpu.memory_space<vmem>>
      %dma_wait3A_129 = arith.constant 1024 : i32
      %dma_wait3A_130 = arith.constant 0 : i32
      %dma_wait3A_131 = tpu.memref_slice %arg0[%dma_wait3A_129, %dma_wait3A_130] : memref<16384x2048xf32, #tpu.memory_space<any>> -> memref<512x2048xf32, #tpu.memory_space<any>>
      tpu.wait_dma2 semaphore(%dma_wait3A_124 : memref<!tpu.dma_semaphore, #tpu.memory_space<semaphore_mem>>) src(%dma_wait3A_131 : memref<512x2048xf32, #tpu.memory_space<any>>) dst(%dma_wait3A_128 : memref<512x2048xf32, #tpu.memory_space<vmem>>)
      %dma_start3A_132 = arith.constant 2 : i32
      %dma_start3A_133 = arith.constant 2 : i32
      %dma_start3A_134 = tpu.memref_slice %run_scoped3A_1[%dma_start3A_133] : memref<8x!tpu.dma_semaphore, #tpu.memory_space<semaphore_mem>> -> memref<1x!tpu.dma_semaphore, #tpu.memory_space<semaphore_mem>>
      %dma_start3A_135 = tpu.memref_squeeze %dma_start3A_134 : memref<1x!tpu.dma_semaphore, #tpu.memory_space<semaphore_mem>> -> memref<!tpu.dma_semaphore, #tpu.memory_space<semaphore_mem>>
      %dma_start3A_136 = arith.constant 1024 : i32
      %dma_start3A_137 = arith.constant 0 : i32
      %dma_start3A_138 = tpu.memref_slice %arg1[%dma_start3A_136, %dma_start3A_137] : memref<16384x2048xf32, #tpu.memory_space<any>> -> memref<512x2048xf32, #tpu.memory_space<any>>
      %dma_start3A_139 = arith.constant 0 : i32
      %dma_start3A_140 = arith.constant 0 : i32
      %dma_start3A_141 = tpu.memref_slice %run_scoped3A[%dma_start3A_132, %dma_start3A_139, %dma_start3A_140] : memref<8x512x2048xf32, #tpu.memory_space<vmem>> -> memref<1x512x2048xf32, #tpu.memory_space<vmem>>
      %dma_start3A_142 = tpu.memref_squeeze %dma_start3A_141 : memref<1x512x2048xf32, #tpu.memory_space<vmem>> -> memref<512x2048xf32, #tpu.memory_space<vmem>>
      tpu.enqueue_dma source(%dma_start3A_142 : memref<512x2048xf32, #tpu.memory_space<vmem>>) target(%dma_start3A_138 : memref<512x2048xf32, #tpu.memory_space<any>>) target_semaphore(%dma_start3A_135 : memref<!tpu.dma_semaphore, #tpu.memory_space<semaphore_mem>>)
      %dma_start3A_143 = arith.constant 7 : i32
      %dma_start3A_144 = arith.constant 7 : i32
      %dma_start3A_145 = tpu.memref_slice %run_scoped3A_0[%dma_start3A_144] : memref<8x!tpu.dma_semaphore, #tpu.memory_space<semaphore_mem>> -> memref<1x!tpu.dma_semaphore, #tpu.memory_space<semaphore_mem>>
      %dma_start3A_146 = tpu.memref_squeeze %dma_start3A_145 : memref<1x!tpu.dma_semaphore, #tpu.memory_space<semaphore_mem>> -> memref<!tpu.dma_semaphore, #tpu.memory_space<semaphore_mem>>
      %dma_start3A_147 = arith.constant 0 : i32
      %dma_start3A_148 = arith.constant 0 : i32
      %dma_start3A_149 = tpu.memref_slice %run_scoped3A[%dma_start3A_143, %dma_start3A_147, %dma_start3A_148] : memref<8x512x2048xf32, #tpu.memory_space<vmem>> -> memref<1x512x2048xf32, #tpu.memory_space<vmem>>
      %dma_start3A_150 = tpu.memref_squeeze %dma_start3A_149 : memref<1x512x2048xf32, #tpu.memory_space<vmem>> -> memref<512x2048xf32, #tpu.memory_space<vmem>>
      %dma_start3A_151 = arith.constant 3584 : i32
      %dma_start3A_152 = arith.constant 0 : i32
      %dma_start3A_153 = tpu.memref_slice %arg0[%dma_start3A_151, %dma_start3A_152] : memref<16384x2048xf32, #tpu.memory_space<any>> -> memref<512x2048xf32, #tpu.memory_space<any>>
      tpu.enqueue_dma source(%dma_start3A_153 : memref<512x2048xf32, #tpu.memory_space<any>>) target(%dma_start3A_150 : memref<512x2048xf32, #tpu.memory_space<vmem>>) target_semaphore(%dma_start3A_146 : memref<!tpu.dma_semaphore, #tpu.memory_space<semaphore_mem>>)
      %dma_wait3A_154 = arith.constant 3 : i32
      %dma_wait3A_155 = arith.constant 3 : i32
      %dma_wait3A_156 = tpu.memref_slice %run_scoped3A_0[%dma_wait3A_155] : memref<8x!tpu.dma_semaphore, #tpu.memory_space<semaphore_mem>> -> memref<1x!tpu.dma_semaphore, #tpu.memory_space<semaphore_mem>>
      %dma_wait3A_157 = tpu.memref_squeeze %dma_wait3A_156 : memref<1x!tpu.dma_semaphore, #tpu.memory_space<semaphore_mem>> -> memref<!tpu.dma_semaphore, #tpu.memory_space<semaphore_mem>>
      %dma_wait3A_158 = arith.constant 0 : i32
      %dma_wait3A_159 = arith.constant 0 : i32
      %dma_wait3A_160 = tpu.memref_slice %run_scoped3A[%dma_wait3A_154, %dma_wait3A_158, %dma_wait3A_159] : memref<8x512x2048xf32, #tpu.memory_space<vmem>> -> memref<1x512x2048xf32, #tpu.memory_space<vmem>>
      %dma_wait3A_161 = tpu.memref_squeeze %dma_wait3A_160 : memref<1x512x2048xf32, #tpu.memory_space<vmem>> -> memref<512x2048xf32, #tpu.memory_space<vmem>>
      %dma_wait3A_162 = arith.constant 1536 : i32
      %dma_wait3A_163 = arith.constant 0 : i32
      %dma_wait3A_164 = tpu.memref_slice %arg0[%dma_wait3A_162, %dma_wait3A_163] : memref<16384x2048xf32, #tpu.memory_space<any>> -> memref<512x2048xf32, #tpu.memory_space<any>>
      tpu.wait_dma2 semaphore(%dma_wait3A_157 : memref<!tpu.dma_semaphore, #tpu.memory_space<semaphore_mem>>) src(%dma_wait3A_164 : memref<512x2048xf32, #tpu.memory_space<any>>) dst(%dma_wait3A_161 : memref<512x2048xf32, #tpu.memory_space<vmem>>)
      %dma_start3A_165 = arith.constant 3 : i32
      %dma_start3A_166 = arith.constant 3 : i32
      %dma_start3A_167 = tpu.memref_slice %run_scoped3A_1[%dma_start3A_166] : memref<8x!tpu.dma_semaphore, #tpu.memory_space<semaphore_mem>> -> memref<1x!tpu.dma_semaphore, #tpu.memory_space<semaphore_mem>>
      %dma_start3A_168 = tpu.memref_squeeze %dma_start3A_167 : memref<1x!tpu.dma_semaphore, #tpu.memory_space<semaphore_mem>> -> memref<!tpu.dma_semaphore, #tpu.memory_space<semaphore_mem>>
      %dma_start3A_169 = arith.constant 1536 : i32
      %dma_start3A_170 = arith.constant 0 : i32
      %dma_start3A_171 = tpu.memref_slice %arg1[%dma_start3A_169, %dma_start3A_170] : memref<16384x2048xf32, #tpu.memory_space<any>> -> memref<512x2048xf32, #tpu.memory_space<any>>
      %dma_start3A_172 = arith.constant 0 : i32
      %dma_start3A_173 = arith.constant 0 : i32
      %dma_start3A_174 = tpu.memref_slice %run_scoped3A[%dma_start3A_165, %dma_start3A_172, %dma_start3A_173] : memref<8x512x2048xf32, #tpu.memory_space<vmem>> -> memref<1x512x2048xf32, #tpu.memory_space<vmem>>
      %dma_start3A_175 = tpu.memref_squeeze %dma_start3A_174 : memref<1x512x2048xf32, #tpu.memory_space<vmem>> -> memref<512x2048xf32, #tpu.memory_space<vmem>>
      tpu.enqueue_dma source(%dma_start3A_175 : memref<512x2048xf32, #tpu.memory_space<vmem>>) target(%dma_start3A_171 : memref<512x2048xf32, #tpu.memory_space<any>>) target_semaphore(%dma_start3A_168 : memref<!tpu.dma_semaphore, #tpu.memory_space<semaphore_mem>>)
      %dma_wait3A_176 = arith.constant 0 : i32
      %dma_wait3A_177 = arith.constant 0 : i32
      %dma_wait3A_178 = tpu.memref_slice %run_scoped3A_1[%dma_wait3A_177] : memref<8x!tpu.dma_semaphore, #tpu.memory_space<semaphore_mem>> -> memref<1x!tpu.dma_semaphore, #tpu.memory_space<semaphore_mem>>
      %dma_wait3A_179 = tpu.memref_squeeze %dma_wait3A_178 : memref<1x!tpu.dma_semaphore, #tpu.memory_space<semaphore_mem>> -> memref<!tpu.dma_semaphore, #tpu.memory_space<semaphore_mem>>
      %dma_wait3A_180 = arith.constant 0 : i32
      %dma_wait3A_181 = arith.constant 0 : i32
      %dma_wait3A_182 = tpu.memref_slice %arg1[%dma_wait3A_180, %dma_wait3A_181] : memref<16384x2048xf32, #tpu.memory_space<any>> -> memref<512x2048xf32, #tpu.memory_space<any>>
      %dma_wait3A_183 = arith.constant 0 : i32
      %dma_wait3A_184 = arith.constant 0 : i32
      %dma_wait3A_185 = tpu.memref_slice %run_scoped3A[%dma_wait3A_176, %dma_wait3A_183, %dma_wait3A_184] : memref<8x512x2048xf32, #tpu.memory_space<vmem>> -> memref<1x512x2048xf32, #tpu.memory_space<vmem>>
      %dma_wait3A_186 = tpu.memref_squeeze %dma_wait3A_185 : memref<1x512x2048xf32, #tpu.memory_space<vmem>> -> memref<512x2048xf32, #tpu.memory_space<vmem>>
      tpu.wait_dma2 semaphore(%dma_wait3A_179 : memref<!tpu.dma_semaphore, #tpu.memory_space<semaphore_mem>>) src(%dma_wait3A_186 : memref<512x2048xf32, #tpu.memory_space<vmem>>) dst(%dma_wait3A_182 : memref<512x2048xf32, #tpu.memory_space<any>>)
      %dma_start3A_187 = arith.constant 0 : i32
      %dma_start3A_188 = arith.constant 0 : i32
      %dma_start3A_189 = tpu.memref_slice %run_scoped3A_0[%dma_start3A_188] : memref<8x!tpu.dma_semaphore, #tpu.memory_space<semaphore_mem>> -> memref<1x!tpu.dma_semaphore, #tpu.memory_space<semaphore_mem>>
      %dma_start3A_190 = tpu.memref_squeeze %dma_start3A_189 : memref<1x!tpu.dma_semaphore, #tpu.memory_space<semaphore_mem>> -> memref<!tpu.dma_semaphore, #tpu.memory_space<semaphore_mem>>
      %dma_start3A_191 = arith.constant 0 : i32
      %dma_start3A_192 = arith.constant 0 : i32
      %dma_start3A_193 = tpu.memref_slice %run_scoped3A[%dma_start3A_187, %dma_start3A_191, %dma_start3A_192] : memref<8x512x2048xf32, #tpu.memory_space<vmem>> -> memref<1x512x2048xf32, #tpu.memory_space<vmem>>
      %dma_start3A_194 = tpu.memref_squeeze %dma_start3A_193 : memref<1x512x2048xf32, #tpu.memory_space<vmem>> -> memref<512x2048xf32, #tpu.memory_space<vmem>>
      %dma_start3A_195 = arith.constant 4096 : i32
      %dma_start3A_196 = arith.constant 0 : i32
      %dma_start3A_197 = tpu.memref_slice %arg0[%dma_start3A_195, %dma_start3A_196] : memref<16384x2048xf32, #tpu.memory_space<any>> -> memref<512x2048xf32, #tpu.memory_space<any>>
      tpu.enqueue_dma source(%dma_start3A_197 : memref<512x2048xf32, #tpu.memory_space<any>>) target(%dma_start3A_194 : memref<512x2048xf32, #tpu.memory_space<vmem>>) target_semaphore(%dma_start3A_190 : memref<!tpu.dma_semaphore, #tpu.memory_space<semaphore_mem>>)
      %dma_wait3A_198 = arith.constant 4 : i32
      %dma_wait3A_199 = arith.constant 4 : i32
      %dma_wait3A_200 = tpu.memref_slice %run_scoped3A_0[%dma_wait3A_199] : memref<8x!tpu.dma_semaphore, #tpu.memory_space<semaphore_mem>> -> memref<1x!tpu.dma_semaphore, #tpu.memory_space<semaphore_mem>>
      %dma_wait3A_201 = tpu.memref_squeeze %dma_wait3A_200 : memref<1x!tpu.dma_semaphore, #tpu.memory_space<semaphore_mem>> -> memref<!tpu.dma_semaphore, #tpu.memory_space<semaphore_mem>>
      %dma_wait3A_202 = arith.constant 0 : i32
      %dma_wait3A_203 = arith.constant 0 : i32
      %dma_wait3A_204 = tpu.memref_slice %run_scoped3A[%dma_wait3A_198, %dma_wait3A_202, %dma_wait3A_203] : memref<8x512x2048xf32, #tpu.memory_space<vmem>> -> memref<1x512x2048xf32, #tpu.memory_space<vmem>>
      %dma_wait3A_205 = tpu.memref_squeeze %dma_wait3A_204 : memref<1x512x2048xf32, #tpu.memory_space<vmem>> -> memref<512x2048xf32, #tpu.memory_space<vmem>>
      %dma_wait3A_206 = arith.constant 2048 : i32
      %dma_wait3A_207 = arith.constant 0 : i32
      %dma_wait3A_208 = tpu.memref_slice %arg0[%dma_wait3A_206, %dma_wait3A_207] : memref<16384x2048xf32, #tpu.memory_space<any>> -> memref<512x2048xf32, #tpu.memory_space<any>>
      tpu.wait_dma2 semaphore(%dma_wait3A_201 : memref<!tpu.dma_semaphore, #tpu.memory_space<semaphore_mem>>) src(%dma_wait3A_208 : memref<512x2048xf32, #tpu.memory_space<any>>) dst(%dma_wait3A_205 : memref<512x2048xf32, #tpu.memory_space<vmem>>)
      %dma_start3A_209 = arith.constant 4 : i32
      %dma_start3A_210 = arith.constant 4 : i32
      %dma_start3A_211 = tpu.memref_slice %run_scoped3A_1[%dma_start3A_210] : memref<8x!tpu.dma_semaphore, #tpu.memory_space<semaphore_mem>> -> memref<1x!tpu.dma_semaphore, #tpu.memory_space<semaphore_mem>>
      %dma_start3A_212 = tpu.memref_squeeze %dma_start3A_211 : memref<1x!tpu.dma_semaphore, #tpu.memory_space<semaphore_mem>> -> memref<!tpu.dma_semaphore, #tpu.memory_space<semaphore_mem>>
      %dma_start3A_213 = arith.constant 2048 : i32
      %dma_start3A_214 = arith.constant 0 : i32
      %dma_start3A_215 = tpu.memref_slice %arg1[%dma_start3A_213, %dma_start3A_214] : memref<16384x2048xf32, #tpu.memory_space<any>> -> memref<512x2048xf32, #tpu.memory_space<any>>
      %dma_start3A_216 = arith.constant 0 : i32
      %dma_start3A_217 = arith.constant 0 : i32
      %dma_start3A_218 = tpu.memref_slice %run_scoped3A[%dma_start3A_209, %dma_start3A_216, %dma_start3A_217] : memref<8x512x2048xf32, #tpu.memory_space<vmem>> -> memref<1x512x2048xf32, #tpu.memory_space<vmem>>
      %dma_start3A_219 = tpu.memref_squeeze %dma_start3A_218 : memref<1x512x2048xf32, #tpu.memory_space<vmem>> -> memref<512x2048xf32, #tpu.memory_space<vmem>>
      tpu.enqueue_dma source(%dma_start3A_219 : memref<512x2048xf32, #tpu.memory_space<vmem>>) target(%dma_start3A_215 : memref<512x2048xf32, #tpu.memory_space<any>>) target_semaphore(%dma_start3A_212 : memref<!tpu.dma_semaphore, #tpu.memory_space<semaphore_mem>>)
      %dma_wait3A_220 = arith.constant 1 : i32
      %dma_wait3A_221 = arith.constant 1 : i32
      %dma_wait3A_222 = tpu.memref_slice %run_scoped3A_1[%dma_wait3A_221] : memref<8x!tpu.dma_semaphore, #tpu.memory_space<semaphore_mem>> -> memref<1x!tpu.dma_semaphore, #tpu.memory_space<semaphore_mem>>
      %dma_wait3A_223 = tpu.memref_squeeze %dma_wait3A_222 : memref<1x!tpu.dma_semaphore, #tpu.memory_space<semaphore_mem>> -> memref<!tpu.dma_semaphore, #tpu.memory_space<semaphore_mem>>
      %dma_wait3A_224 = arith.constant 512 : i32
      %dma_wait3A_225 = arith.constant 0 : i32
      %dma_wait3A_226 = tpu.memref_slice %arg1[%dma_wait3A_224, %dma_wait3A_225] : memref<16384x2048xf32, #tpu.memory_space<any>> -> memref<512x2048xf32, #tpu.memory_space<any>>
      %dma_wait3A_227 = arith.constant 0 : i32
      %dma_wait3A_228 = arith.constant 0 : i32
      %dma_wait3A_229 = tpu.memref_slice %run_scoped3A[%dma_wait3A_220, %dma_wait3A_227, %dma_wait3A_228] : memref<8x512x2048xf32, #tpu.memory_space<vmem>> -> memref<1x512x2048xf32, #tpu.memory_space<vmem>>
      %dma_wait3A_230 = tpu.memref_squeeze %dma_wait3A_229 : memref<1x512x2048xf32, #tpu.memory_space<vmem>> -> memref<512x2048xf32, #tpu.memory_space<vmem>>
      tpu.wait_dma2 semaphore(%dma_wait3A_223 : memref<!tpu.dma_semaphore, #tpu.memory_space<semaphore_mem>>) src(%dma_wait3A_230 : memref<512x2048xf32, #tpu.memory_space<vmem>>) dst(%dma_wait3A_226 : memref<512x2048xf32, #tpu.memory_space<any>>)
      %dma_start3A_231 = arith.constant 1 : i32
      %dma_start3A_232 = arith.constant 1 : i32
      %dma_start3A_233 = tpu.memref_slice %run_scoped3A_0[%dma_start3A_232] : memref<8x!tpu.dma_semaphore, #tpu.memory_space<semaphore_mem>> -> memref<1x!tpu.dma_semaphore, #tpu.memory_space<semaphore_mem>>
      %dma_start3A_234 = tpu.memref_squeeze %dma_start3A_233 : memref<1x!tpu.dma_semaphore, #tpu.memory_space<semaphore_mem>> -> memref<!tpu.dma_semaphore, #tpu.memory_space<semaphore_mem>>
      %dma_start3A_235 = arith.constant 0 : i32
      %dma_start3A_236 = arith.constant 0 : i32
      %dma_start3A_237 = tpu.memref_slice %run_scoped3A[%dma_start3A_231, %dma_start3A_235, %dma_start3A_236] : memref<8x512x2048xf32, #tpu.memory_space<vmem>> -> memref<1x512x2048xf32, #tpu.memory_space<vmem>>
      %dma_start3A_238 = tpu.memref_squeeze %dma_start3A_237 : memref<1x512x2048xf32, #tpu.memory_space<vmem>> -> memref<512x2048xf32, #tpu.memory_space<vmem>>
      %dma_start3A_239 = arith.constant 4608 : i32
      %dma_start3A_240 = arith.constant 0 : i32
      %dma_start3A_241 = tpu.memref_slice %arg0[%dma_start3A_239, %dma_start3A_240] : memref<16384x2048xf32, #tpu.memory_space<any>> -> memref<512x2048xf32, #tpu.memory_space<any>>
      tpu.enqueue_dma source(%dma_start3A_241 : memref<512x2048xf32, #tpu.memory_space<any>>) target(%dma_start3A_238 : memref<512x2048xf32, #tpu.memory_space<vmem>>) target_semaphore(%dma_start3A_234 : memref<!tpu.dma_semaphore, #tpu.memory_space<semaphore_mem>>)
      %dma_wait3A_242 = arith.constant 5 : i32
      %dma_wait3A_243 = arith.constant 5 : i32
      %dma_wait3A_244 = tpu.memref_slice %run_scoped3A_0[%dma_wait3A_243] : memref<8x!tpu.dma_semaphore, #tpu.memory_space<semaphore_mem>> -> memref<1x!tpu.dma_semaphore, #tpu.memory_space<semaphore_mem>>
      %dma_wait3A_245 = tpu.memref_squeeze %dma_wait3A_244 : memref<1x!tpu.dma_semaphore, #tpu.memory_space<semaphore_mem>> -> memref<!tpu.dma_semaphore, #tpu.memory_space<semaphore_mem>>
      %dma_wait3A_246 = arith.constant 0 : i32
      %dma_wait3A_247 = arith.constant 0 : i32
      %dma_wait3A_248 = tpu.memref_slice %run_scoped3A[%dma_wait3A_242, %dma_wait3A_246, %dma_wait3A_247] : memref<8x512x2048xf32, #tpu.memory_space<vmem>> -> memref<1x512x2048xf32, #tpu.memory_space<vmem>>
      %dma_wait3A_249 = tpu.memref_squeeze %dma_wait3A_248 : memref<1x512x2048xf32, #tpu.memory_space<vmem>> -> memref<512x2048xf32, #tpu.memory_space<vmem>>
      %dma_wait3A_250 = arith.constant 2560 : i32
      %dma_wait3A_251 = arith.constant 0 : i32
      %dma_wait3A_252 = tpu.memref_slice %arg0[%dma_wait3A_250, %dma_wait3A_251] : memref<16384x2048xf32, #tpu.memory_space<any>> -> memref<512x2048xf32, #tpu.memory_space<any>>
      tpu.wait_dma2 semaphore(%dma_wait3A_245 : memref<!tpu.dma_semaphore, #tpu.memory_space<semaphore_mem>>) src(%dma_wait3A_252 : memref<512x2048xf32, #tpu.memory_space<any>>) dst(%dma_wait3A_249 : memref<512x2048xf32, #tpu.memory_space<vmem>>)
      %dma_start3A_253 = arith.constant 5 : i32
      %dma_start3A_254 = arith.constant 5 : i32
      %dma_start3A_255 = tpu.memref_slice %run_scoped3A_1[%dma_start3A_254] : memref<8x!tpu.dma_semaphore, #tpu.memory_space<semaphore_mem>> -> memref<1x!tpu.dma_semaphore, #tpu.memory_space<semaphore_mem>>
      %dma_start3A_256 = tpu.memref_squeeze %dma_start3A_255 : memref<1x!tpu.dma_semaphore, #tpu.memory_space<semaphore_mem>> -> memref<!tpu.dma_semaphore, #tpu.memory_space<semaphore_mem>>
      %dma_start3A_257 = arith.constant 2560 : i32
      %dma_start3A_258 = arith.constant 0 : i32
      %dma_start3A_259 = tpu.memref_slice %arg1[%dma_start3A_257, %dma_start3A_258] : memref<16384x2048xf32, #tpu.memory_space<any>> -> memref<512x2048xf32, #tpu.memory_space<any>>
      %dma_start3A_260 = arith.constant 0 : i32
      %dma_start3A_261 = arith.constant 0 : i32
      %dma_start3A_262 = tpu.memref_slice %run_scoped3A[%dma_start3A_253, %dma_start3A_260, %dma_start3A_261] : memref<8x512x2048xf32, #tpu.memory_space<vmem>> -> memref<1x512x2048xf32, #tpu.memory_space<vmem>>
      %dma_start3A_263 = tpu.memref_squeeze %dma_start3A_262 : memref<1x512x2048xf32, #tpu.memory_space<vmem>> -> memref<512x2048xf32, #tpu.memory_space<vmem>>
      tpu.enqueue_dma source(%dma_start3A_263 : memref<512x2048xf32, #tpu.memory_space<vmem>>) target(%dma_start3A_259 : memref<512x2048xf32, #tpu.memory_space<any>>) target_semaphore(%dma_start3A_256 : memref<!tpu.dma_semaphore, #tpu.memory_space<semaphore_mem>>)
      %dma_wait3A_264 = arith.constant 2 : i32
      %dma_wait3A_265 = arith.constant 2 : i32
      %dma_wait3A_266 = tpu.memref_slice %run_scoped3A_1[%dma_wait3A_265] : memref<8x!tpu.dma_semaphore, #tpu.memory_space<semaphore_mem>> -> memref<1x!tpu.dma_semaphore, #tpu.memory_space<semaphore_mem>>
      %dma_wait3A_267 = tpu.memref_squeeze %dma_wait3A_266 : memref<1x!tpu.dma_semaphore, #tpu.memory_space<semaphore_mem>> -> memref<!tpu.dma_semaphore, #tpu.memory_space<semaphore_mem>>
      %dma_wait3A_268 = arith.constant 1024 : i32
      %dma_wait3A_269 = arith.constant 0 : i32
      %dma_wait3A_270 = tpu.memref_slice %arg1[%dma_wait3A_268, %dma_wait3A_269] : memref<16384x2048xf32, #tpu.memory_space<any>> -> memref<512x2048xf32, #tpu.memory_space<any>>
      %dma_wait3A_271 = arith.constant 0 : i32
      %dma_wait3A_272 = arith.constant 0 : i32
      %dma_wait3A_273 = tpu.memref_slice %run_scoped3A[%dma_wait3A_264, %dma_wait3A_271, %dma_wait3A_272] : memref<8x512x2048xf32, #tpu.memory_space<vmem>> -> memref<1x512x2048xf32, #tpu.memory_space<vmem>>
      %dma_wait3A_274 = tpu.memref_squeeze %dma_wait3A_273 : memref<1x512x2048xf32, #tpu.memory_space<vmem>> -> memref<512x2048xf32, #tpu.memory_space<vmem>>
      tpu.wait_dma2 semaphore(%dma_wait3A_267 : memref<!tpu.dma_semaphore, #tpu.memory_space<semaphore_mem>>) src(%dma_wait3A_274 : memref<512x2048xf32, #tpu.memory_space<vmem>>) dst(%dma_wait3A_270 : memref<512x2048xf32, #tpu.memory_space<any>>)
      %dma_start3A_275 = arith.constant 2 : i32
      %dma_start3A_276 = arith.constant 2 : i32
      %dma_start3A_277 = tpu.memref_slice %run_scoped3A_0[%dma_start3A_276] : memref<8x!tpu.dma_semaphore, #tpu.memory_space<semaphore_mem>> -> memref<1x!tpu.dma_semaphore, #tpu.memory_space<semaphore_mem>>
      %dma_start3A_278 = tpu.memref_squeeze %dma_start3A_277 : memref<1x!tpu.dma_semaphore, #tpu.memory_space<semaphore_mem>> -> memref<!tpu.dma_semaphore, #tpu.memory_space<semaphore_mem>>
      %dma_start3A_279 = arith.constant 0 : i32
      %dma_start3A_280 = arith.constant 0 : i32
      %dma_start3A_281 = tpu.memref_slice %run_scoped3A[%dma_start3A_275, %dma_start3A_279, %dma_start3A_280] : memref<8x512x2048xf32, #tpu.memory_space<vmem>> -> memref<1x512x2048xf32, #tpu.memory_space<vmem>>
      %dma_start3A_282 = tpu.memref_squeeze %dma_start3A_281 : memref<1x512x2048xf32, #tpu.memory_space<vmem>> -> memref<512x2048xf32, #tpu.memory_space<vmem>>
      %dma_start3A_283 = arith.constant 5120 : i32
      %dma_start3A_284 = arith.constant 0 : i32
      %dma_start3A_285 = tpu.memref_slice %arg0[%dma_start3A_283, %dma_start3A_284] : memref<16384x2048xf32, #tpu.memory_space<any>> -> memref<512x2048xf32, #tpu.memory_space<any>>
      tpu.enqueue_dma source(%dma_start3A_285 : memref<512x2048xf32, #tpu.memory_space<any>>) target(%dma_start3A_282 : memref<512x2048xf32, #tpu.memory_space<vmem>>) target_semaphore(%dma_start3A_278 : memref<!tpu.dma_semaphore, #tpu.memory_space<semaphore_mem>>)
      %dma_wait3A_286 = arith.constant 6 : i32
      %dma_wait3A_287 = arith.constant 6 : i32
      %dma_wait3A_288 = tpu.memref_slice %run_scoped3A_0[%dma_wait3A_287] : memref<8x!tpu.dma_semaphore, #tpu.memory_space<semaphore_mem>> -> memref<1x!tpu.dma_semaphore, #tpu.memory_space<semaphore_mem>>
      %dma_wait3A_289 = tpu.memref_squeeze %dma_wait3A_288 : memref<1x!tpu.dma_semaphore, #tpu.memory_space<semaphore_mem>> -> memref<!tpu.dma_semaphore, #tpu.memory_space<semaphore_mem>>
      %dma_wait3A_290 = arith.constant 0 : i32
      %dma_wait3A_291 = arith.constant 0 : i32
      %dma_wait3A_292 = tpu.memref_slice %run_scoped3A[%dma_wait3A_286, %dma_wait3A_290, %dma_wait3A_291] : memref<8x512x2048xf32, #tpu.memory_space<vmem>> -> memref<1x512x2048xf32, #tpu.memory_space<vmem>>
      %dma_wait3A_293 = tpu.memref_squeeze %dma_wait3A_292 : memref<1x512x2048xf32, #tpu.memory_space<vmem>> -> memref<512x2048xf32, #tpu.memory_space<vmem>>
      %dma_wait3A_294 = arith.constant 3072 : i32
      %dma_wait3A_295 = arith.constant 0 : i32
      %dma_wait3A_296 = tpu.memref_slice %arg0[%dma_wait3A_294, %dma_wait3A_295] : memref<16384x2048xf32, #tpu.memory_space<any>> -> memref<512x2048xf32, #tpu.memory_space<any>>
      tpu.wait_dma2 semaphore(%dma_wait3A_289 : memref<!tpu.dma_semaphore, #tpu.memory_space<semaphore_mem>>) src(%dma_wait3A_296 : memref<512x2048xf32, #tpu.memory_space<any>>) dst(%dma_wait3A_293 : memref<512x2048xf32, #tpu.memory_space<vmem>>)
      %dma_start3A_297 = arith.constant 6 : i32
      %dma_start3A_298 = arith.constant 6 : i32
      %dma_start3A_299 = tpu.memref_slice %run_scoped3A_1[%dma_start3A_298] : memref<8x!tpu.dma_semaphore, #tpu.memory_space<semaphore_mem>> -> memref<1x!tpu.dma_semaphore, #tpu.memory_space<semaphore_mem>>
      %dma_start3A_300 = tpu.memref_squeeze %dma_start3A_299 : memref<1x!tpu.dma_semaphore, #tpu.memory_space<semaphore_mem>> -> memref<!tpu.dma_semaphore, #tpu.memory_space<semaphore_mem>>
      %dma_start3A_301 = arith.constant 3072 : i32
      %dma_start3A_302 = arith.constant 0 : i32
      %dma_start3A_303 = tpu.memref_slice %arg1[%dma_start3A_301, %dma_start3A_302] : memref<16384x2048xf32, #tpu.memory_space<any>> -> memref<512x2048xf32, #tpu.memory_space<any>>
      %dma_start3A_304 = arith.constant 0 : i32
      %dma_start3A_305 = arith.constant 0 : i32
      %dma_start3A_306 = tpu.memref_slice %run_scoped3A[%dma_start3A_297, %dma_start3A_304, %dma_start3A_305] : memref<8x512x2048xf32, #tpu.memory_space<vmem>> -> memref<1x512x2048xf32, #tpu.memory_space<vmem>>
      %dma_start3A_307 = tpu.memref_squeeze %dma_start3A_306 : memref<1x512x2048xf32, #tpu.memory_space<vmem>> -> memref<512x2048xf32, #tpu.memory_space<vmem>>
      tpu.enqueue_dma source(%dma_start3A_307 : memref<512x2048xf32, #tpu.memory_space<vmem>>) target(%dma_start3A_303 : memref<512x2048xf32, #tpu.memory_space<any>>) target_semaphore(%dma_start3A_300 : memref<!tpu.dma_semaphore, #tpu.memory_space<semaphore_mem>>)
      %dma_wait3A_308 = arith.constant 3 : i32
      %dma_wait3A_309 = arith.constant 3 : i32
      %dma_wait3A_310 = tpu.memref_slice %run_scoped3A_1[%dma_wait3A_309] : memref<8x!tpu.dma_semaphore, #tpu.memory_space<semaphore_mem>> -> memref<1x!tpu.dma_semaphore, #tpu.memory_space<semaphore_mem>>
      %dma_wait3A_311 = tpu.memref_squeeze %dma_wait3A_310 : memref<1x!tpu.dma_semaphore, #tpu.memory_space<semaphore_mem>> -> memref<!tpu.dma_semaphore, #tpu.memory_space<semaphore_mem>>
      %dma_wait3A_312 = arith.constant 1536 : i32
      %dma_wait3A_313 = arith.constant 0 : i32
      %dma_wait3A_314 = tpu.memref_slice %arg1[%dma_wait3A_312, %dma_wait3A_313] : memref<16384x2048xf32, #tpu.memory_space<any>> -> memref<512x2048xf32, #tpu.memory_space<any>>
      %dma_wait3A_315 = arith.constant 0 : i32
      %dma_wait3A_316 = arith.constant 0 : i32
      %dma_wait3A_317 = tpu.memref_slice %run_scoped3A[%dma_wait3A_308, %dma_wait3A_315, %dma_wait3A_316] : memref<8x512x2048xf32, #tpu.memory_space<vmem>> -> memref<1x512x2048xf32, #tpu.memory_space<vmem>>
      %dma_wait3A_318 = tpu.memref_squeeze %dma_wait3A_317 : memref<1x512x2048xf32, #tpu.memory_space<vmem>> -> memref<512x2048xf32, #tpu.memory_space<vmem>>
      tpu.wait_dma2 semaphore(%dma_wait3A_311 : memref<!tpu.dma_semaphore, #tpu.memory_space<semaphore_mem>>) src(%dma_wait3A_318 : memref<512x2048xf32, #tpu.memory_space<vmem>>) dst(%dma_wait3A_314 : memref<512x2048xf32, #tpu.memory_space<any>>)
      %dma_start3A_319 = arith.constant 3 : i32
      %dma_start3A_320 = arith.constant 3 : i32
      %dma_start3A_321 = tpu.memref_slice %run_scoped3A_0[%dma_start3A_320] : memref<8x!tpu.dma_semaphore, #tpu.memory_space<semaphore_mem>> -> memref<1x!tpu.dma_semaphore, #tpu.memory_space<semaphore_mem>>
      %dma_start3A_322 = tpu.memref_squeeze %dma_start3A_321 : memref<1x!tpu.dma_semaphore, #tpu.memory_space<semaphore_mem>> -> memref<!tpu.dma_semaphore, #tpu.memory_space<semaphore_mem>>
      %dma_start3A_323 = arith.constant 0 : i32
      %dma_start3A_324 = arith.constant 0 : i32
      %dma_start3A_325 = tpu.memref_slice %run_scoped3A[%dma_start3A_319, %dma_start3A_323, %dma_start3A_324] : memref<8x512x2048xf32, #tpu.memory_space<vmem>> -> memref<1x512x2048xf32, #tpu.memory_space<vmem>>
      %dma_start3A_326 = tpu.memref_squeeze %dma_start3A_325 : memref<1x512x2048xf32, #tpu.memory_space<vmem>> -> memref<512x2048xf32, #tpu.memory_space<vmem>>
      %dma_start3A_327 = arith.constant 5632 : i32
      %dma_start3A_328 = arith.constant 0 : i32
      %dma_start3A_329 = tpu.memref_slice %arg0[%dma_start3A_327, %dma_start3A_328] : memref<16384x2048xf32, #tpu.memory_space<any>> -> memref<512x2048xf32, #tpu.memory_space<any>>
      tpu.enqueue_dma source(%dma_start3A_329 : memref<512x2048xf32, #tpu.memory_space<any>>) target(%dma_start3A_326 : memref<512x2048xf32, #tpu.memory_space<vmem>>) target_semaphore(%dma_start3A_322 : memref<!tpu.dma_semaphore, #tpu.memory_space<semaphore_mem>>)
      %dma_wait3A_330 = arith.constant 7 : i32
      %dma_wait3A_331 = arith.constant 7 : i32
      %dma_wait3A_332 = tpu.memref_slice %run_scoped3A_0[%dma_wait3A_331] : memref<8x!tpu.dma_semaphore, #tpu.memory_space<semaphore_mem>> -> memref<1x!tpu.dma_semaphore, #tpu.memory_space<semaphore_mem>>
      %dma_wait3A_333 = tpu.memref_squeeze %dma_wait3A_332 : memref<1x!tpu.dma_semaphore, #tpu.memory_space<semaphore_mem>> -> memref<!tpu.dma_semaphore, #tpu.memory_space<semaphore_mem>>
      %dma_wait3A_334 = arith.constant 0 : i32
      %dma_wait3A_335 = arith.constant 0 : i32
      %dma_wait3A_336 = tpu.memref_slice %run_scoped3A[%dma_wait3A_330, %dma_wait3A_334, %dma_wait3A_335] : memref<8x512x2048xf32, #tpu.memory_space<vmem>> -> memref<1x512x2048xf32, #tpu.memory_space<vmem>>
      %dma_wait3A_337 = tpu.memref_squeeze %dma_wait3A_336 : memref<1x512x2048xf32, #tpu.memory_space<vmem>> -> memref<512x2048xf32, #tpu.memory_space<vmem>>
      %dma_wait3A_338 = arith.constant 3584 : i32
      %dma_wait3A_339 = arith.constant 0 : i32
      %dma_wait3A_340 = tpu.memref_slice %arg0[%dma_wait3A_338, %dma_wait3A_339] : memref<16384x2048xf32, #tpu.memory_space<any>> -> memref<512x2048xf32, #tpu.memory_space<any>>
      tpu.wait_dma2 semaphore(%dma_wait3A_333 : memref<!tpu.dma_semaphore, #tpu.memory_space<semaphore_mem>>) src(%dma_wait3A_340 : memref<512x2048xf32, #tpu.memory_space<any>>) dst(%dma_wait3A_337 : memref<512x2048xf32, #tpu.memory_space<vmem>>)
      %dma_start3A_341 = arith.constant 7 : i32
      %dma_start3A_342 = arith.constant 7 : i32
      %dma_start3A_343 = tpu.memref_slice %run_scoped3A_1[%dma_start3A_342] : memref<8x!tpu.dma_semaphore, #tpu.memory_space<semaphore_mem>> -> memref<1x!tpu.dma_semaphore, #tpu.memory_space<semaphore_mem>>
      %dma_start3A_344 = tpu.memref_squeeze %dma_start3A_343 : memref<1x!tpu.dma_semaphore, #tpu.memory_space<semaphore_mem>> -> memref<!tpu.dma_semaphore, #tpu.memory_space<semaphore_mem>>
      %dma_start3A_345 = arith.constant 3584 : i32
      %dma_start3A_346 = arith.constant 0 : i32
      %dma_start3A_347 = tpu.memref_slice %arg1[%dma_start3A_345, %dma_start3A_346] : memref<16384x2048xf32, #tpu.memory_space<any>> -> memref<512x2048xf32, #tpu.memory_space<any>>
      %dma_start3A_348 = arith.constant 0 : i32
      %dma_start3A_349 = arith.constant 0 : i32
      %dma_start3A_350 = tpu.memref_slice %run_scoped3A[%dma_start3A_341, %dma_start3A_348, %dma_start3A_349] : memref<8x512x2048xf32, #tpu.memory_space<vmem>> -> memref<1x512x2048xf32, #tpu.memory_space<vmem>>
      %dma_start3A_351 = tpu.memref_squeeze %dma_start3A_350 : memref<1x512x2048xf32, #tpu.memory_space<vmem>> -> memref<512x2048xf32, #tpu.memory_space<vmem>>
      tpu.enqueue_dma source(%dma_start3A_351 : memref<512x2048xf32, #tpu.memory_space<vmem>>) target(%dma_start3A_347 : memref<512x2048xf32, #tpu.memory_space<any>>) target_semaphore(%dma_start3A_344 : memref<!tpu.dma_semaphore, #tpu.memory_space<semaphore_mem>>)
      %dma_wait3A_352 = arith.constant 4 : i32
      %dma_wait3A_353 = arith.constant 4 : i32
      %dma_wait3A_354 = tpu.memref_slice %run_scoped3A_1[%dma_wait3A_353] : memref<8x!tpu.dma_semaphore, #tpu.memory_space<semaphore_mem>> -> memref<1x!tpu.dma_semaphore, #tpu.memory_space<semaphore_mem>>
      %dma_wait3A_355 = tpu.memref_squeeze %dma_wait3A_354 : memref<1x!tpu.dma_semaphore, #tpu.memory_space<semaphore_mem>> -> memref<!tpu.dma_semaphore, #tpu.memory_space<semaphore_mem>>
      %dma_wait3A_356 = arith.constant 2048 : i32
      %dma_wait3A_357 = arith.constant 0 : i32
      %dma_wait3A_358 = tpu.memref_slice %arg1[%dma_wait3A_356, %dma_wait3A_357] : memref<16384x2048xf32, #tpu.memory_space<any>> -> memref<512x2048xf32, #tpu.memory_space<any>>
      %dma_wait3A_359 = arith.constant 0 : i32
      %dma_wait3A_360 = arith.constant 0 : i32
      %dma_wait3A_361 = tpu.memref_slice %run_scoped3A[%dma_wait3A_352, %dma_wait3A_359, %dma_wait3A_360] : memref<8x512x2048xf32, #tpu.memory_space<vmem>> -> memref<1x512x2048xf32, #tpu.memory_space<vmem>>
      %dma_wait3A_362 = tpu.memref_squeeze %dma_wait3A_361 : memref<1x512x2048xf32, #tpu.memory_space<vmem>> -> memref<512x2048xf32, #tpu.memory_space<vmem>>
      tpu.wait_dma2 semaphore(%dma_wait3A_355 : memref<!tpu.dma_semaphore, #tpu.memory_space<semaphore_mem>>) src(%dma_wait3A_362 : memref<512x2048xf32, #tpu.memory_space<vmem>>) dst(%dma_wait3A_358 : memref<512x2048xf32, #tpu.memory_space<any>>)
      %dma_start3A_363 = arith.constant 4 : i32
      %dma_start3A_364 = arith.constant 4 : i32
      %dma_start3A_365 = tpu.memref_slice %run_scoped3A_0[%dma_start3A_364] : memref<8x!tpu.dma_semaphore, #tpu.memory_space<semaphore_mem>> -> memref<1x!tpu.dma_semaphore, #tpu.memory_space<semaphore_mem>>
      %dma_start3A_366 = tpu.memref_squeeze %dma_start3A_365 : memref<1x!tpu.dma_semaphore, #tpu.memory_space<semaphore_mem>> -> memref<!tpu.dma_semaphore, #tpu.memory_space<semaphore_mem>>
      %dma_start3A_367 = arith.constant 0 : i32
      %dma_start3A_368 = arith.constant 0 : i32
      %dma_start3A_369 = tpu.memref_slice %run_scoped3A[%dma_start3A_363, %dma_start3A_367, %dma_start3A_368] : memref<8x512x2048xf32, #tpu.memory_space<vmem>> -> memref<1x512x2048xf32, #tpu.memory_space<vmem>>
      %dma_start3A_370 = tpu.memref_squeeze %dma_start3A_369 : memref<1x512x2048xf32, #tpu.memory_space<vmem>> -> memref<512x2048xf32, #tpu.memory_space<vmem>>
      %dma_start3A_371 = arith.constant 6144 : i32
      %dma_start3A_372 = arith.constant 0 : i32
      %dma_start3A_373 = tpu.memref_slice %arg0[%dma_start3A_371, %dma_start3A_372] : memref<16384x2048xf32, #tpu.memory_space<any>> -> memref<512x2048xf32, #tpu.memory_space<any>>
      tpu.enqueue_dma source(%dma_start3A_373 : memref<512x2048xf32, #tpu.memory_space<any>>) target(%dma_start3A_370 : memref<512x2048xf32, #tpu.memory_space<vmem>>) target_semaphore(%dma_start3A_366 : memref<!tpu.dma_semaphore, #tpu.memory_space<semaphore_mem>>)
      %dma_wait3A_374 = arith.constant 0 : i32
      %dma_wait3A_375 = arith.constant 0 : i32
      %dma_wait3A_376 = tpu.memref_slice %run_scoped3A_0[%dma_wait3A_375] : memref<8x!tpu.dma_semaphore, #tpu.memory_space<semaphore_mem>> -> memref<1x!tpu.dma_semaphore, #tpu.memory_space<semaphore_mem>>
      %dma_wait3A_377 = tpu.memref_squeeze %dma_wait3A_376 : memref<1x!tpu.dma_semaphore, #tpu.memory_space<semaphore_mem>> -> memref<!tpu.dma_semaphore, #tpu.memory_space<semaphore_mem>>
      %dma_wait3A_378 = arith.constant 0 : i32
      %dma_wait3A_379 = arith.constant 0 : i32
      %dma_wait3A_380 = tpu.memref_slice %run_scoped3A[%dma_wait3A_374, %dma_wait3A_378, %dma_wait3A_379] : memref<8x512x2048xf32, #tpu.memory_space<vmem>> -> memref<1x512x2048xf32, #tpu.memory_space<vmem>>
      %dma_wait3A_381 = tpu.memref_squeeze %dma_wait3A_380 : memref<1x512x2048xf32, #tpu.memory_space<vmem>> -> memref<512x2048xf32, #tpu.memory_space<vmem>>
      %dma_wait3A_382 = arith.constant 4096 : i32
      %dma_wait3A_383 = arith.constant 0 : i32
      %dma_wait3A_384 = tpu.memref_slice %arg0[%dma_wait3A_382, %dma_wait3A_383] : memref<16384x2048xf32, #tpu.memory_space<any>> -> memref<512x2048xf32, #tpu.memory_space<any>>
      tpu.wait_dma2 semaphore(%dma_wait3A_377 : memref<!tpu.dma_semaphore, #tpu.memory_space<semaphore_mem>>) src(%dma_wait3A_384 : memref<512x2048xf32, #tpu.memory_space<any>>) dst(%dma_wait3A_381 : memref<512x2048xf32, #tpu.memory_space<vmem>>)
      %dma_start3A_385 = arith.constant 0 : i32
      %dma_start3A_386 = arith.constant 0 : i32
      %dma_start3A_387 = tpu.memref_slice %run_scoped3A_1[%dma_start3A_386] : memref<8x!tpu.dma_semaphore, #tpu.memory_space<semaphore_mem>> -> memref<1x!tpu.dma_semaphore, #tpu.memory_space<semaphore_mem>>
      %dma_start3A_388 = tpu.memref_squeeze %dma_start3A_387 : memref<1x!tpu.dma_semaphore, #tpu.memory_space<semaphore_mem>> -> memref<!tpu.dma_semaphore, #tpu.memory_space<semaphore_mem>>
      %dma_start3A_389 = arith.constant 4096 : i32
      %dma_start3A_390 = arith.constant 0 : i32
      %dma_start3A_391 = tpu.memref_slice %arg1[%dma_start3A_389, %dma_start3A_390] : memref<16384x2048xf32, #tpu.memory_space<any>> -> memref<512x2048xf32, #tpu.memory_space<any>>
      %dma_start3A_392 = arith.constant 0 : i32
      %dma_start3A_393 = arith.constant 0 : i32
      %dma_start3A_394 = tpu.memref_slice %run_scoped3A[%dma_start3A_385, %dma_start3A_392, %dma_start3A_393] : memref<8x512x2048xf32, #tpu.memory_space<vmem>> -> memref<1x512x2048xf32, #tpu.memory_space<vmem>>
      %dma_start3A_395 = tpu.memref_squeeze %dma_start3A_394 : memref<1x512x2048xf32, #tpu.memory_space<vmem>> -> memref<512x2048xf32, #tpu.memory_space<vmem>>
      tpu.enqueue_dma source(%dma_start3A_395 : memref<512x2048xf32, #tpu.memory_space<vmem>>) target(%dma_start3A_391 : memref<512x2048xf32, #tpu.memory_space<any>>) target_semaphore(%dma_start3A_388 : memref<!tpu.dma_semaphore, #tpu.memory_space<semaphore_mem>>)
      %dma_wait3A_396 = arith.constant 5 : i32
      %dma_wait3A_397 = arith.constant 5 : i32
      %dma_wait3A_398 = tpu.memref_slice %run_scoped3A_1[%dma_wait3A_397] : memref<8x!tpu.dma_semaphore, #tpu.memory_space<semaphore_mem>> -> memref<1x!tpu.dma_semaphore, #tpu.memory_space<semaphore_mem>>
      %dma_wait3A_399 = tpu.memref_squeeze %dma_wait3A_398 : memref<1x!tpu.dma_semaphore, #tpu.memory_space<semaphore_mem>> -> memref<!tpu.dma_semaphore, #tpu.memory_space<semaphore_mem>>
      %dma_wait3A_400 = arith.constant 2560 : i32
      %dma_wait3A_401 = arith.constant 0 : i32
      %dma_wait3A_402 = tpu.memref_slice %arg1[%dma_wait3A_400, %dma_wait3A_401] : memref<16384x2048xf32, #tpu.memory_space<any>> -> memref<512x2048xf32, #tpu.memory_space<any>>
      %dma_wait3A_403 = arith.constant 0 : i32
      %dma_wait3A_404 = arith.constant 0 : i32
      %dma_wait3A_405 = tpu.memref_slice %run_scoped3A[%dma_wait3A_396, %dma_wait3A_403, %dma_wait3A_404] : memref<8x512x2048xf32, #tpu.memory_space<vmem>> -> memref<1x512x2048xf32, #tpu.memory_space<vmem>>
      %dma_wait3A_406 = tpu.memref_squeeze %dma_wait3A_405 : memref<1x512x2048xf32, #tpu.memory_space<vmem>> -> memref<512x2048xf32, #tpu.memory_space<vmem>>
      tpu.wait_dma2 semaphore(%dma_wait3A_399 : memref<!tpu.dma_semaphore, #tpu.memory_space<semaphore_mem>>) src(%dma_wait3A_406 : memref<512x2048xf32, #tpu.memory_space<vmem>>) dst(%dma_wait3A_402 : memref<512x2048xf32, #tpu.memory_space<any>>)
      %dma_start3A_407 = arith.constant 5 : i32
      %dma_start3A_408 = arith.constant 5 : i32
      %dma_start3A_409 = tpu.memref_slice %run_scoped3A_0[%dma_start3A_408] : memref<8x!tpu.dma_semaphore, #tpu.memory_space<semaphore_mem>> -> memref<1x!tpu.dma_semaphore, #tpu.memory_space<semaphore_mem>>
      %dma_start3A_410 = tpu.memref_squeeze %dma_start3A_409 : memref<1x!tpu.dma_semaphore, #tpu.memory_space<semaphore_mem>> -> memref<!tpu.dma_semaphore, #tpu.memory_space<semaphore_mem>>
      %dma_start3A_411 = arith.constant 0 : i32
      %dma_start3A_412 = arith.constant 0 : i32
      %dma_start3A_413 = tpu.memref_slice %run_scoped3A[%dma_start3A_407, %dma_start3A_411, %dma_start3A_412] : memref<8x512x2048xf32, #tpu.memory_space<vmem>> -> memref<1x512x2048xf32, #tpu.memory_space<vmem>>
      %dma_start3A_414 = tpu.memref_squeeze %dma_start3A_413 : memref<1x512x2048xf32, #tpu.memory_space<vmem>> -> memref<512x2048xf32, #tpu.memory_space<vmem>>
      %dma_start3A_415 = arith.constant 6656 : i32
      %dma_start3A_416 = arith.constant 0 : i32
      %dma_start3A_417 = tpu.memref_slice %arg0[%dma_start3A_415, %dma_start3A_416] : memref<16384x2048xf32, #tpu.memory_space<any>> -> memref<512x2048xf32, #tpu.memory_space<any>>
      tpu.enqueue_dma source(%dma_start3A_417 : memref<512x2048xf32, #tpu.memory_space<any>>) target(%dma_start3A_414 : memref<512x2048xf32, #tpu.memory_space<vmem>>) target_semaphore(%dma_start3A_410 : memref<!tpu.dma_semaphore, #tpu.memory_space<semaphore_mem>>)
      %dma_wait3A_418 = arith.constant 1 : i32
      %dma_wait3A_419 = arith.constant 1 : i32
      %dma_wait3A_420 = tpu.memref_slice %run_scoped3A_0[%dma_wait3A_419] : memref<8x!tpu.dma_semaphore, #tpu.memory_space<semaphore_mem>> -> memref<1x!tpu.dma_semaphore, #tpu.memory_space<semaphore_mem>>
      %dma_wait3A_421 = tpu.memref_squeeze %dma_wait3A_420 : memref<1x!tpu.dma_semaphore, #tpu.memory_space<semaphore_mem>> -> memref<!tpu.dma_semaphore, #tpu.memory_space<semaphore_mem>>
      %dma_wait3A_422 = arith.constant 0 : i32
      %dma_wait3A_423 = arith.constant 0 : i32
      %dma_wait3A_424 = tpu.memref_slice %run_scoped3A[%dma_wait3A_418, %dma_wait3A_422, %dma_wait3A_423] : memref<8x512x2048xf32, #tpu.memory_space<vmem>> -> memref<1x512x2048xf32, #tpu.memory_space<vmem>>
      %dma_wait3A_425 = tpu.memref_squeeze %dma_wait3A_424 : memref<1x512x2048xf32, #tpu.memory_space<vmem>> -> memref<512x2048xf32, #tpu.memory_space<vmem>>
      %dma_wait3A_426 = arith.constant 4608 : i32
      %dma_wait3A_427 = arith.constant 0 : i32
      %dma_wait3A_428 = tpu.memref_slice %arg0[%dma_wait3A_426, %dma_wait3A_427] : memref<16384x2048xf32, #tpu.memory_space<any>> -> memref<512x2048xf32, #tpu.memory_space<any>>
      tpu.wait_dma2 semaphore(%dma_wait3A_421 : memref<!tpu.dma_semaphore, #tpu.memory_space<semaphore_mem>>) src(%dma_wait3A_428 : memref<512x2048xf32, #tpu.memory_space<any>>) dst(%dma_wait3A_425 : memref<512x2048xf32, #tpu.memory_space<vmem>>)
      %dma_start3A_429 = arith.constant 1 : i32
      %dma_start3A_430 = arith.constant 1 : i32
      %dma_start3A_431 = tpu.memref_slice %run_scoped3A_1[%dma_start3A_430] : memref<8x!tpu.dma_semaphore, #tpu.memory_space<semaphore_mem>> -> memref<1x!tpu.dma_semaphore, #tpu.memory_space<semaphore_mem>>
      %dma_start3A_432 = tpu.memref_squeeze %dma_start3A_431 : memref<1x!tpu.dma_semaphore, #tpu.memory_space<semaphore_mem>> -> memref<!tpu.dma_semaphore, #tpu.memory_space<semaphore_mem>>
      %dma_start3A_433 = arith.constant 4608 : i32
      %dma_start3A_434 = arith.constant 0 : i32
      %dma_start3A_435 = tpu.memref_slice %arg1[%dma_start3A_433, %dma_start3A_434] : memref<16384x2048xf32, #tpu.memory_space<any>> -> memref<512x2048xf32, #tpu.memory_space<any>>
      %dma_start3A_436 = arith.constant 0 : i32
      %dma_start3A_437 = arith.constant 0 : i32
      %dma_start3A_438 = tpu.memref_slice %run_scoped3A[%dma_start3A_429, %dma_start3A_436, %dma_start3A_437] : memref<8x512x2048xf32, #tpu.memory_space<vmem>> -> memref<1x512x2048xf32, #tpu.memory_space<vmem>>
      %dma_start3A_439 = tpu.memref_squeeze %dma_start3A_438 : memref<1x512x2048xf32, #tpu.memory_space<vmem>> -> memref<512x2048xf32, #tpu.memory_space<vmem>>
      tpu.enqueue_dma source(%dma_start3A_439 : memref<512x2048xf32, #tpu.memory_space<vmem>>) target(%dma_start3A_435 : memref<512x2048xf32, #tpu.memory_space<any>>) target_semaphore(%dma_start3A_432 : memref<!tpu.dma_semaphore, #tpu.memory_space<semaphore_mem>>)
      %dma_wait3A_440 = arith.constant 6 : i32
      %dma_wait3A_441 = arith.constant 6 : i32
      %dma_wait3A_442 = tpu.memref_slice %run_scoped3A_1[%dma_wait3A_441] : memref<8x!tpu.dma_semaphore, #tpu.memory_space<semaphore_mem>> -> memref<1x!tpu.dma_semaphore, #tpu.memory_space<semaphore_mem>>
      %dma_wait3A_443 = tpu.memref_squeeze %dma_wait3A_442 : memref<1x!tpu.dma_semaphore, #tpu.memory_space<semaphore_mem>> -> memref<!tpu.dma_semaphore, #tpu.memory_space<semaphore_mem>>
      %dma_wait3A_444 = arith.constant 3072 : i32
      %dma_wait3A_445 = arith.constant 0 : i32
      %dma_wait3A_446 = tpu.memref_slice %arg1[%dma_wait3A_444, %dma_wait3A_445] : memref<16384x2048xf32, #tpu.memory_space<any>> -> memref<512x2048xf32, #tpu.memory_space<any>>
      %dma_wait3A_447 = arith.constant 0 : i32
      %dma_wait3A_448 = arith.constant 0 : i32
      %dma_wait3A_449 = tpu.memref_slice %run_scoped3A[%dma_wait3A_440, %dma_wait3A_447, %dma_wait3A_448] : memref<8x512x2048xf32, #tpu.memory_space<vmem>> -> memref<1x512x2048xf32, #tpu.memory_space<vmem>>
      %dma_wait3A_450 = tpu.memref_squeeze %dma_wait3A_449 : memref<1x512x2048xf32, #tpu.memory_space<vmem>> -> memref<512x2048xf32, #tpu.memory_space<vmem>>
      tpu.wait_dma2 semaphore(%dma_wait3A_443 : memref<!tpu.dma_semaphore, #tpu.memory_space<semaphore_mem>>) src(%dma_wait3A_450 : memref<512x2048xf32, #tpu.memory_space<vmem>>) dst(%dma_wait3A_446 : memref<512x2048xf32, #tpu.memory_space<any>>)
      %dma_start3A_451 = arith.constant 6 : i32
      %dma_start3A_452 = arith.constant 6 : i32
      %dma_start3A_453 = tpu.memref_slice %run_scoped3A_0[%dma_start3A_452] : memref<8x!tpu.dma_semaphore, #tpu.memory_space<semaphore_mem>> -> memref<1x!tpu.dma_semaphore, #tpu.memory_space<semaphore_mem>>
      %dma_start3A_454 = tpu.memref_squeeze %dma_start3A_453 : memref<1x!tpu.dma_semaphore, #tpu.memory_space<semaphore_mem>> -> memref<!tpu.dma_semaphore, #tpu.memory_space<semaphore_mem>>
      %dma_start3A_455 = arith.constant 0 : i32
      %dma_start3A_456 = arith.constant 0 : i32
      %dma_start3A_457 = tpu.memref_slice %run_scoped3A[%dma_start3A_451, %dma_start3A_455, %dma_start3A_456] : memref<8x512x2048xf32, #tpu.memory_space<vmem>> -> memref<1x512x2048xf32, #tpu.memory_space<vmem>>
      %dma_start3A_458 = tpu.memref_squeeze %dma_start3A_457 : memref<1x512x2048xf32, #tpu.memory_space<vmem>> -> memref<512x2048xf32, #tpu.memory_space<vmem>>
      %dma_start3A_459 = arith.constant 7168 : i32
      %dma_start3A_460 = arith.constant 0 : i32
      %dma_start3A_461 = tpu.memref_slice %arg0[%dma_start3A_459, %dma_start3A_460] : memref<16384x2048xf32, #tpu.memory_space<any>> -> memref<512x2048xf32, #tpu.memory_space<any>>
      tpu.enqueue_dma source(%dma_start3A_461 : memref<512x2048xf32, #tpu.memory_space<any>>) target(%dma_start3A_458 : memref<512x2048xf32, #tpu.memory_space<vmem>>) target_semaphore(%dma_start3A_454 : memref<!tpu.dma_semaphore, #tpu.memory_space<semaphore_mem>>)
      %dma_wait3A_462 = arith.constant 2 : i32
      %dma_wait3A_463 = arith.constant 2 : i32
      %dma_wait3A_464 = tpu.memref_slice %run_scoped3A_0[%dma_wait3A_463] : memref<8x!tpu.dma_semaphore, #tpu.memory_space<semaphore_mem>> -> memref<1x!tpu.dma_semaphore, #tpu.memory_space<semaphore_mem>>
      %dma_wait3A_465 = tpu.memref_squeeze %dma_wait3A_464 : memref<1x!tpu.dma_semaphore, #tpu.memory_space<semaphore_mem>> -> memref<!tpu.dma_semaphore, #tpu.memory_space<semaphore_mem>>
      %dma_wait3A_466 = arith.constant 0 : i32
      %dma_wait3A_467 = arith.constant 0 : i32
      %dma_wait3A_468 = tpu.memref_slice %run_scoped3A[%dma_wait3A_462, %dma_wait3A_466, %dma_wait3A_467] : memref<8x512x2048xf32, #tpu.memory_space<vmem>> -> memref<1x512x2048xf32, #tpu.memory_space<vmem>>
      %dma_wait3A_469 = tpu.memref_squeeze %dma_wait3A_468 : memref<1x512x2048xf32, #tpu.memory_space<vmem>> -> memref<512x2048xf32, #tpu.memory_space<vmem>>
      %dma_wait3A_470 = arith.constant 5120 : i32
      %dma_wait3A_471 = arith.constant 0 : i32
      %dma_wait3A_472 = tpu.memref_slice %arg0[%dma_wait3A_470, %dma_wait3A_471] : memref<16384x2048xf32, #tpu.memory_space<any>> -> memref<512x2048xf32, #tpu.memory_space<any>>
      tpu.wait_dma2 semaphore(%dma_wait3A_465 : memref<!tpu.dma_semaphore, #tpu.memory_space<semaphore_mem>>) src(%dma_wait3A_472 : memref<512x2048xf32, #tpu.memory_space<any>>) dst(%dma_wait3A_469 : memref<512x2048xf32, #tpu.memory_space<vmem>>)
      %dma_start3A_473 = arith.constant 2 : i32
      %dma_start3A_474 = arith.constant 2 : i32
      %dma_start3A_475 = tpu.memref_slice %run_scoped3A_1[%dma_start3A_474] : memref<8x!tpu.dma_semaphore, #tpu.memory_space<semaphore_mem>> -> memref<1x!tpu.dma_semaphore, #tpu.memory_space<semaphore_mem>>
      %dma_start3A_476 = tpu.memref_squeeze %dma_start3A_475 : memref<1x!tpu.dma_semaphore, #tpu.memory_space<semaphore_mem>> -> memref<!tpu.dma_semaphore, #tpu.memory_space<semaphore_mem>>
      %dma_start3A_477 = arith.constant 5120 : i32
      %dma_start3A_478 = arith.constant 0 : i32
      %dma_start3A_479 = tpu.memref_slice %arg1[%dma_start3A_477, %dma_start3A_478] : memref<16384x2048xf32, #tpu.memory_space<any>> -> memref<512x2048xf32, #tpu.memory_space<any>>
      %dma_start3A_480 = arith.constant 0 : i32
      %dma_start3A_481 = arith.constant 0 : i32
      %dma_start3A_482 = tpu.memref_slice %run_scoped3A[%dma_start3A_473, %dma_start3A_480, %dma_start3A_481] : memref<8x512x2048xf32, #tpu.memory_space<vmem>> -> memref<1x512x2048xf32, #tpu.memory_space<vmem>>
      %dma_start3A_483 = tpu.memref_squeeze %dma_start3A_482 : memref<1x512x2048xf32, #tpu.memory_space<vmem>> -> memref<512x2048xf32, #tpu.memory_space<vmem>>
      tpu.enqueue_dma source(%dma_start3A_483 : memref<512x2048xf32, #tpu.memory_space<vmem>>) target(%dma_start3A_479 : memref<512x2048xf32, #tpu.memory_space<any>>) target_semaphore(%dma_start3A_476 : memref<!tpu.dma_semaphore, #tpu.memory_space<semaphore_mem>>)
      %dma_wait3A_484 = arith.constant 7 : i32
      %dma_wait3A_485 = arith.constant 7 : i32
      %dma_wait3A_486 = tpu.memref_slice %run_scoped3A_1[%dma_wait3A_485] : memref<8x!tpu.dma_semaphore, #tpu.memory_space<semaphore_mem>> -> memref<1x!tpu.dma_semaphore, #tpu.memory_space<semaphore_mem>>
      %dma_wait3A_487 = tpu.memref_squeeze %dma_wait3A_486 : memref<1x!tpu.dma_semaphore, #tpu.memory_space<semaphore_mem>> -> memref<!tpu.dma_semaphore, #tpu.memory_space<semaphore_mem>>
      %dma_wait3A_488 = arith.constant 3584 : i32
      %dma_wait3A_489 = arith.constant 0 : i32
      %dma_wait3A_490 = tpu.memref_slice %arg1[%dma_wait3A_488, %dma_wait3A_489] : memref<16384x2048xf32, #tpu.memory_space<any>> -> memref<512x2048xf32, #tpu.memory_space<any>>
      %dma_wait3A_491 = arith.constant 0 : i32
      %dma_wait3A_492 = arith.constant 0 : i32
      %dma_wait3A_493 = tpu.memref_slice %run_scoped3A[%dma_wait3A_484, %dma_wait3A_491, %dma_wait3A_492] : memref<8x512x2048xf32, #tpu.memory_space<vmem>> -> memref<1x512x2048xf32, #tpu.memory_space<vmem>>
      %dma_wait3A_494 = tpu.memref_squeeze %dma_wait3A_493 : memref<1x512x2048xf32, #tpu.memory_space<vmem>> -> memref<512x2048xf32, #tpu.memory_space<vmem>>
      tpu.wait_dma2 semaphore(%dma_wait3A_487 : memref<!tpu.dma_semaphore, #tpu.memory_space<semaphore_mem>>) src(%dma_wait3A_494 : memref<512x2048xf32, #tpu.memory_space<vmem>>) dst(%dma_wait3A_490 : memref<512x2048xf32, #tpu.memory_space<any>>)
      %dma_start3A_495 = arith.constant 7 : i32
      %dma_start3A_496 = arith.constant 7 : i32
      %dma_start3A_497 = tpu.memref_slice %run_scoped3A_0[%dma_start3A_496] : memref<8x!tpu.dma_semaphore, #tpu.memory_space<semaphore_mem>> -> memref<1x!tpu.dma_semaphore, #tpu.memory_space<semaphore_mem>>
      %dma_start3A_498 = tpu.memref_squeeze %dma_start3A_497 : memref<1x!tpu.dma_semaphore, #tpu.memory_space<semaphore_mem>> -> memref<!tpu.dma_semaphore, #tpu.memory_space<semaphore_mem>>
      %dma_start3A_499 = arith.constant 0 : i32
      %dma_start3A_500 = arith.constant 0 : i32
      %dma_start3A_501 = tpu.memref_slice %run_scoped3A[%dma_start3A_495, %dma_start3A_499, %dma_start3A_500] : memref<8x512x2048xf32, #tpu.memory_space<vmem>> -> memref<1x512x2048xf32, #tpu.memory_space<vmem>>
      %dma_start3A_502 = tpu.memref_squeeze %dma_start3A_501 : memref<1x512x2048xf32, #tpu.memory_space<vmem>> -> memref<512x2048xf32, #tpu.memory_space<vmem>>
      %dma_start3A_503 = arith.constant 7680 : i32
      %dma_start3A_504 = arith.constant 0 : i32
      %dma_start3A_505 = tpu.memref_slice %arg0[%dma_start3A_503, %dma_start3A_504] : memref<16384x2048xf32, #tpu.memory_space<any>> -> memref<512x2048xf32, #tpu.memory_space<any>>
      tpu.enqueue_dma source(%dma_start3A_505 : memref<512x2048xf32, #tpu.memory_space<any>>) target(%dma_start3A_502 : memref<512x2048xf32, #tpu.memory_space<vmem>>) target_semaphore(%dma_start3A_498 : memref<!tpu.dma_semaphore, #tpu.memory_space<semaphore_mem>>)
      %dma_wait3A_506 = arith.constant 3 : i32
      %dma_wait3A_507 = arith.constant 3 : i32
      %dma_wait3A_508 = tpu.memref_slice %run_scoped3A_0[%dma_wait3A_507] : memref<8x!tpu.dma_semaphore, #tpu.memory_space<semaphore_mem>> -> memref<1x!tpu.dma_semaphore, #tpu.memory_space<semaphore_mem>>
      %dma_wait3A_509 = tpu.memref_squeeze %dma_wait3A_508 : memref<1x!tpu.dma_semaphore, #tpu.memory_space<semaphore_mem>> -> memref<!tpu.dma_semaphore, #tpu.memory_space<semaphore_mem>>
      %dma_wait3A_510 = arith.constant 0 : i32
      %dma_wait3A_511 = arith.constant 0 : i32
      %dma_wait3A_512 = tpu.memref_slice %run_scoped3A[%dma_wait3A_506, %dma_wait3A_510, %dma_wait3A_511] : memref<8x512x2048xf32, #tpu.memory_space<vmem>> -> memref<1x512x2048xf32, #tpu.memory_space<vmem>>
      %dma_wait3A_513 = tpu.memref_squeeze %dma_wait3A_512 : memref<1x512x2048xf32, #tpu.memory_space<vmem>> -> memref<512x2048xf32, #tpu.memory_space<vmem>>
      %dma_wait3A_514 = arith.constant 5632 : i32
      %dma_wait3A_515 = arith.constant 0 : i32
      %dma_wait3A_516 = tpu.memref_slice %arg0[%dma_wait3A_514, %dma_wait3A_515] : memref<16384x2048xf32, #tpu.memory_space<any>> -> memref<512x2048xf32, #tpu.memory_space<any>>
      tpu.wait_dma2 semaphore(%dma_wait3A_509 : memref<!tpu.dma_semaphore, #tpu.memory_space<semaphore_mem>>) src(%dma_wait3A_516 : memref<512x2048xf32, #tpu.memory_space<any>>) dst(%dma_wait3A_513 : memref<512x2048xf32, #tpu.memory_space<vmem>>)
      %dma_start3A_517 = arith.constant 3 : i32
      %dma_start3A_518 = arith.constant 3 : i32
      %dma_start3A_519 = tpu.memref_slice %run_scoped3A_1[%dma_start3A_518] : memref<8x!tpu.dma_semaphore, #tpu.memory_space<semaphore_mem>> -> memref<1x!tpu.dma_semaphore, #tpu.memory_space<semaphore_mem>>
      %dma_start3A_520 = tpu.memref_squeeze %dma_start3A_519 : memref<1x!tpu.dma_semaphore, #tpu.memory_space<semaphore_mem>> -> memref<!tpu.dma_semaphore, #tpu.memory_space<semaphore_mem>>
      %dma_start3A_521 = arith.constant 5632 : i32
      %dma_start3A_522 = arith.constant 0 : i32
      %dma_start3A_523 = tpu.memref_slice %arg1[%dma_start3A_521, %dma_start3A_522] : memref<16384x2048xf32, #tpu.memory_space<any>> -> memref<512x2048xf32, #tpu.memory_space<any>>
      %dma_start3A_524 = arith.constant 0 : i32
      %dma_start3A_525 = arith.constant 0 : i32
      %dma_start3A_526 = tpu.memref_slice %run_scoped3A[%dma_start3A_517, %dma_start3A_524, %dma_start3A_525] : memref<8x512x2048xf32, #tpu.memory_space<vmem>> -> memref<1x512x2048xf32, #tpu.memory_space<vmem>>
      %dma_start3A_527 = tpu.memref_squeeze %dma_start3A_526 : memref<1x512x2048xf32, #tpu.memory_space<vmem>> -> memref<512x2048xf32, #tpu.memory_space<vmem>>
      tpu.enqueue_dma source(%dma_start3A_527 : memref<512x2048xf32, #tpu.memory_space<vmem>>) target(%dma_start3A_523 : memref<512x2048xf32, #tpu.memory_space<any>>) target_semaphore(%dma_start3A_520 : memref<!tpu.dma_semaphore, #tpu.memory_space<semaphore_mem>>)
      %dma_wait3A_528 = arith.constant 0 : i32
      %dma_wait3A_529 = arith.constant 0 : i32
      %dma_wait3A_530 = tpu.memref_slice %run_scoped3A_1[%dma_wait3A_529] : memref<8x!tpu.dma_semaphore, #tpu.memory_space<semaphore_mem>> -> memref<1x!tpu.dma_semaphore, #tpu.memory_space<semaphore_mem>>
      %dma_wait3A_531 = tpu.memref_squeeze %dma_wait3A_530 : memref<1x!tpu.dma_semaphore, #tpu.memory_space<semaphore_mem>> -> memref<!tpu.dma_semaphore, #tpu.memory_space<semaphore_mem>>
      %dma_wait3A_532 = arith.constant 4096 : i32
      %dma_wait3A_533 = arith.constant 0 : i32
      %dma_wait3A_534 = tpu.memref_slice %arg1[%dma_wait3A_532, %dma_wait3A_533] : memref<16384x2048xf32, #tpu.memory_space<any>> -> memref<512x2048xf32, #tpu.memory_space<any>>
      %dma_wait3A_535 = arith.constant 0 : i32
      %dma_wait3A_536 = arith.constant 0 : i32
      %dma_wait3A_537 = tpu.memref_slice %run_scoped3A[%dma_wait3A_528, %dma_wait3A_535, %dma_wait3A_536] : memref<8x512x2048xf32, #tpu.memory_space<vmem>> -> memref<1x512x2048xf32, #tpu.memory_space<vmem>>
      %dma_wait3A_538 = tpu.memref_squeeze %dma_wait3A_537 : memref<1x512x2048xf32, #tpu.memory_space<vmem>> -> memref<512x2048xf32, #tpu.memory_space<vmem>>
      tpu.wait_dma2 semaphore(%dma_wait3A_531 : memref<!tpu.dma_semaphore, #tpu.memory_space<semaphore_mem>>) src(%dma_wait3A_538 : memref<512x2048xf32, #tpu.memory_space<vmem>>) dst(%dma_wait3A_534 : memref<512x2048xf32, #tpu.memory_space<any>>)
      %dma_start3A_539 = arith.constant 0 : i32
      %dma_start3A_540 = arith.constant 0 : i32
      %dma_start3A_541 = tpu.memref_slice %run_scoped3A_0[%dma_start3A_540] : memref<8x!tpu.dma_semaphore, #tpu.memory_space<semaphore_mem>> -> memref<1x!tpu.dma_semaphore, #tpu.memory_space<semaphore_mem>>
      %dma_start3A_542 = tpu.memref_squeeze %dma_start3A_541 : memref<1x!tpu.dma_semaphore, #tpu.memory_space<semaphore_mem>> -> memref<!tpu.dma_semaphore, #tpu.memory_space<semaphore_mem>>
      %dma_start3A_543 = arith.constant 0 : i32
      %dma_start3A_544 = arith.constant 0 : i32
      %dma_start3A_545 = tpu.memref_slice %run_scoped3A[%dma_start3A_539, %dma_start3A_543, %dma_start3A_544] : memref<8x512x2048xf32, #tpu.memory_space<vmem>> -> memref<1x512x2048xf32, #tpu.memory_space<vmem>>
      %dma_start3A_546 = tpu.memref_squeeze %dma_start3A_545 : memref<1x512x2048xf32, #tpu.memory_space<vmem>> -> memref<512x2048xf32, #tpu.memory_space<vmem>>
      %dma_start3A_547 = arith.constant 8192 : i32
      %dma_start3A_548 = arith.constant 0 : i32
      %dma_start3A_549 = tpu.memref_slice %arg0[%dma_start3A_547, %dma_start3A_548] : memref<16384x2048xf32, #tpu.memory_space<any>> -> memref<512x2048xf32, #tpu.memory_space<any>>
      tpu.enqueue_dma source(%dma_start3A_549 : memref<512x2048xf32, #tpu.memory_space<any>>) target(%dma_start3A_546 : memref<512x2048xf32, #tpu.memory_space<vmem>>) target_semaphore(%dma_start3A_542 : memref<!tpu.dma_semaphore, #tpu.memory_space<semaphore_mem>>)
      %dma_wait3A_550 = arith.constant 4 : i32
      %dma_wait3A_551 = arith.constant 4 : i32
      %dma_wait3A_552 = tpu.memref_slice %run_scoped3A_0[%dma_wait3A_551] : memref<8x!tpu.dma_semaphore, #tpu.memory_space<semaphore_mem>> -> memref<1x!tpu.dma_semaphore, #tpu.memory_space<semaphore_mem>>
      %dma_wait3A_553 = tpu.memref_squeeze %dma_wait3A_552 : memref<1x!tpu.dma_semaphore, #tpu.memory_space<semaphore_mem>> -> memref<!tpu.dma_semaphore, #tpu.memory_space<semaphore_mem>>
      %dma_wait3A_554 = arith.constant 0 : i32
      %dma_wait3A_555 = arith.constant 0 : i32
      %dma_wait3A_556 = tpu.memref_slice %run_scoped3A[%dma_wait3A_550, %dma_wait3A_554, %dma_wait3A_555] : memref<8x512x2048xf32, #tpu.memory_space<vmem>> -> memref<1x512x2048xf32, #tpu.memory_space<vmem>>
      %dma_wait3A_557 = tpu.memref_squeeze %dma_wait3A_556 : memref<1x512x2048xf32, #tpu.memory_space<vmem>> -> memref<512x2048xf32, #tpu.memory_space<vmem>>
      %dma_wait3A_558 = arith.constant 6144 : i32
      %dma_wait3A_559 = arith.constant 0 : i32
      %dma_wait3A_560 = tpu.memref_slice %arg0[%dma_wait3A_558, %dma_wait3A_559] : memref<16384x2048xf32, #tpu.memory_space<any>> -> memref<512x2048xf32, #tpu.memory_space<any>>
      tpu.wait_dma2 semaphore(%dma_wait3A_553 : memref<!tpu.dma_semaphore, #tpu.memory_space<semaphore_mem>>) src(%dma_wait3A_560 : memref<512x2048xf32, #tpu.memory_space<any>>) dst(%dma_wait3A_557 : memref<512x2048xf32, #tpu.memory_space<vmem>>)
      %dma_start3A_561 = arith.constant 4 : i32
      %dma_start3A_562 = arith.constant 4 : i32
      %dma_start3A_563 = tpu.memref_slice %run_scoped3A_1[%dma_start3A_562] : memref<8x!tpu.dma_semaphore, #tpu.memory_space<semaphore_mem>> -> memref<1x!tpu.dma_semaphore, #tpu.memory_space<semaphore_mem>>
      %dma_start3A_564 = tpu.memref_squeeze %dma_start3A_563 : memref<1x!tpu.dma_semaphore, #tpu.memory_space<semaphore_mem>> -> memref<!tpu.dma_semaphore, #tpu.memory_space<semaphore_mem>>
      %dma_start3A_565 = arith.constant 6144 : i32
      %dma_start3A_566 = arith.constant 0 : i32
      %dma_start3A_567 = tpu.memref_slice %arg1[%dma_start3A_565, %dma_start3A_566] : memref<16384x2048xf32, #tpu.memory_space<any>> -> memref<512x2048xf32, #tpu.memory_space<any>>
      %dma_start3A_568 = arith.constant 0 : i32
      %dma_start3A_569 = arith.constant 0 : i32
      %dma_start3A_570 = tpu.memref_slice %run_scoped3A[%dma_start3A_561, %dma_start3A_568, %dma_start3A_569] : memref<8x512x2048xf32, #tpu.memory_space<vmem>> -> memref<1x512x2048xf32, #tpu.memory_space<vmem>>
      %dma_start3A_571 = tpu.memref_squeeze %dma_start3A_570 : memref<1x512x2048xf32, #tpu.memory_space<vmem>> -> memref<512x2048xf32, #tpu.memory_space<vmem>>
      tpu.enqueue_dma source(%dma_start3A_571 : memref<512x2048xf32, #tpu.memory_space<vmem>>) target(%dma_start3A_567 : memref<512x2048xf32, #tpu.memory_space<any>>) target_semaphore(%dma_start3A_564 : memref<!tpu.dma_semaphore, #tpu.memory_space<semaphore_mem>>)
      %dma_wait3A_572 = arith.constant 1 : i32
      %dma_wait3A_573 = arith.constant 1 : i32
      %dma_wait3A_574 = tpu.memref_slice %run_scoped3A_1[%dma_wait3A_573] : memref<8x!tpu.dma_semaphore, #tpu.memory_space<semaphore_mem>> -> memref<1x!tpu.dma_semaphore, #tpu.memory_space<semaphore_mem>>
      %dma_wait3A_575 = tpu.memref_squeeze %dma_wait3A_574 : memref<1x!tpu.dma_semaphore, #tpu.memory_space<semaphore_mem>> -> memref<!tpu.dma_semaphore, #tpu.memory_space<semaphore_mem>>
      %dma_wait3A_576 = arith.constant 4608 : i32
      %dma_wait3A_577 = arith.constant 0 : i32
      %dma_wait3A_578 = tpu.memref_slice %arg1[%dma_wait3A_576, %dma_wait3A_577] : memref<16384x2048xf32, #tpu.memory_space<any>> -> memref<512x2048xf32, #tpu.memory_space<any>>
      %dma_wait3A_579 = arith.constant 0 : i32
      %dma_wait3A_580 = arith.constant 0 : i32
      %dma_wait3A_581 = tpu.memref_slice %run_scoped3A[%dma_wait3A_572, %dma_wait3A_579, %dma_wait3A_580] : memref<8x512x2048xf32, #tpu.memory_space<vmem>> -> memref<1x512x2048xf32, #tpu.memory_space<vmem>>
      %dma_wait3A_582 = tpu.memref_squeeze %dma_wait3A_581 : memref<1x512x2048xf32, #tpu.memory_space<vmem>> -> memref<512x2048xf32, #tpu.memory_space<vmem>>
      tpu.wait_dma2 semaphore(%dma_wait3A_575 : memref<!tpu.dma_semaphore, #tpu.memory_space<semaphore_mem>>) src(%dma_wait3A_582 : memref<512x2048xf32, #tpu.memory_space<vmem>>) dst(%dma_wait3A_578 : memref<512x2048xf32, #tpu.memory_space<any>>)
      %dma_start3A_583 = arith.constant 1 : i32
      %dma_start3A_584 = arith.constant 1 : i32
      %dma_start3A_585 = tpu.memref_slice %run_scoped3A_0[%dma_start3A_584] : memref<8x!tpu.dma_semaphore, #tpu.memory_space<semaphore_mem>> -> memref<1x!tpu.dma_semaphore, #tpu.memory_space<semaphore_mem>>
      %dma_start3A_586 = tpu.memref_squeeze %dma_start3A_585 : memref<1x!tpu.dma_semaphore, #tpu.memory_space<semaphore_mem>> -> memref<!tpu.dma_semaphore, #tpu.memory_space<semaphore_mem>>
      %dma_start3A_587 = arith.constant 0 : i32
      %dma_start3A_588 = arith.constant 0 : i32
      %dma_start3A_589 = tpu.memref_slice %run_scoped3A[%dma_start3A_583, %dma_start3A_587, %dma_start3A_588] : memref<8x512x2048xf32, #tpu.memory_space<vmem>> -> memref<1x512x2048xf32, #tpu.memory_space<vmem>>
      %dma_start3A_590 = tpu.memref_squeeze %dma_start3A_589 : memref<1x512x2048xf32, #tpu.memory_space<vmem>> -> memref<512x2048xf32, #tpu.memory_space<vmem>>
      %dma_start3A_591 = arith.constant 8704 : i32
      %dma_start3A_592 = arith.constant 0 : i32
      %dma_start3A_593 = tpu.memref_slice %arg0[%dma_start3A_591, %dma_start3A_592] : memref<16384x2048xf32, #tpu.memory_space<any>> -> memref<512x2048xf32, #tpu.memory_space<any>>
      tpu.enqueue_dma source(%dma_start3A_593 : memref<512x2048xf32, #tpu.memory_space<any>>) target(%dma_start3A_590 : memref<512x2048xf32, #tpu.memory_space<vmem>>) target_semaphore(%dma_start3A_586 : memref<!tpu.dma_semaphore, #tpu.memory_space<semaphore_mem>>)
      %dma_wait3A_594 = arith.constant 5 : i32
      %dma_wait3A_595 = arith.constant 5 : i32
      %dma_wait3A_596 = tpu.memref_slice %run_scoped3A_0[%dma_wait3A_595] : memref<8x!tpu.dma_semaphore, #tpu.memory_space<semaphore_mem>> -> memref<1x!tpu.dma_semaphore, #tpu.memory_space<semaphore_mem>>
      %dma_wait3A_597 = tpu.memref_squeeze %dma_wait3A_596 : memref<1x!tpu.dma_semaphore, #tpu.memory_space<semaphore_mem>> -> memref<!tpu.dma_semaphore, #tpu.memory_space<semaphore_mem>>
      %dma_wait3A_598 = arith.constant 0 : i32
      %dma_wait3A_599 = arith.constant 0 : i32
      %dma_wait3A_600 = tpu.memref_slice %run_scoped3A[%dma_wait3A_594, %dma_wait3A_598, %dma_wait3A_599] : memref<8x512x2048xf32, #tpu.memory_space<vmem>> -> memref<1x512x2048xf32, #tpu.memory_space<vmem>>
      %dma_wait3A_601 = tpu.memref_squeeze %dma_wait3A_600 : memref<1x512x2048xf32, #tpu.memory_space<vmem>> -> memref<512x2048xf32, #tpu.memory_space<vmem>>
      %dma_wait3A_602 = arith.constant 6656 : i32
      %dma_wait3A_603 = arith.constant 0 : i32
      %dma_wait3A_604 = tpu.memref_slice %arg0[%dma_wait3A_602, %dma_wait3A_603] : memref<16384x2048xf32, #tpu.memory_space<any>> -> memref<512x2048xf32, #tpu.memory_space<any>>
      tpu.wait_dma2 semaphore(%dma_wait3A_597 : memref<!tpu.dma_semaphore, #tpu.memory_space<semaphore_mem>>) src(%dma_wait3A_604 : memref<512x2048xf32, #tpu.memory_space<any>>) dst(%dma_wait3A_601 : memref<512x2048xf32, #tpu.memory_space<vmem>>)
      %dma_start3A_605 = arith.constant 5 : i32
      %dma_start3A_606 = arith.constant 5 : i32
      %dma_start3A_607 = tpu.memref_slice %run_scoped3A_1[%dma_start3A_606] : memref<8x!tpu.dma_semaphore, #tpu.memory_space<semaphore_mem>> -> memref<1x!tpu.dma_semaphore, #tpu.memory_space<semaphore_mem>>
      %dma_start3A_608 = tpu.memref_squeeze %dma_start3A_607 : memref<1x!tpu.dma_semaphore, #tpu.memory_space<semaphore_mem>> -> memref<!tpu.dma_semaphore, #tpu.memory_space<semaphore_mem>>
      %dma_start3A_609 = arith.constant 6656 : i32
      %dma_start3A_610 = arith.constant 0 : i32
      %dma_start3A_611 = tpu.memref_slice %arg1[%dma_start3A_609, %dma_start3A_610] : memref<16384x2048xf32, #tpu.memory_space<any>> -> memref<512x2048xf32, #tpu.memory_space<any>>
      %dma_start3A_612 = arith.constant 0 : i32
      %dma_start3A_613 = arith.constant 0 : i32
      %dma_start3A_614 = tpu.memref_slice %run_scoped3A[%dma_start3A_605, %dma_start3A_612, %dma_start3A_613] : memref<8x512x2048xf32, #tpu.memory_space<vmem>> -> memref<1x512x2048xf32, #tpu.memory_space<vmem>>
      %dma_start3A_615 = tpu.memref_squeeze %dma_start3A_614 : memref<1x512x2048xf32, #tpu.memory_space<vmem>> -> memref<512x2048xf32, #tpu.memory_space<vmem>>
      tpu.enqueue_dma source(%dma_start3A_615 : memref<512x2048xf32, #tpu.memory_space<vmem>>) target(%dma_start3A_611 : memref<512x2048xf32, #tpu.memory_space<any>>) target_semaphore(%dma_start3A_608 : memref<!tpu.dma_semaphore, #tpu.memory_space<semaphore_mem>>)
      %dma_wait3A_616 = arith.constant 2 : i32
      %dma_wait3A_617 = arith.constant 2 : i32
      %dma_wait3A_618 = tpu.memref_slice %run_scoped3A_1[%dma_wait3A_617] : memref<8x!tpu.dma_semaphore, #tpu.memory_space<semaphore_mem>> -> memref<1x!tpu.dma_semaphore, #tpu.memory_space<semaphore_mem>>
      %dma_wait3A_619 = tpu.memref_squeeze %dma_wait3A_618 : memref<1x!tpu.dma_semaphore, #tpu.memory_space<semaphore_mem>> -> memref<!tpu.dma_semaphore, #tpu.memory_space<semaphore_mem>>
      %dma_wait3A_620 = arith.constant 5120 : i32
      %dma_wait3A_621 = arith.constant 0 : i32
      %dma_wait3A_622 = tpu.memref_slice %arg1[%dma_wait3A_620, %dma_wait3A_621] : memref<16384x2048xf32, #tpu.memory_space<any>> -> memref<512x2048xf32, #tpu.memory_space<any>>
      %dma_wait3A_623 = arith.constant 0 : i32
      %dma_wait3A_624 = arith.constant 0 : i32
      %dma_wait3A_625 = tpu.memref_slice %run_scoped3A[%dma_wait3A_616, %dma_wait3A_623, %dma_wait3A_624] : memref<8x512x2048xf32, #tpu.memory_space<vmem>> -> memref<1x512x2048xf32, #tpu.memory_space<vmem>>
      %dma_wait3A_626 = tpu.memref_squeeze %dma_wait3A_625 : memref<1x512x2048xf32, #tpu.memory_space<vmem>> -> memref<512x2048xf32, #tpu.memory_space<vmem>>
      tpu.wait_dma2 semaphore(%dma_wait3A_619 : memref<!tpu.dma_semaphore, #tpu.memory_space<semaphore_mem>>) src(%dma_wait3A_626 : memref<512x2048xf32, #tpu.memory_space<vmem>>) dst(%dma_wait3A_622 : memref<512x2048xf32, #tpu.memory_space<any>>)
      %dma_start3A_627 = arith.constant 2 : i32
      %dma_start3A_628 = arith.constant 2 : i32
      %dma_start3A_629 = tpu.memref_slice %run_scoped3A_0[%dma_start3A_628] : memref<8x!tpu.dma_semaphore, #tpu.memory_space<semaphore_mem>> -> memref<1x!tpu.dma_semaphore, #tpu.memory_space<semaphore_mem>>
      %dma_start3A_630 = tpu.memref_squeeze %dma_start3A_629 : memref<1x!tpu.dma_semaphore, #tpu.memory_space<semaphore_mem>> -> memref<!tpu.dma_semaphore, #tpu.memory_space<semaphore_mem>>
      %dma_start3A_631 = arith.constant 0 : i32
      %dma_start3A_632 = arith.constant 0 : i32
      %dma_start3A_633 = tpu.memref_slice %run_scoped3A[%dma_start3A_627, %dma_start3A_631, %dma_start3A_632] : memref<8x512x2048xf32, #tpu.memory_space<vmem>> -> memref<1x512x2048xf32, #tpu.memory_space<vmem>>
      %dma_start3A_634 = tpu.memref_squeeze %dma_start3A_633 : memref<1x512x2048xf32, #tpu.memory_space<vmem>> -> memref<512x2048xf32, #tpu.memory_space<vmem>>
      %dma_start3A_635 = arith.constant 9216 : i32
      %dma_start3A_636 = arith.constant 0 : i32
      %dma_start3A_637 = tpu.memref_slice %arg0[%dma_start3A_635, %dma_start3A_636] : memref<16384x2048xf32, #tpu.memory_space<any>> -> memref<512x2048xf32, #tpu.memory_space<any>>
      tpu.enqueue_dma source(%dma_start3A_637 : memref<512x2048xf32, #tpu.memory_space<any>>) target(%dma_start3A_634 : memref<512x2048xf32, #tpu.memory_space<vmem>>) target_semaphore(%dma_start3A_630 : memref<!tpu.dma_semaphore, #tpu.memory_space<semaphore_mem>>)
      %dma_wait3A_638 = arith.constant 6 : i32
      %dma_wait3A_639 = arith.constant 6 : i32
      %dma_wait3A_640 = tpu.memref_slice %run_scoped3A_0[%dma_wait3A_639] : memref<8x!tpu.dma_semaphore, #tpu.memory_space<semaphore_mem>> -> memref<1x!tpu.dma_semaphore, #tpu.memory_space<semaphore_mem>>
      %dma_wait3A_641 = tpu.memref_squeeze %dma_wait3A_640 : memref<1x!tpu.dma_semaphore, #tpu.memory_space<semaphore_mem>> -> memref<!tpu.dma_semaphore, #tpu.memory_space<semaphore_mem>>
      %dma_wait3A_642 = arith.constant 0 : i32
      %dma_wait3A_643 = arith.constant 0 : i32
      %dma_wait3A_644 = tpu.memref_slice %run_scoped3A[%dma_wait3A_638, %dma_wait3A_642, %dma_wait3A_643] : memref<8x512x2048xf32, #tpu.memory_space<vmem>> -> memref<1x512x2048xf32, #tpu.memory_space<vmem>>
      %dma_wait3A_645 = tpu.memref_squeeze %dma_wait3A_644 : memref<1x512x2048xf32, #tpu.memory_space<vmem>> -> memref<512x2048xf32, #tpu.memory_space<vmem>>
      %dma_wait3A_646 = arith.constant 7168 : i32
      %dma_wait3A_647 = arith.constant 0 : i32
      %dma_wait3A_648 = tpu.memref_slice %arg0[%dma_wait3A_646, %dma_wait3A_647] : memref<16384x2048xf32, #tpu.memory_space<any>> -> memref<512x2048xf32, #tpu.memory_space<any>>
      tpu.wait_dma2 semaphore(%dma_wait3A_641 : memref<!tpu.dma_semaphore, #tpu.memory_space<semaphore_mem>>) src(%dma_wait3A_648 : memref<512x2048xf32, #tpu.memory_space<any>>) dst(%dma_wait3A_645 : memref<512x2048xf32, #tpu.memory_space<vmem>>)
      %dma_start3A_649 = arith.constant 6 : i32
      %dma_start3A_650 = arith.constant 6 : i32
      %dma_start3A_651 = tpu.memref_slice %run_scoped3A_1[%dma_start3A_650] : memref<8x!tpu.dma_semaphore, #tpu.memory_space<semaphore_mem>> -> memref<1x!tpu.dma_semaphore, #tpu.memory_space<semaphore_mem>>
      %dma_start3A_652 = tpu.memref_squeeze %dma_start3A_651 : memref<1x!tpu.dma_semaphore, #tpu.memory_space<semaphore_mem>> -> memref<!tpu.dma_semaphore, #tpu.memory_space<semaphore_mem>>
      %dma_start3A_653 = arith.constant 7168 : i32
      %dma_start3A_654 = arith.constant 0 : i32
      %dma_start3A_655 = tpu.memref_slice %arg1[%dma_start3A_653, %dma_start3A_654] : memref<16384x2048xf32, #tpu.memory_space<any>> -> memref<512x2048xf32, #tpu.memory_space<any>>
      %dma_start3A_656 = arith.constant 0 : i32
      %dma_start3A_657 = arith.constant 0 : i32
      %dma_start3A_658 = tpu.memref_slice %run_scoped3A[%dma_start3A_649, %dma_start3A_656, %dma_start3A_657] : memref<8x512x2048xf32, #tpu.memory_space<vmem>> -> memref<1x512x2048xf32, #tpu.memory_space<vmem>>
      %dma_start3A_659 = tpu.memref_squeeze %dma_start3A_658 : memref<1x512x2048xf32, #tpu.memory_space<vmem>> -> memref<512x2048xf32, #tpu.memory_space<vmem>>
      tpu.enqueue_dma source(%dma_start3A_659 : memref<512x2048xf32, #tpu.memory_space<vmem>>) target(%dma_start3A_655 : memref<512x2048xf32, #tpu.memory_space<any>>) target_semaphore(%dma_start3A_652 : memref<!tpu.dma_semaphore, #tpu.memory_space<semaphore_mem>>)
      %dma_wait3A_660 = arith.constant 3 : i32
      %dma_wait3A_661 = arith.constant 3 : i32
      %dma_wait3A_662 = tpu.memref_slice %run_scoped3A_1[%dma_wait3A_661] : memref<8x!tpu.dma_semaphore, #tpu.memory_space<semaphore_mem>> -> memref<1x!tpu.dma_semaphore, #tpu.memory_space<semaphore_mem>>
      %dma_wait3A_663 = tpu.memref_squeeze %dma_wait3A_662 : memref<1x!tpu.dma_semaphore, #tpu.memory_space<semaphore_mem>> -> memref<!tpu.dma_semaphore, #tpu.memory_space<semaphore_mem>>
      %dma_wait3A_664 = arith.constant 5632 : i32
      %dma_wait3A_665 = arith.constant 0 : i32
      %dma_wait3A_666 = tpu.memref_slice %arg1[%dma_wait3A_664, %dma_wait3A_665] : memref<16384x2048xf32, #tpu.memory_space<any>> -> memref<512x2048xf32, #tpu.memory_space<any>>
      %dma_wait3A_667 = arith.constant 0 : i32
      %dma_wait3A_668 = arith.constant 0 : i32
      %dma_wait3A_669 = tpu.memref_slice %run_scoped3A[%dma_wait3A_660, %dma_wait3A_667, %dma_wait3A_668] : memref<8x512x2048xf32, #tpu.memory_space<vmem>> -> memref<1x512x2048xf32, #tpu.memory_space<vmem>>
      %dma_wait3A_670 = tpu.memref_squeeze %dma_wait3A_669 : memref<1x512x2048xf32, #tpu.memory_space<vmem>> -> memref<512x2048xf32, #tpu.memory_space<vmem>>
      tpu.wait_dma2 semaphore(%dma_wait3A_663 : memref<!tpu.dma_semaphore, #tpu.memory_space<semaphore_mem>>) src(%dma_wait3A_670 : memref<512x2048xf32, #tpu.memory_space<vmem>>) dst(%dma_wait3A_666 : memref<512x2048xf32, #tpu.memory_space<any>>)
      %dma_start3A_671 = arith.constant 3 : i32
      %dma_start3A_672 = arith.constant 3 : i32
      %dma_start3A_673 = tpu.memref_slice %run_scoped3A_0[%dma_start3A_672] : memref<8x!tpu.dma_semaphore, #tpu.memory_space<semaphore_mem>> -> memref<1x!tpu.dma_semaphore, #tpu.memory_space<semaphore_mem>>
      %dma_start3A_674 = tpu.memref_squeeze %dma_start3A_673 : memref<1x!tpu.dma_semaphore, #tpu.memory_space<semaphore_mem>> -> memref<!tpu.dma_semaphore, #tpu.memory_space<semaphore_mem>>
      %dma_start3A_675 = arith.constant 0 : i32
      %dma_start3A_676 = arith.constant 0 : i32
      %dma_start3A_677 = tpu.memref_slice %run_scoped3A[%dma_start3A_671, %dma_start3A_675, %dma_start3A_676] : memref<8x512x2048xf32, #tpu.memory_space<vmem>> -> memref<1x512x2048xf32, #tpu.memory_space<vmem>>
      %dma_start3A_678 = tpu.memref_squeeze %dma_start3A_677 : memref<1x512x2048xf32, #tpu.memory_space<vmem>> -> memref<512x2048xf32, #tpu.memory_space<vmem>>
      %dma_start3A_679 = arith.constant 9728 : i32
      %dma_start3A_680 = arith.constant 0 : i32
      %dma_start3A_681 = tpu.memref_slice %arg0[%dma_start3A_679, %dma_start3A_680] : memref<16384x2048xf32, #tpu.memory_space<any>> -> memref<512x2048xf32, #tpu.memory_space<any>>
      tpu.enqueue_dma source(%dma_start3A_681 : memref<512x2048xf32, #tpu.memory_space<any>>) target(%dma_start3A_678 : memref<512x2048xf32, #tpu.memory_space<vmem>>) target_semaphore(%dma_start3A_674 : memref<!tpu.dma_semaphore, #tpu.memory_space<semaphore_mem>>)
      %dma_wait3A_682 = arith.constant 7 : i32
      %dma_wait3A_683 = arith.constant 7 : i32
      %dma_wait3A_684 = tpu.memref_slice %run_scoped3A_0[%dma_wait3A_683] : memref<8x!tpu.dma_semaphore, #tpu.memory_space<semaphore_mem>> -> memref<1x!tpu.dma_semaphore, #tpu.memory_space<semaphore_mem>>
      %dma_wait3A_685 = tpu.memref_squeeze %dma_wait3A_684 : memref<1x!tpu.dma_semaphore, #tpu.memory_space<semaphore_mem>> -> memref<!tpu.dma_semaphore, #tpu.memory_space<semaphore_mem>>
      %dma_wait3A_686 = arith.constant 0 : i32
      %dma_wait3A_687 = arith.constant 0 : i32
      %dma_wait3A_688 = tpu.memref_slice %run_scoped3A[%dma_wait3A_682, %dma_wait3A_686, %dma_wait3A_687] : memref<8x512x2048xf32, #tpu.memory_space<vmem>> -> memref<1x512x2048xf32, #tpu.memory_space<vmem>>
      %dma_wait3A_689 = tpu.memref_squeeze %dma_wait3A_688 : memref<1x512x2048xf32, #tpu.memory_space<vmem>> -> memref<512x2048xf32, #tpu.memory_space<vmem>>
      %dma_wait3A_690 = arith.constant 7680 : i32
      %dma_wait3A_691 = arith.constant 0 : i32
      %dma_wait3A_692 = tpu.memref_slice %arg0[%dma_wait3A_690, %dma_wait3A_691] : memref<16384x2048xf32, #tpu.memory_space<any>> -> memref<512x2048xf32, #tpu.memory_space<any>>
      tpu.wait_dma2 semaphore(%dma_wait3A_685 : memref<!tpu.dma_semaphore, #tpu.memory_space<semaphore_mem>>) src(%dma_wait3A_692 : memref<512x2048xf32, #tpu.memory_space<any>>) dst(%dma_wait3A_689 : memref<512x2048xf32, #tpu.memory_space<vmem>>)
      %dma_start3A_693 = arith.constant 7 : i32
      %dma_start3A_694 = arith.constant 7 : i32
      %dma_start3A_695 = tpu.memref_slice %run_scoped3A_1[%dma_start3A_694] : memref<8x!tpu.dma_semaphore, #tpu.memory_space<semaphore_mem>> -> memref<1x!tpu.dma_semaphore, #tpu.memory_space<semaphore_mem>>
      %dma_start3A_696 = tpu.memref_squeeze %dma_start3A_695 : memref<1x!tpu.dma_semaphore, #tpu.memory_space<semaphore_mem>> -> memref<!tpu.dma_semaphore, #tpu.memory_space<semaphore_mem>>
      %dma_start3A_697 = arith.constant 7680 : i32
      %dma_start3A_698 = arith.constant 0 : i32
      %dma_start3A_699 = tpu.memref_slice %arg1[%dma_start3A_697, %dma_start3A_698] : memref<16384x2048xf32, #tpu.memory_space<any>> -> memref<512x2048xf32, #tpu.memory_space<any>>
      %dma_start3A_700 = arith.constant 0 : i32
      %dma_start3A_701 = arith.constant 0 : i32
      %dma_start3A_702 = tpu.memref_slice %run_scoped3A[%dma_start3A_693, %dma_start3A_700, %dma_start3A_701] : memref<8x512x2048xf32, #tpu.memory_space<vmem>> -> memref<1x512x2048xf32, #tpu.memory_space<vmem>>
      %dma_start3A_703 = tpu.memref_squeeze %dma_start3A_702 : memref<1x512x2048xf32, #tpu.memory_space<vmem>> -> memref<512x2048xf32, #tpu.memory_space<vmem>>
      tpu.enqueue_dma source(%dma_start3A_703 : memref<512x2048xf32, #tpu.memory_space<vmem>>) target(%dma_start3A_699 : memref<512x2048xf32, #tpu.memory_space<any>>) target_semaphore(%dma_start3A_696 : memref<!tpu.dma_semaphore, #tpu.memory_space<semaphore_mem>>)
      %dma_wait3A_704 = arith.constant 4 : i32
      %dma_wait3A_705 = arith.constant 4 : i32
      %dma_wait3A_706 = tpu.memref_slice %run_scoped3A_1[%dma_wait3A_705] : memref<8x!tpu.dma_semaphore, #tpu.memory_space<semaphore_mem>> -> memref<1x!tpu.dma_semaphore, #tpu.memory_space<semaphore_mem>>
      %dma_wait3A_707 = tpu.memref_squeeze %dma_wait3A_706 : memref<1x!tpu.dma_semaphore, #tpu.memory_space<semaphore_mem>> -> memref<!tpu.dma_semaphore, #tpu.memory_space<semaphore_mem>>
      %dma_wait3A_708 = arith.constant 6144 : i32
      %dma_wait3A_709 = arith.constant 0 : i32
      %dma_wait3A_710 = tpu.memref_slice %arg1[%dma_wait3A_708, %dma_wait3A_709] : memref<16384x2048xf32, #tpu.memory_space<any>> -> memref<512x2048xf32, #tpu.memory_space<any>>
      %dma_wait3A_711 = arith.constant 0 : i32
      %dma_wait3A_712 = arith.constant 0 : i32
      %dma_wait3A_713 = tpu.memref_slice %run_scoped3A[%dma_wait3A_704, %dma_wait3A_711, %dma_wait3A_712] : memref<8x512x2048xf32, #tpu.memory_space<vmem>> -> memref<1x512x2048xf32, #tpu.memory_space<vmem>>
      %dma_wait3A_714 = tpu.memref_squeeze %dma_wait3A_713 : memref<1x512x2048xf32, #tpu.memory_space<vmem>> -> memref<512x2048xf32, #tpu.memory_space<vmem>>
      tpu.wait_dma2 semaphore(%dma_wait3A_707 : memref<!tpu.dma_semaphore, #tpu.memory_space<semaphore_mem>>) src(%dma_wait3A_714 : memref<512x2048xf32, #tpu.memory_space<vmem>>) dst(%dma_wait3A_710 : memref<512x2048xf32, #tpu.memory_space<any>>)
      %dma_start3A_715 = arith.constant 4 : i32
      %dma_start3A_716 = arith.constant 4 : i32
      %dma_start3A_717 = tpu.memref_slice %run_scoped3A_0[%dma_start3A_716] : memref<8x!tpu.dma_semaphore, #tpu.memory_space<semaphore_mem>> -> memref<1x!tpu.dma_semaphore, #tpu.memory_space<semaphore_mem>>
      %dma_start3A_718 = tpu.memref_squeeze %dma_start3A_717 : memref<1x!tpu.dma_semaphore, #tpu.memory_space<semaphore_mem>> -> memref<!tpu.dma_semaphore, #tpu.memory_space<semaphore_mem>>
      %dma_start3A_719 = arith.constant 0 : i32
      %dma_start3A_720 = arith.constant 0 : i32
      %dma_start3A_721 = tpu.memref_slice %run_scoped3A[%dma_start3A_715, %dma_start3A_719, %dma_start3A_720] : memref<8x512x2048xf32, #tpu.memory_space<vmem>> -> memref<1x512x2048xf32, #tpu.memory_space<vmem>>
      %dma_start3A_722 = tpu.memref_squeeze %dma_start3A_721 : memref<1x512x2048xf32, #tpu.memory_space<vmem>> -> memref<512x2048xf32, #tpu.memory_space<vmem>>
      %dma_start3A_723 = arith.constant 10240 : i32
      %dma_start3A_724 = arith.constant 0 : i32
      %dma_start3A_725 = tpu.memref_slice %arg0[%dma_start3A_723, %dma_start3A_724] : memref<16384x2048xf32, #tpu.memory_space<any>> -> memref<512x2048xf32, #tpu.memory_space<any>>
      tpu.enqueue_dma source(%dma_start3A_725 : memref<512x2048xf32, #tpu.memory_space<any>>) target(%dma_start3A_722 : memref<512x2048xf32, #tpu.memory_space<vmem>>) target_semaphore(%dma_start3A_718 : memref<!tpu.dma_semaphore, #tpu.memory_space<semaphore_mem>>)
      %dma_wait3A_726 = arith.constant 0 : i32
      %dma_wait3A_727 = arith.constant 0 : i32
      %dma_wait3A_728 = tpu.memref_slice %run_scoped3A_0[%dma_wait3A_727] : memref<8x!tpu.dma_semaphore, #tpu.memory_space<semaphore_mem>> -> memref<1x!tpu.dma_semaphore, #tpu.memory_space<semaphore_mem>>
      %dma_wait3A_729 = tpu.memref_squeeze %dma_wait3A_728 : memref<1x!tpu.dma_semaphore, #tpu.memory_space<semaphore_mem>> -> memref<!tpu.dma_semaphore, #tpu.memory_space<semaphore_mem>>
      %dma_wait3A_730 = arith.constant 0 : i32
      %dma_wait3A_731 = arith.constant 0 : i32
      %dma_wait3A_732 = tpu.memref_slice %run_scoped3A[%dma_wait3A_726, %dma_wait3A_730, %dma_wait3A_731] : memref<8x512x2048xf32, #tpu.memory_space<vmem>> -> memref<1x512x2048xf32, #tpu.memory_space<vmem>>
      %dma_wait3A_733 = tpu.memref_squeeze %dma_wait3A_732 : memref<1x512x2048xf32, #tpu.memory_space<vmem>> -> memref<512x2048xf32, #tpu.memory_space<vmem>>
      %dma_wait3A_734 = arith.constant 8192 : i32
      %dma_wait3A_735 = arith.constant 0 : i32
      %dma_wait3A_736 = tpu.memref_slice %arg0[%dma_wait3A_734, %dma_wait3A_735] : memref<16384x2048xf32, #tpu.memory_space<any>> -> memref<512x2048xf32, #tpu.memory_space<any>>
      tpu.wait_dma2 semaphore(%dma_wait3A_729 : memref<!tpu.dma_semaphore, #tpu.memory_space<semaphore_mem>>) src(%dma_wait3A_736 : memref<512x2048xf32, #tpu.memory_space<any>>) dst(%dma_wait3A_733 : memref<512x2048xf32, #tpu.memory_space<vmem>>)
      %dma_start3A_737 = arith.constant 0 : i32
      %dma_start3A_738 = arith.constant 0 : i32
      %dma_start3A_739 = tpu.memref_slice %run_scoped3A_1[%dma_start3A_738] : memref<8x!tpu.dma_semaphore, #tpu.memory_space<semaphore_mem>> -> memref<1x!tpu.dma_semaphore, #tpu.memory_space<semaphore_mem>>
      %dma_start3A_740 = tpu.memref_squeeze %dma_start3A_739 : memref<1x!tpu.dma_semaphore, #tpu.memory_space<semaphore_mem>> -> memref<!tpu.dma_semaphore, #tpu.memory_space<semaphore_mem>>
      %dma_start3A_741 = arith.constant 8192 : i32
      %dma_start3A_742 = arith.constant 0 : i32
      %dma_start3A_743 = tpu.memref_slice %arg1[%dma_start3A_741, %dma_start3A_742] : memref<16384x2048xf32, #tpu.memory_space<any>> -> memref<512x2048xf32, #tpu.memory_space<any>>
      %dma_start3A_744 = arith.constant 0 : i32
      %dma_start3A_745 = arith.constant 0 : i32
      %dma_start3A_746 = tpu.memref_slice %run_scoped3A[%dma_start3A_737, %dma_start3A_744, %dma_start3A_745] : memref<8x512x2048xf32, #tpu.memory_space<vmem>> -> memref<1x512x2048xf32, #tpu.memory_space<vmem>>
      %dma_start3A_747 = tpu.memref_squeeze %dma_start3A_746 : memref<1x512x2048xf32, #tpu.memory_space<vmem>> -> memref<512x2048xf32, #tpu.memory_space<vmem>>
      tpu.enqueue_dma source(%dma_start3A_747 : memref<512x2048xf32, #tpu.memory_space<vmem>>) target(%dma_start3A_743 : memref<512x2048xf32, #tpu.memory_space<any>>) target_semaphore(%dma_start3A_740 : memref<!tpu.dma_semaphore, #tpu.memory_space<semaphore_mem>>)
      %dma_wait3A_748 = arith.constant 5 : i32
      %dma_wait3A_749 = arith.constant 5 : i32
      %dma_wait3A_750 = tpu.memref_slice %run_scoped3A_1[%dma_wait3A_749] : memref<8x!tpu.dma_semaphore, #tpu.memory_space<semaphore_mem>> -> memref<1x!tpu.dma_semaphore, #tpu.memory_space<semaphore_mem>>
      %dma_wait3A_751 = tpu.memref_squeeze %dma_wait3A_750 : memref<1x!tpu.dma_semaphore, #tpu.memory_space<semaphore_mem>> -> memref<!tpu.dma_semaphore, #tpu.memory_space<semaphore_mem>>
      %dma_wait3A_752 = arith.constant 6656 : i32
      %dma_wait3A_753 = arith.constant 0 : i32
      %dma_wait3A_754 = tpu.memref_slice %arg1[%dma_wait3A_752, %dma_wait3A_753] : memref<16384x2048xf32, #tpu.memory_space<any>> -> memref<512x2048xf32, #tpu.memory_space<any>>
      %dma_wait3A_755 = arith.constant 0 : i32
      %dma_wait3A_756 = arith.constant 0 : i32
      %dma_wait3A_757 = tpu.memref_slice %run_scoped3A[%dma_wait3A_748, %dma_wait3A_755, %dma_wait3A_756] : memref<8x512x2048xf32, #tpu.memory_space<vmem>> -> memref<1x512x2048xf32, #tpu.memory_space<vmem>>
      %dma_wait3A_758 = tpu.memref_squeeze %dma_wait3A_757 : memref<1x512x2048xf32, #tpu.memory_space<vmem>> -> memref<512x2048xf32, #tpu.memory_space<vmem>>
      tpu.wait_dma2 semaphore(%dma_wait3A_751 : memref<!tpu.dma_semaphore, #tpu.memory_space<semaphore_mem>>) src(%dma_wait3A_758 : memref<512x2048xf32, #tpu.memory_space<vmem>>) dst(%dma_wait3A_754 : memref<512x2048xf32, #tpu.memory_space<any>>)
      %dma_start3A_759 = arith.constant 5 : i32
      %dma_start3A_760 = arith.constant 5 : i32
      %dma_start3A_761 = tpu.memref_slice %run_scoped3A_0[%dma_start3A_760] : memref<8x!tpu.dma_semaphore, #tpu.memory_space<semaphore_mem>> -> memref<1x!tpu.dma_semaphore, #tpu.memory_space<semaphore_mem>>
      %dma_start3A_762 = tpu.memref_squeeze %dma_start3A_761 : memref<1x!tpu.dma_semaphore, #tpu.memory_space<semaphore_mem>> -> memref<!tpu.dma_semaphore, #tpu.memory_space<semaphore_mem>>
      %dma_start3A_763 = arith.constant 0 : i32
      %dma_start3A_764 = arith.constant 0 : i32
      %dma_start3A_765 = tpu.memref_slice %run_scoped3A[%dma_start3A_759, %dma_start3A_763, %dma_start3A_764] : memref<8x512x2048xf32, #tpu.memory_space<vmem>> -> memref<1x512x2048xf32, #tpu.memory_space<vmem>>
      %dma_start3A_766 = tpu.memref_squeeze %dma_start3A_765 : memref<1x512x2048xf32, #tpu.memory_space<vmem>> -> memref<512x2048xf32, #tpu.memory_space<vmem>>
      %dma_start3A_767 = arith.constant 10752 : i32
      %dma_start3A_768 = arith.constant 0 : i32
      %dma_start3A_769 = tpu.memref_slice %arg0[%dma_start3A_767, %dma_start3A_768] : memref<16384x2048xf32, #tpu.memory_space<any>> -> memref<512x2048xf32, #tpu.memory_space<any>>
      tpu.enqueue_dma source(%dma_start3A_769 : memref<512x2048xf32, #tpu.memory_space<any>>) target(%dma_start3A_766 : memref<512x2048xf32, #tpu.memory_space<vmem>>) target_semaphore(%dma_start3A_762 : memref<!tpu.dma_semaphore, #tpu.memory_space<semaphore_mem>>)
      %dma_wait3A_770 = arith.constant 1 : i32
      %dma_wait3A_771 = arith.constant 1 : i32
      %dma_wait3A_772 = tpu.memref_slice %run_scoped3A_0[%dma_wait3A_771] : memref<8x!tpu.dma_semaphore, #tpu.memory_space<semaphore_mem>> -> memref<1x!tpu.dma_semaphore, #tpu.memory_space<semaphore_mem>>
      %dma_wait3A_773 = tpu.memref_squeeze %dma_wait3A_772 : memref<1x!tpu.dma_semaphore, #tpu.memory_space<semaphore_mem>> -> memref<!tpu.dma_semaphore, #tpu.memory_space<semaphore_mem>>
      %dma_wait3A_774 = arith.constant 0 : i32
      %dma_wait3A_775 = arith.constant 0 : i32
      %dma_wait3A_776 = tpu.memref_slice %run_scoped3A[%dma_wait3A_770, %dma_wait3A_774, %dma_wait3A_775] : memref<8x512x2048xf32, #tpu.memory_space<vmem>> -> memref<1x512x2048xf32, #tpu.memory_space<vmem>>
      %dma_wait3A_777 = tpu.memref_squeeze %dma_wait3A_776 : memref<1x512x2048xf32, #tpu.memory_space<vmem>> -> memref<512x2048xf32, #tpu.memory_space<vmem>>
      %dma_wait3A_778 = arith.constant 8704 : i32
      %dma_wait3A_779 = arith.constant 0 : i32
      %dma_wait3A_780 = tpu.memref_slice %arg0[%dma_wait3A_778, %dma_wait3A_779] : memref<16384x2048xf32, #tpu.memory_space<any>> -> memref<512x2048xf32, #tpu.memory_space<any>>
      tpu.wait_dma2 semaphore(%dma_wait3A_773 : memref<!tpu.dma_semaphore, #tpu.memory_space<semaphore_mem>>) src(%dma_wait3A_780 : memref<512x2048xf32, #tpu.memory_space<any>>) dst(%dma_wait3A_777 : memref<512x2048xf32, #tpu.memory_space<vmem>>)
      %dma_start3A_781 = arith.constant 1 : i32
      %dma_start3A_782 = arith.constant 1 : i32
      %dma_start3A_783 = tpu.memref_slice %run_scoped3A_1[%dma_start3A_782] : memref<8x!tpu.dma_semaphore, #tpu.memory_space<semaphore_mem>> -> memref<1x!tpu.dma_semaphore, #tpu.memory_space<semaphore_mem>>
      %dma_start3A_784 = tpu.memref_squeeze %dma_start3A_783 : memref<1x!tpu.dma_semaphore, #tpu.memory_space<semaphore_mem>> -> memref<!tpu.dma_semaphore, #tpu.memory_space<semaphore_mem>>
      %dma_start3A_785 = arith.constant 8704 : i32
      %dma_start3A_786 = arith.constant 0 : i32
      %dma_start3A_787 = tpu.memref_slice %arg1[%dma_start3A_785, %dma_start3A_786] : memref<16384x2048xf32, #tpu.memory_space<any>> -> memref<512x2048xf32, #tpu.memory_space<any>>
      %dma_start3A_788 = arith.constant 0 : i32
      %dma_start3A_789 = arith.constant 0 : i32
      %dma_start3A_790 = tpu.memref_slice %run_scoped3A[%dma_start3A_781, %dma_start3A_788, %dma_start3A_789] : memref<8x512x2048xf32, #tpu.memory_space<vmem>> -> memref<1x512x2048xf32, #tpu.memory_space<vmem>>
      %dma_start3A_791 = tpu.memref_squeeze %dma_start3A_790 : memref<1x512x2048xf32, #tpu.memory_space<vmem>> -> memref<512x2048xf32, #tpu.memory_space<vmem>>
      tpu.enqueue_dma source(%dma_start3A_791 : memref<512x2048xf32, #tpu.memory_space<vmem>>) target(%dma_start3A_787 : memref<512x2048xf32, #tpu.memory_space<any>>) target_semaphore(%dma_start3A_784 : memref<!tpu.dma_semaphore, #tpu.memory_space<semaphore_mem>>)
      %dma_wait3A_792 = arith.constant 6 : i32
      %dma_wait3A_793 = arith.constant 6 : i32
      %dma_wait3A_794 = tpu.memref_slice %run_scoped3A_1[%dma_wait3A_793] : memref<8x!tpu.dma_semaphore, #tpu.memory_space<semaphore_mem>> -> memref<1x!tpu.dma_semaphore, #tpu.memory_space<semaphore_mem>>
      %dma_wait3A_795 = tpu.memref_squeeze %dma_wait3A_794 : memref<1x!tpu.dma_semaphore, #tpu.memory_space<semaphore_mem>> -> memref<!tpu.dma_semaphore, #tpu.memory_space<semaphore_mem>>
      %dma_wait3A_796 = arith.constant 7168 : i32
      %dma_wait3A_797 = arith.constant 0 : i32
      %dma_wait3A_798 = tpu.memref_slice %arg1[%dma_wait3A_796, %dma_wait3A_797] : memref<16384x2048xf32, #tpu.memory_space<any>> -> memref<512x2048xf32, #tpu.memory_space<any>>
      %dma_wait3A_799 = arith.constant 0 : i32
      %dma_wait3A_800 = arith.constant 0 : i32
      %dma_wait3A_801 = tpu.memref_slice %run_scoped3A[%dma_wait3A_792, %dma_wait3A_799, %dma_wait3A_800] : memref<8x512x2048xf32, #tpu.memory_space<vmem>> -> memref<1x512x2048xf32, #tpu.memory_space<vmem>>
      %dma_wait3A_802 = tpu.memref_squeeze %dma_wait3A_801 : memref<1x512x2048xf32, #tpu.memory_space<vmem>> -> memref<512x2048xf32, #tpu.memory_space<vmem>>
      tpu.wait_dma2 semaphore(%dma_wait3A_795 : memref<!tpu.dma_semaphore, #tpu.memory_space<semaphore_mem>>) src(%dma_wait3A_802 : memref<512x2048xf32, #tpu.memory_space<vmem>>) dst(%dma_wait3A_798 : memref<512x2048xf32, #tpu.memory_space<any>>)
      %dma_start3A_803 = arith.constant 6 : i32
      %dma_start3A_804 = arith.constant 6 : i32
      %dma_start3A_805 = tpu.memref_slice %run_scoped3A_0[%dma_start3A_804] : memref<8x!tpu.dma_semaphore, #tpu.memory_space<semaphore_mem>> -> memref<1x!tpu.dma_semaphore, #tpu.memory_space<semaphore_mem>>
      %dma_start3A_806 = tpu.memref_squeeze %dma_start3A_805 : memref<1x!tpu.dma_semaphore, #tpu.memory_space<semaphore_mem>> -> memref<!tpu.dma_semaphore, #tpu.memory_space<semaphore_mem>>
      %dma_start3A_807 = arith.constant 0 : i32
      %dma_start3A_808 = arith.constant 0 : i32
      %dma_start3A_809 = tpu.memref_slice %run_scoped3A[%dma_start3A_803, %dma_start3A_807, %dma_start3A_808] : memref<8x512x2048xf32, #tpu.memory_space<vmem>> -> memref<1x512x2048xf32, #tpu.memory_space<vmem>>
      %dma_start3A_810 = tpu.memref_squeeze %dma_start3A_809 : memref<1x512x2048xf32, #tpu.memory_space<vmem>> -> memref<512x2048xf32, #tpu.memory_space<vmem>>
      %dma_start3A_811 = arith.constant 11264 : i32
      %dma_start3A_812 = arith.constant 0 : i32
      %dma_start3A_813 = tpu.memref_slice %arg0[%dma_start3A_811, %dma_start3A_812] : memref<16384x2048xf32, #tpu.memory_space<any>> -> memref<512x2048xf32, #tpu.memory_space<any>>
      tpu.enqueue_dma source(%dma_start3A_813 : memref<512x2048xf32, #tpu.memory_space<any>>) target(%dma_start3A_810 : memref<512x2048xf32, #tpu.memory_space<vmem>>) target_semaphore(%dma_start3A_806 : memref<!tpu.dma_semaphore, #tpu.memory_space<semaphore_mem>>)
      %dma_wait3A_814 = arith.constant 2 : i32
      %dma_wait3A_815 = arith.constant 2 : i32
      %dma_wait3A_816 = tpu.memref_slice %run_scoped3A_0[%dma_wait3A_815] : memref<8x!tpu.dma_semaphore, #tpu.memory_space<semaphore_mem>> -> memref<1x!tpu.dma_semaphore, #tpu.memory_space<semaphore_mem>>
      %dma_wait3A_817 = tpu.memref_squeeze %dma_wait3A_816 : memref<1x!tpu.dma_semaphore, #tpu.memory_space<semaphore_mem>> -> memref<!tpu.dma_semaphore, #tpu.memory_space<semaphore_mem>>
      %dma_wait3A_818 = arith.constant 0 : i32
      %dma_wait3A_819 = arith.constant 0 : i32
      %dma_wait3A_820 = tpu.memref_slice %run_scoped3A[%dma_wait3A_814, %dma_wait3A_818, %dma_wait3A_819] : memref<8x512x2048xf32, #tpu.memory_space<vmem>> -> memref<1x512x2048xf32, #tpu.memory_space<vmem>>
      %dma_wait3A_821 = tpu.memref_squeeze %dma_wait3A_820 : memref<1x512x2048xf32, #tpu.memory_space<vmem>> -> memref<512x2048xf32, #tpu.memory_space<vmem>>
      %dma_wait3A_822 = arith.constant 9216 : i32
      %dma_wait3A_823 = arith.constant 0 : i32
      %dma_wait3A_824 = tpu.memref_slice %arg0[%dma_wait3A_822, %dma_wait3A_823] : memref<16384x2048xf32, #tpu.memory_space<any>> -> memref<512x2048xf32, #tpu.memory_space<any>>
      tpu.wait_dma2 semaphore(%dma_wait3A_817 : memref<!tpu.dma_semaphore, #tpu.memory_space<semaphore_mem>>) src(%dma_wait3A_824 : memref<512x2048xf32, #tpu.memory_space<any>>) dst(%dma_wait3A_821 : memref<512x2048xf32, #tpu.memory_space<vmem>>)
      %dma_start3A_825 = arith.constant 2 : i32
      %dma_start3A_826 = arith.constant 2 : i32
      %dma_start3A_827 = tpu.memref_slice %run_scoped3A_1[%dma_start3A_826] : memref<8x!tpu.dma_semaphore, #tpu.memory_space<semaphore_mem>> -> memref<1x!tpu.dma_semaphore, #tpu.memory_space<semaphore_mem>>
      %dma_start3A_828 = tpu.memref_squeeze %dma_start3A_827 : memref<1x!tpu.dma_semaphore, #tpu.memory_space<semaphore_mem>> -> memref<!tpu.dma_semaphore, #tpu.memory_space<semaphore_mem>>
      %dma_start3A_829 = arith.constant 9216 : i32
      %dma_start3A_830 = arith.constant 0 : i32
      %dma_start3A_831 = tpu.memref_slice %arg1[%dma_start3A_829, %dma_start3A_830] : memref<16384x2048xf32, #tpu.memory_space<any>> -> memref<512x2048xf32, #tpu.memory_space<any>>
      %dma_start3A_832 = arith.constant 0 : i32
      %dma_start3A_833 = arith.constant 0 : i32
      %dma_start3A_834 = tpu.memref_slice %run_scoped3A[%dma_start3A_825, %dma_start3A_832, %dma_start3A_833] : memref<8x512x2048xf32, #tpu.memory_space<vmem>> -> memref<1x512x2048xf32, #tpu.memory_space<vmem>>
      %dma_start3A_835 = tpu.memref_squeeze %dma_start3A_834 : memref<1x512x2048xf32, #tpu.memory_space<vmem>> -> memref<512x2048xf32, #tpu.memory_space<vmem>>
      tpu.enqueue_dma source(%dma_start3A_835 : memref<512x2048xf32, #tpu.memory_space<vmem>>) target(%dma_start3A_831 : memref<512x2048xf32, #tpu.memory_space<any>>) target_semaphore(%dma_start3A_828 : memref<!tpu.dma_semaphore, #tpu.memory_space<semaphore_mem>>)
      %dma_wait3A_836 = arith.constant 7 : i32
      %dma_wait3A_837 = arith.constant 7 : i32
      %dma_wait3A_838 = tpu.memref_slice %run_scoped3A_1[%dma_wait3A_837] : memref<8x!tpu.dma_semaphore, #tpu.memory_space<semaphore_mem>> -> memref<1x!tpu.dma_semaphore, #tpu.memory_space<semaphore_mem>>
      %dma_wait3A_839 = tpu.memref_squeeze %dma_wait3A_838 : memref<1x!tpu.dma_semaphore, #tpu.memory_space<semaphore_mem>> -> memref<!tpu.dma_semaphore, #tpu.memory_space<semaphore_mem>>
      %dma_wait3A_840 = arith.constant 7680 : i32
      %dma_wait3A_841 = arith.constant 0 : i32
      %dma_wait3A_842 = tpu.memref_slice %arg1[%dma_wait3A_840, %dma_wait3A_841] : memref<16384x2048xf32, #tpu.memory_space<any>> -> memref<512x2048xf32, #tpu.memory_space<any>>
      %dma_wait3A_843 = arith.constant 0 : i32
      %dma_wait3A_844 = arith.constant 0 : i32
      %dma_wait3A_845 = tpu.memref_slice %run_scoped3A[%dma_wait3A_836, %dma_wait3A_843, %dma_wait3A_844] : memref<8x512x2048xf32, #tpu.memory_space<vmem>> -> memref<1x512x2048xf32, #tpu.memory_space<vmem>>
      %dma_wait3A_846 = tpu.memref_squeeze %dma_wait3A_845 : memref<1x512x2048xf32, #tpu.memory_space<vmem>> -> memref<512x2048xf32, #tpu.memory_space<vmem>>
      tpu.wait_dma2 semaphore(%dma_wait3A_839 : memref<!tpu.dma_semaphore, #tpu.memory_space<semaphore_mem>>) src(%dma_wait3A_846 : memref<512x2048xf32, #tpu.memory_space<vmem>>) dst(%dma_wait3A_842 : memref<512x2048xf32, #tpu.memory_space<any>>)
      %dma_start3A_847 = arith.constant 7 : i32
      %dma_start3A_848 = arith.constant 7 : i32
      %dma_start3A_849 = tpu.memref_slice %run_scoped3A_0[%dma_start3A_848] : memref<8x!tpu.dma_semaphore, #tpu.memory_space<semaphore_mem>> -> memref<1x!tpu.dma_semaphore, #tpu.memory_space<semaphore_mem>>
      %dma_start3A_850 = tpu.memref_squeeze %dma_start3A_849 : memref<1x!tpu.dma_semaphore, #tpu.memory_space<semaphore_mem>> -> memref<!tpu.dma_semaphore, #tpu.memory_space<semaphore_mem>>
      %dma_start3A_851 = arith.constant 0 : i32
      %dma_start3A_852 = arith.constant 0 : i32
      %dma_start3A_853 = tpu.memref_slice %run_scoped3A[%dma_start3A_847, %dma_start3A_851, %dma_start3A_852] : memref<8x512x2048xf32, #tpu.memory_space<vmem>> -> memref<1x512x2048xf32, #tpu.memory_space<vmem>>
      %dma_start3A_854 = tpu.memref_squeeze %dma_start3A_853 : memref<1x512x2048xf32, #tpu.memory_space<vmem>> -> memref<512x2048xf32, #tpu.memory_space<vmem>>
      %dma_start3A_855 = arith.constant 11776 : i32
      %dma_start3A_856 = arith.constant 0 : i32
      %dma_start3A_857 = tpu.memref_slice %arg0[%dma_start3A_855, %dma_start3A_856] : memref<16384x2048xf32, #tpu.memory_space<any>> -> memref<512x2048xf32, #tpu.memory_space<any>>
      tpu.enqueue_dma source(%dma_start3A_857 : memref<512x2048xf32, #tpu.memory_space<any>>) target(%dma_start3A_854 : memref<512x2048xf32, #tpu.memory_space<vmem>>) target_semaphore(%dma_start3A_850 : memref<!tpu.dma_semaphore, #tpu.memory_space<semaphore_mem>>)
      %dma_wait3A_858 = arith.constant 3 : i32
      %dma_wait3A_859 = arith.constant 3 : i32
      %dma_wait3A_860 = tpu.memref_slice %run_scoped3A_0[%dma_wait3A_859] : memref<8x!tpu.dma_semaphore, #tpu.memory_space<semaphore_mem>> -> memref<1x!tpu.dma_semaphore, #tpu.memory_space<semaphore_mem>>
      %dma_wait3A_861 = tpu.memref_squeeze %dma_wait3A_860 : memref<1x!tpu.dma_semaphore, #tpu.memory_space<semaphore_mem>> -> memref<!tpu.dma_semaphore, #tpu.memory_space<semaphore_mem>>
      %dma_wait3A_862 = arith.constant 0 : i32
      %dma_wait3A_863 = arith.constant 0 : i32
      %dma_wait3A_864 = tpu.memref_slice %run_scoped3A[%dma_wait3A_858, %dma_wait3A_862, %dma_wait3A_863] : memref<8x512x2048xf32, #tpu.memory_space<vmem>> -> memref<1x512x2048xf32, #tpu.memory_space<vmem>>
      %dma_wait3A_865 = tpu.memref_squeeze %dma_wait3A_864 : memref<1x512x2048xf32, #tpu.memory_space<vmem>> -> memref<512x2048xf32, #tpu.memory_space<vmem>>
      %dma_wait3A_866 = arith.constant 9728 : i32
      %dma_wait3A_867 = arith.constant 0 : i32
      %dma_wait3A_868 = tpu.memref_slice %arg0[%dma_wait3A_866, %dma_wait3A_867] : memref<16384x2048xf32, #tpu.memory_space<any>> -> memref<512x2048xf32, #tpu.memory_space<any>>
      tpu.wait_dma2 semaphore(%dma_wait3A_861 : memref<!tpu.dma_semaphore, #tpu.memory_space<semaphore_mem>>) src(%dma_wait3A_868 : memref<512x2048xf32, #tpu.memory_space<any>>) dst(%dma_wait3A_865 : memref<512x2048xf32, #tpu.memory_space<vmem>>)
      %dma_start3A_869 = arith.constant 3 : i32
      %dma_start3A_870 = arith.constant 3 : i32
      %dma_start3A_871 = tpu.memref_slice %run_scoped3A_1[%dma_start3A_870] : memref<8x!tpu.dma_semaphore, #tpu.memory_space<semaphore_mem>> -> memref<1x!tpu.dma_semaphore, #tpu.memory_space<semaphore_mem>>
      %dma_start3A_872 = tpu.memref_squeeze %dma_start3A_871 : memref<1x!tpu.dma_semaphore, #tpu.memory_space<semaphore_mem>> -> memref<!tpu.dma_semaphore, #tpu.memory_space<semaphore_mem>>
      %dma_start3A_873 = arith.constant 9728 : i32
      %dma_start3A_874 = arith.constant 0 : i32
      %dma_start3A_875 = tpu.memref_slice %arg1[%dma_start3A_873, %dma_start3A_874] : memref<16384x2048xf32, #tpu.memory_space<any>> -> memref<512x2048xf32, #tpu.memory_space<any>>
      %dma_start3A_876 = arith.constant 0 : i32
      %dma_start3A_877 = arith.constant 0 : i32
      %dma_start3A_878 = tpu.memref_slice %run_scoped3A[%dma_start3A_869, %dma_start3A_876, %dma_start3A_877] : memref<8x512x2048xf32, #tpu.memory_space<vmem>> -> memref<1x512x2048xf32, #tpu.memory_space<vmem>>
      %dma_start3A_879 = tpu.memref_squeeze %dma_start3A_878 : memref<1x512x2048xf32, #tpu.memory_space<vmem>> -> memref<512x2048xf32, #tpu.memory_space<vmem>>
      tpu.enqueue_dma source(%dma_start3A_879 : memref<512x2048xf32, #tpu.memory_space<vmem>>) target(%dma_start3A_875 : memref<512x2048xf32, #tpu.memory_space<any>>) target_semaphore(%dma_start3A_872 : memref<!tpu.dma_semaphore, #tpu.memory_space<semaphore_mem>>)
      %dma_wait3A_880 = arith.constant 0 : i32
      %dma_wait3A_881 = arith.constant 0 : i32
      %dma_wait3A_882 = tpu.memref_slice %run_scoped3A_1[%dma_wait3A_881] : memref<8x!tpu.dma_semaphore, #tpu.memory_space<semaphore_mem>> -> memref<1x!tpu.dma_semaphore, #tpu.memory_space<semaphore_mem>>
      %dma_wait3A_883 = tpu.memref_squeeze %dma_wait3A_882 : memref<1x!tpu.dma_semaphore, #tpu.memory_space<semaphore_mem>> -> memref<!tpu.dma_semaphore, #tpu.memory_space<semaphore_mem>>
      %dma_wait3A_884 = arith.constant 8192 : i32
      %dma_wait3A_885 = arith.constant 0 : i32
      %dma_wait3A_886 = tpu.memref_slice %arg1[%dma_wait3A_884, %dma_wait3A_885] : memref<16384x2048xf32, #tpu.memory_space<any>> -> memref<512x2048xf32, #tpu.memory_space<any>>
      %dma_wait3A_887 = arith.constant 0 : i32
      %dma_wait3A_888 = arith.constant 0 : i32
      %dma_wait3A_889 = tpu.memref_slice %run_scoped3A[%dma_wait3A_880, %dma_wait3A_887, %dma_wait3A_888] : memref<8x512x2048xf32, #tpu.memory_space<vmem>> -> memref<1x512x2048xf32, #tpu.memory_space<vmem>>
      %dma_wait3A_890 = tpu.memref_squeeze %dma_wait3A_889 : memref<1x512x2048xf32, #tpu.memory_space<vmem>> -> memref<512x2048xf32, #tpu.memory_space<vmem>>
      tpu.wait_dma2 semaphore(%dma_wait3A_883 : memref<!tpu.dma_semaphore, #tpu.memory_space<semaphore_mem>>) src(%dma_wait3A_890 : memref<512x2048xf32, #tpu.memory_space<vmem>>) dst(%dma_wait3A_886 : memref<512x2048xf32, #tpu.memory_space<any>>)
      %dma_start3A_891 = arith.constant 0 : i32
      %dma_start3A_892 = arith.constant 0 : i32
      %dma_start3A_893 = tpu.memref_slice %run_scoped3A_0[%dma_start3A_892] : memref<8x!tpu.dma_semaphore, #tpu.memory_space<semaphore_mem>> -> memref<1x!tpu.dma_semaphore, #tpu.memory_space<semaphore_mem>>
      %dma_start3A_894 = tpu.memref_squeeze %dma_start3A_893 : memref<1x!tpu.dma_semaphore, #tpu.memory_space<semaphore_mem>> -> memref<!tpu.dma_semaphore, #tpu.memory_space<semaphore_mem>>
      %dma_start3A_895 = arith.constant 0 : i32
      %dma_start3A_896 = arith.constant 0 : i32
      %dma_start3A_897 = tpu.memref_slice %run_scoped3A[%dma_start3A_891, %dma_start3A_895, %dma_start3A_896] : memref<8x512x2048xf32, #tpu.memory_space<vmem>> -> memref<1x512x2048xf32, #tpu.memory_space<vmem>>
      %dma_start3A_898 = tpu.memref_squeeze %dma_start3A_897 : memref<1x512x2048xf32, #tpu.memory_space<vmem>> -> memref<512x2048xf32, #tpu.memory_space<vmem>>
      %dma_start3A_899 = arith.constant 12288 : i32
      %dma_start3A_900 = arith.constant 0 : i32
      %dma_start3A_901 = tpu.memref_slice %arg0[%dma_start3A_899, %dma_start3A_900] : memref<16384x2048xf32, #tpu.memory_space<any>> -> memref<512x2048xf32, #tpu.memory_space<any>>
      tpu.enqueue_dma source(%dma_start3A_901 : memref<512x2048xf32, #tpu.memory_space<any>>) target(%dma_start3A_898 : memref<512x2048xf32, #tpu.memory_space<vmem>>) target_semaphore(%dma_start3A_894 : memref<!tpu.dma_semaphore, #tpu.memory_space<semaphore_mem>>)
      %dma_wait3A_902 = arith.constant 4 : i32
      %dma_wait3A_903 = arith.constant 4 : i32
      %dma_wait3A_904 = tpu.memref_slice %run_scoped3A_0[%dma_wait3A_903] : memref<8x!tpu.dma_semaphore, #tpu.memory_space<semaphore_mem>> -> memref<1x!tpu.dma_semaphore, #tpu.memory_space<semaphore_mem>>
      %dma_wait3A_905 = tpu.memref_squeeze %dma_wait3A_904 : memref<1x!tpu.dma_semaphore, #tpu.memory_space<semaphore_mem>> -> memref<!tpu.dma_semaphore, #tpu.memory_space<semaphore_mem>>
      %dma_wait3A_906 = arith.constant 0 : i32
      %dma_wait3A_907 = arith.constant 0 : i32
      %dma_wait3A_908 = tpu.memref_slice %run_scoped3A[%dma_wait3A_902, %dma_wait3A_906, %dma_wait3A_907] : memref<8x512x2048xf32, #tpu.memory_space<vmem>> -> memref<1x512x2048xf32, #tpu.memory_space<vmem>>
      %dma_wait3A_909 = tpu.memref_squeeze %dma_wait3A_908 : memref<1x512x2048xf32, #tpu.memory_space<vmem>> -> memref<512x2048xf32, #tpu.memory_space<vmem>>
      %dma_wait3A_910 = arith.constant 10240 : i32
      %dma_wait3A_911 = arith.constant 0 : i32
      %dma_wait3A_912 = tpu.memref_slice %arg0[%dma_wait3A_910, %dma_wait3A_911] : memref<16384x2048xf32, #tpu.memory_space<any>> -> memref<512x2048xf32, #tpu.memory_space<any>>
      tpu.wait_dma2 semaphore(%dma_wait3A_905 : memref<!tpu.dma_semaphore, #tpu.memory_space<semaphore_mem>>) src(%dma_wait3A_912 : memref<512x2048xf32, #tpu.memory_space<any>>) dst(%dma_wait3A_909 : memref<512x2048xf32, #tpu.memory_space<vmem>>)
      %dma_start3A_913 = arith.constant 4 : i32
      %dma_start3A_914 = arith.constant 4 : i32
      %dma_start3A_915 = tpu.memref_slice %run_scoped3A_1[%dma_start3A_914] : memref<8x!tpu.dma_semaphore, #tpu.memory_space<semaphore_mem>> -> memref<1x!tpu.dma_semaphore, #tpu.memory_space<semaphore_mem>>
      %dma_start3A_916 = tpu.memref_squeeze %dma_start3A_915 : memref<1x!tpu.dma_semaphore, #tpu.memory_space<semaphore_mem>> -> memref<!tpu.dma_semaphore, #tpu.memory_space<semaphore_mem>>
      %dma_start3A_917 = arith.constant 10240 : i32
      %dma_start3A_918 = arith.constant 0 : i32
      %dma_start3A_919 = tpu.memref_slice %arg1[%dma_start3A_917, %dma_start3A_918] : memref<16384x2048xf32, #tpu.memory_space<any>> -> memref<512x2048xf32, #tpu.memory_space<any>>
      %dma_start3A_920 = arith.constant 0 : i32
      %dma_start3A_921 = arith.constant 0 : i32
      %dma_start3A_922 = tpu.memref_slice %run_scoped3A[%dma_start3A_913, %dma_start3A_920, %dma_start3A_921] : memref<8x512x2048xf32, #tpu.memory_space<vmem>> -> memref<1x512x2048xf32, #tpu.memory_space<vmem>>
      %dma_start3A_923 = tpu.memref_squeeze %dma_start3A_922 : memref<1x512x2048xf32, #tpu.memory_space<vmem>> -> memref<512x2048xf32, #tpu.memory_space<vmem>>
      tpu.enqueue_dma source(%dma_start3A_923 : memref<512x2048xf32, #tpu.memory_space<vmem>>) target(%dma_start3A_919 : memref<512x2048xf32, #tpu.memory_space<any>>) target_semaphore(%dma_start3A_916 : memref<!tpu.dma_semaphore, #tpu.memory_space<semaphore_mem>>)
      %dma_wait3A_924 = arith.constant 1 : i32
      %dma_wait3A_925 = arith.constant 1 : i32
      %dma_wait3A_926 = tpu.memref_slice %run_scoped3A_1[%dma_wait3A_925] : memref<8x!tpu.dma_semaphore, #tpu.memory_space<semaphore_mem>> -> memref<1x!tpu.dma_semaphore, #tpu.memory_space<semaphore_mem>>
      %dma_wait3A_927 = tpu.memref_squeeze %dma_wait3A_926 : memref<1x!tpu.dma_semaphore, #tpu.memory_space<semaphore_mem>> -> memref<!tpu.dma_semaphore, #tpu.memory_space<semaphore_mem>>
      %dma_wait3A_928 = arith.constant 8704 : i32
      %dma_wait3A_929 = arith.constant 0 : i32
      %dma_wait3A_930 = tpu.memref_slice %arg1[%dma_wait3A_928, %dma_wait3A_929] : memref<16384x2048xf32, #tpu.memory_space<any>> -> memref<512x2048xf32, #tpu.memory_space<any>>
      %dma_wait3A_931 = arith.constant 0 : i32
      %dma_wait3A_932 = arith.constant 0 : i32
      %dma_wait3A_933 = tpu.memref_slice %run_scoped3A[%dma_wait3A_924, %dma_wait3A_931, %dma_wait3A_932] : memref<8x512x2048xf32, #tpu.memory_space<vmem>> -> memref<1x512x2048xf32, #tpu.memory_space<vmem>>
      %dma_wait3A_934 = tpu.memref_squeeze %dma_wait3A_933 : memref<1x512x2048xf32, #tpu.memory_space<vmem>> -> memref<512x2048xf32, #tpu.memory_space<vmem>>
      tpu.wait_dma2 semaphore(%dma_wait3A_927 : memref<!tpu.dma_semaphore, #tpu.memory_space<semaphore_mem>>) src(%dma_wait3A_934 : memref<512x2048xf32, #tpu.memory_space<vmem>>) dst(%dma_wait3A_930 : memref<512x2048xf32, #tpu.memory_space<any>>)
      %dma_start3A_935 = arith.constant 1 : i32
      %dma_start3A_936 = arith.constant 1 : i32
      %dma_start3A_937 = tpu.memref_slice %run_scoped3A_0[%dma_start3A_936] : memref<8x!tpu.dma_semaphore, #tpu.memory_space<semaphore_mem>> -> memref<1x!tpu.dma_semaphore, #tpu.memory_space<semaphore_mem>>
      %dma_start3A_938 = tpu.memref_squeeze %dma_start3A_937 : memref<1x!tpu.dma_semaphore, #tpu.memory_space<semaphore_mem>> -> memref<!tpu.dma_semaphore, #tpu.memory_space<semaphore_mem>>
      %dma_start3A_939 = arith.constant 0 : i32
      %dma_start3A_940 = arith.constant 0 : i32
      %dma_start3A_941 = tpu.memref_slice %run_scoped3A[%dma_start3A_935, %dma_start3A_939, %dma_start3A_940] : memref<8x512x2048xf32, #tpu.memory_space<vmem>> -> memref<1x512x2048xf32, #tpu.memory_space<vmem>>
      %dma_start3A_942 = tpu.memref_squeeze %dma_start3A_941 : memref<1x512x2048xf32, #tpu.memory_space<vmem>> -> memref<512x2048xf32, #tpu.memory_space<vmem>>
      %dma_start3A_943 = arith.constant 12800 : i32
      %dma_start3A_944 = arith.constant 0 : i32
      %dma_start3A_945 = tpu.memref_slice %arg0[%dma_start3A_943, %dma_start3A_944] : memref<16384x2048xf32, #tpu.memory_space<any>> -> memref<512x2048xf32, #tpu.memory_space<any>>
      tpu.enqueue_dma source(%dma_start3A_945 : memref<512x2048xf32, #tpu.memory_space<any>>) target(%dma_start3A_942 : memref<512x2048xf32, #tpu.memory_space<vmem>>) target_semaphore(%dma_start3A_938 : memref<!tpu.dma_semaphore, #tpu.memory_space<semaphore_mem>>)
      %dma_wait3A_946 = arith.constant 5 : i32
      %dma_wait3A_947 = arith.constant 5 : i32
      %dma_wait3A_948 = tpu.memref_slice %run_scoped3A_0[%dma_wait3A_947] : memref<8x!tpu.dma_semaphore, #tpu.memory_space<semaphore_mem>> -> memref<1x!tpu.dma_semaphore, #tpu.memory_space<semaphore_mem>>
      %dma_wait3A_949 = tpu.memref_squeeze %dma_wait3A_948 : memref<1x!tpu.dma_semaphore, #tpu.memory_space<semaphore_mem>> -> memref<!tpu.dma_semaphore, #tpu.memory_space<semaphore_mem>>
      %dma_wait3A_950 = arith.constant 0 : i32
      %dma_wait3A_951 = arith.constant 0 : i32
      %dma_wait3A_952 = tpu.memref_slice %run_scoped3A[%dma_wait3A_946, %dma_wait3A_950, %dma_wait3A_951] : memref<8x512x2048xf32, #tpu.memory_space<vmem>> -> memref<1x512x2048xf32, #tpu.memory_space<vmem>>
      %dma_wait3A_953 = tpu.memref_squeeze %dma_wait3A_952 : memref<1x512x2048xf32, #tpu.memory_space<vmem>> -> memref<512x2048xf32, #tpu.memory_space<vmem>>
      %dma_wait3A_954 = arith.constant 10752 : i32
      %dma_wait3A_955 = arith.constant 0 : i32
      %dma_wait3A_956 = tpu.memref_slice %arg0[%dma_wait3A_954, %dma_wait3A_955] : memref<16384x2048xf32, #tpu.memory_space<any>> -> memref<512x2048xf32, #tpu.memory_space<any>>
      tpu.wait_dma2 semaphore(%dma_wait3A_949 : memref<!tpu.dma_semaphore, #tpu.memory_space<semaphore_mem>>) src(%dma_wait3A_956 : memref<512x2048xf32, #tpu.memory_space<any>>) dst(%dma_wait3A_953 : memref<512x2048xf32, #tpu.memory_space<vmem>>)
      %dma_start3A_957 = arith.constant 5 : i32
      %dma_start3A_958 = arith.constant 5 : i32
      %dma_start3A_959 = tpu.memref_slice %run_scoped3A_1[%dma_start3A_958] : memref<8x!tpu.dma_semaphore, #tpu.memory_space<semaphore_mem>> -> memref<1x!tpu.dma_semaphore, #tpu.memory_space<semaphore_mem>>
      %dma_start3A_960 = tpu.memref_squeeze %dma_start3A_959 : memref<1x!tpu.dma_semaphore, #tpu.memory_space<semaphore_mem>> -> memref<!tpu.dma_semaphore, #tpu.memory_space<semaphore_mem>>
      %dma_start3A_961 = arith.constant 10752 : i32
      %dma_start3A_962 = arith.constant 0 : i32
      %dma_start3A_963 = tpu.memref_slice %arg1[%dma_start3A_961, %dma_start3A_962] : memref<16384x2048xf32, #tpu.memory_space<any>> -> memref<512x2048xf32, #tpu.memory_space<any>>
      %dma_start3A_964 = arith.constant 0 : i32
      %dma_start3A_965 = arith.constant 0 : i32
      %dma_start3A_966 = tpu.memref_slice %run_scoped3A[%dma_start3A_957, %dma_start3A_964, %dma_start3A_965] : memref<8x512x2048xf32, #tpu.memory_space<vmem>> -> memref<1x512x2048xf32, #tpu.memory_space<vmem>>
      %dma_start3A_967 = tpu.memref_squeeze %dma_start3A_966 : memref<1x512x2048xf32, #tpu.memory_space<vmem>> -> memref<512x2048xf32, #tpu.memory_space<vmem>>
      tpu.enqueue_dma source(%dma_start3A_967 : memref<512x2048xf32, #tpu.memory_space<vmem>>) target(%dma_start3A_963 : memref<512x2048xf32, #tpu.memory_space<any>>) target_semaphore(%dma_start3A_960 : memref<!tpu.dma_semaphore, #tpu.memory_space<semaphore_mem>>)
      %dma_wait3A_968 = arith.constant 2 : i32
      %dma_wait3A_969 = arith.constant 2 : i32
      %dma_wait3A_970 = tpu.memref_slice %run_scoped3A_1[%dma_wait3A_969] : memref<8x!tpu.dma_semaphore, #tpu.memory_space<semaphore_mem>> -> memref<1x!tpu.dma_semaphore, #tpu.memory_space<semaphore_mem>>
      %dma_wait3A_971 = tpu.memref_squeeze %dma_wait3A_970 : memref<1x!tpu.dma_semaphore, #tpu.memory_space<semaphore_mem>> -> memref<!tpu.dma_semaphore, #tpu.memory_space<semaphore_mem>>
      %dma_wait3A_972 = arith.constant 9216 : i32
      %dma_wait3A_973 = arith.constant 0 : i32
      %dma_wait3A_974 = tpu.memref_slice %arg1[%dma_wait3A_972, %dma_wait3A_973] : memref<16384x2048xf32, #tpu.memory_space<any>> -> memref<512x2048xf32, #tpu.memory_space<any>>
      %dma_wait3A_975 = arith.constant 0 : i32
      %dma_wait3A_976 = arith.constant 0 : i32
      %dma_wait3A_977 = tpu.memref_slice %run_scoped3A[%dma_wait3A_968, %dma_wait3A_975, %dma_wait3A_976] : memref<8x512x2048xf32, #tpu.memory_space<vmem>> -> memref<1x512x2048xf32, #tpu.memory_space<vmem>>
      %dma_wait3A_978 = tpu.memref_squeeze %dma_wait3A_977 : memref<1x512x2048xf32, #tpu.memory_space<vmem>> -> memref<512x2048xf32, #tpu.memory_space<vmem>>
      tpu.wait_dma2 semaphore(%dma_wait3A_971 : memref<!tpu.dma_semaphore, #tpu.memory_space<semaphore_mem>>) src(%dma_wait3A_978 : memref<512x2048xf32, #tpu.memory_space<vmem>>) dst(%dma_wait3A_974 : memref<512x2048xf32, #tpu.memory_space<any>>)
      %dma_start3A_979 = arith.constant 2 : i32
      %dma_start3A_980 = arith.constant 2 : i32
      %dma_start3A_981 = tpu.memref_slice %run_scoped3A_0[%dma_start3A_980] : memref<8x!tpu.dma_semaphore, #tpu.memory_space<semaphore_mem>> -> memref<1x!tpu.dma_semaphore, #tpu.memory_space<semaphore_mem>>
      %dma_start3A_982 = tpu.memref_squeeze %dma_start3A_981 : memref<1x!tpu.dma_semaphore, #tpu.memory_space<semaphore_mem>> -> memref<!tpu.dma_semaphore, #tpu.memory_space<semaphore_mem>>
      %dma_start3A_983 = arith.constant 0 : i32
      %dma_start3A_984 = arith.constant 0 : i32
      %dma_start3A_985 = tpu.memref_slice %run_scoped3A[%dma_start3A_979, %dma_start3A_983, %dma_start3A_984] : memref<8x512x2048xf32, #tpu.memory_space<vmem>> -> memref<1x512x2048xf32, #tpu.memory_space<vmem>>
      %dma_start3A_986 = tpu.memref_squeeze %dma_start3A_985 : memref<1x512x2048xf32, #tpu.memory_space<vmem>> -> memref<512x2048xf32, #tpu.memory_space<vmem>>
      %dma_start3A_987 = arith.constant 13312 : i32
      %dma_start3A_988 = arith.constant 0 : i32
      %dma_start3A_989 = tpu.memref_slice %arg0[%dma_start3A_987, %dma_start3A_988] : memref<16384x2048xf32, #tpu.memory_space<any>> -> memref<512x2048xf32, #tpu.memory_space<any>>
      tpu.enqueue_dma source(%dma_start3A_989 : memref<512x2048xf32, #tpu.memory_space<any>>) target(%dma_start3A_986 : memref<512x2048xf32, #tpu.memory_space<vmem>>) target_semaphore(%dma_start3A_982 : memref<!tpu.dma_semaphore, #tpu.memory_space<semaphore_mem>>)
      %dma_wait3A_990 = arith.constant 6 : i32
      %dma_wait3A_991 = arith.constant 6 : i32
      %dma_wait3A_992 = tpu.memref_slice %run_scoped3A_0[%dma_wait3A_991] : memref<8x!tpu.dma_semaphore, #tpu.memory_space<semaphore_mem>> -> memref<1x!tpu.dma_semaphore, #tpu.memory_space<semaphore_mem>>
      %dma_wait3A_993 = tpu.memref_squeeze %dma_wait3A_992 : memref<1x!tpu.dma_semaphore, #tpu.memory_space<semaphore_mem>> -> memref<!tpu.dma_semaphore, #tpu.memory_space<semaphore_mem>>
      %dma_wait3A_994 = arith.constant 0 : i32
      %dma_wait3A_995 = arith.constant 0 : i32
      %dma_wait3A_996 = tpu.memref_slice %run_scoped3A[%dma_wait3A_990, %dma_wait3A_994, %dma_wait3A_995] : memref<8x512x2048xf32, #tpu.memory_space<vmem>> -> memref<1x512x2048xf32, #tpu.memory_space<vmem>>
      %dma_wait3A_997 = tpu.memref_squeeze %dma_wait3A_996 : memref<1x512x2048xf32, #tpu.memory_space<vmem>> -> memref<512x2048xf32, #tpu.memory_space<vmem>>
      %dma_wait3A_998 = arith.constant 11264 : i32
      %dma_wait3A_999 = arith.constant 0 : i32
      %dma_wait3A_1000 = tpu.memref_slice %arg0[%dma_wait3A_998, %dma_wait3A_999] : memref<16384x2048xf32, #tpu.memory_space<any>> -> memref<512x2048xf32, #tpu.memory_space<any>>
      tpu.wait_dma2 semaphore(%dma_wait3A_993 : memref<!tpu.dma_semaphore, #tpu.memory_space<semaphore_mem>>) src(%dma_wait3A_1000 : memref<512x2048xf32, #tpu.memory_space<any>>) dst(%dma_wait3A_997 : memref<512x2048xf32, #tpu.memory_space<vmem>>)
      %dma_start3A_1001 = arith.constant 6 : i32
      %dma_start3A_1002 = arith.constant 6 : i32
      %dma_start3A_1003 = tpu.memref_slice %run_scoped3A_1[%dma_start3A_1002] : memref<8x!tpu.dma_semaphore, #tpu.memory_space<semaphore_mem>> -> memref<1x!tpu.dma_semaphore, #tpu.memory_space<semaphore_mem>>
      %dma_start3A_1004 = tpu.memref_squeeze %dma_start3A_1003 : memref<1x!tpu.dma_semaphore, #tpu.memory_space<semaphore_mem>> -> memref<!tpu.dma_semaphore, #tpu.memory_space<semaphore_mem>>
      %dma_start3A_1005 = arith.constant 11264 : i32
      %dma_start3A_1006 = arith.constant 0 : i32
      %dma_start3A_1007 = tpu.memref_slice %arg1[%dma_start3A_1005, %dma_start3A_1006] : memref<16384x2048xf32, #tpu.memory_space<any>> -> memref<512x2048xf32, #tpu.memory_space<any>>
      %dma_start3A_1008 = arith.constant 0 : i32
      %dma_start3A_1009 = arith.constant 0 : i32
      %dma_start3A_1010 = tpu.memref_slice %run_scoped3A[%dma_start3A_1001, %dma_start3A_1008, %dma_start3A_1009] : memref<8x512x2048xf32, #tpu.memory_space<vmem>> -> memref<1x512x2048xf32, #tpu.memory_space<vmem>>
      %dma_start3A_1011 = tpu.memref_squeeze %dma_start3A_1010 : memref<1x512x2048xf32, #tpu.memory_space<vmem>> -> memref<512x2048xf32, #tpu.memory_space<vmem>>
      tpu.enqueue_dma source(%dma_start3A_1011 : memref<512x2048xf32, #tpu.memory_space<vmem>>) target(%dma_start3A_1007 : memref<512x2048xf32, #tpu.memory_space<any>>) target_semaphore(%dma_start3A_1004 : memref<!tpu.dma_semaphore, #tpu.memory_space<semaphore_mem>>)
      %dma_wait3A_1012 = arith.constant 3 : i32
      %dma_wait3A_1013 = arith.constant 3 : i32
      %dma_wait3A_1014 = tpu.memref_slice %run_scoped3A_1[%dma_wait3A_1013] : memref<8x!tpu.dma_semaphore, #tpu.memory_space<semaphore_mem>> -> memref<1x!tpu.dma_semaphore, #tpu.memory_space<semaphore_mem>>
      %dma_wait3A_1015 = tpu.memref_squeeze %dma_wait3A_1014 : memref<1x!tpu.dma_semaphore, #tpu.memory_space<semaphore_mem>> -> memref<!tpu.dma_semaphore, #tpu.memory_space<semaphore_mem>>
      %dma_wait3A_1016 = arith.constant 9728 : i32
      %dma_wait3A_1017 = arith.constant 0 : i32
      %dma_wait3A_1018 = tpu.memref_slice %arg1[%dma_wait3A_1016, %dma_wait3A_1017] : memref<16384x2048xf32, #tpu.memory_space<any>> -> memref<512x2048xf32, #tpu.memory_space<any>>
      %dma_wait3A_1019 = arith.constant 0 : i32
      %dma_wait3A_1020 = arith.constant 0 : i32
      %dma_wait3A_1021 = tpu.memref_slice %run_scoped3A[%dma_wait3A_1012, %dma_wait3A_1019, %dma_wait3A_1020] : memref<8x512x2048xf32, #tpu.memory_space<vmem>> -> memref<1x512x2048xf32, #tpu.memory_space<vmem>>
      %dma_wait3A_1022 = tpu.memref_squeeze %dma_wait3A_1021 : memref<1x512x2048xf32, #tpu.memory_space<vmem>> -> memref<512x2048xf32, #tpu.memory_space<vmem>>
      tpu.wait_dma2 semaphore(%dma_wait3A_1015 : memref<!tpu.dma_semaphore, #tpu.memory_space<semaphore_mem>>) src(%dma_wait3A_1022 : memref<512x2048xf32, #tpu.memory_space<vmem>>) dst(%dma_wait3A_1018 : memref<512x2048xf32, #tpu.memory_space<any>>)
      %dma_start3A_1023 = arith.constant 3 : i32
      %dma_start3A_1024 = arith.constant 3 : i32
      %dma_start3A_1025 = tpu.memref_slice %run_scoped3A_0[%dma_start3A_1024] : memref<8x!tpu.dma_semaphore, #tpu.memory_space<semaphore_mem>> -> memref<1x!tpu.dma_semaphore, #tpu.memory_space<semaphore_mem>>
      %dma_start3A_1026 = tpu.memref_squeeze %dma_start3A_1025 : memref<1x!tpu.dma_semaphore, #tpu.memory_space<semaphore_mem>> -> memref<!tpu.dma_semaphore, #tpu.memory_space<semaphore_mem>>
      %dma_start3A_1027 = arith.constant 0 : i32
      %dma_start3A_1028 = arith.constant 0 : i32
      %dma_start3A_1029 = tpu.memref_slice %run_scoped3A[%dma_start3A_1023, %dma_start3A_1027, %dma_start3A_1028] : memref<8x512x2048xf32, #tpu.memory_space<vmem>> -> memref<1x512x2048xf32, #tpu.memory_space<vmem>>
      %dma_start3A_1030 = tpu.memref_squeeze %dma_start3A_1029 : memref<1x512x2048xf32, #tpu.memory_space<vmem>> -> memref<512x2048xf32, #tpu.memory_space<vmem>>
      %dma_start3A_1031 = arith.constant 13824 : i32
      %dma_start3A_1032 = arith.constant 0 : i32
      %dma_start3A_1033 = tpu.memref_slice %arg0[%dma_start3A_1031, %dma_start3A_1032] : memref<16384x2048xf32, #tpu.memory_space<any>> -> memref<512x2048xf32, #tpu.memory_space<any>>
      tpu.enqueue_dma source(%dma_start3A_1033 : memref<512x2048xf32, #tpu.memory_space<any>>) target(%dma_start3A_1030 : memref<512x2048xf32, #tpu.memory_space<vmem>>) target_semaphore(%dma_start3A_1026 : memref<!tpu.dma_semaphore, #tpu.memory_space<semaphore_mem>>)
      %dma_wait3A_1034 = arith.constant 7 : i32
      %dma_wait3A_1035 = arith.constant 7 : i32
      %dma_wait3A_1036 = tpu.memref_slice %run_scoped3A_0[%dma_wait3A_1035] : memref<8x!tpu.dma_semaphore, #tpu.memory_space<semaphore_mem>> -> memref<1x!tpu.dma_semaphore, #tpu.memory_space<semaphore_mem>>
      %dma_wait3A_1037 = tpu.memref_squeeze %dma_wait3A_1036 : memref<1x!tpu.dma_semaphore, #tpu.memory_space<semaphore_mem>> -> memref<!tpu.dma_semaphore, #tpu.memory_space<semaphore_mem>>
      %dma_wait3A_1038 = arith.constant 0 : i32
      %dma_wait3A_1039 = arith.constant 0 : i32
      %dma_wait3A_1040 = tpu.memref_slice %run_scoped3A[%dma_wait3A_1034, %dma_wait3A_1038, %dma_wait3A_1039] : memref<8x512x2048xf32, #tpu.memory_space<vmem>> -> memref<1x512x2048xf32, #tpu.memory_space<vmem>>
      %dma_wait3A_1041 = tpu.memref_squeeze %dma_wait3A_1040 : memref<1x512x2048xf32, #tpu.memory_space<vmem>> -> memref<512x2048xf32, #tpu.memory_space<vmem>>
      %dma_wait3A_1042 = arith.constant 11776 : i32
      %dma_wait3A_1043 = arith.constant 0 : i32
      %dma_wait3A_1044 = tpu.memref_slice %arg0[%dma_wait3A_1042, %dma_wait3A_1043] : memref<16384x2048xf32, #tpu.memory_space<any>> -> memref<512x2048xf32, #tpu.memory_space<any>>
      tpu.wait_dma2 semaphore(%dma_wait3A_1037 : memref<!tpu.dma_semaphore, #tpu.memory_space<semaphore_mem>>) src(%dma_wait3A_1044 : memref<512x2048xf32, #tpu.memory_space<any>>) dst(%dma_wait3A_1041 : memref<512x2048xf32, #tpu.memory_space<vmem>>)
      %dma_start3A_1045 = arith.constant 7 : i32
      %dma_start3A_1046 = arith.constant 7 : i32
      %dma_start3A_1047 = tpu.memref_slice %run_scoped3A_1[%dma_start3A_1046] : memref<8x!tpu.dma_semaphore, #tpu.memory_space<semaphore_mem>> -> memref<1x!tpu.dma_semaphore, #tpu.memory_space<semaphore_mem>>
      %dma_start3A_1048 = tpu.memref_squeeze %dma_start3A_1047 : memref<1x!tpu.dma_semaphore, #tpu.memory_space<semaphore_mem>> -> memref<!tpu.dma_semaphore, #tpu.memory_space<semaphore_mem>>
      %dma_start3A_1049 = arith.constant 11776 : i32
      %dma_start3A_1050 = arith.constant 0 : i32
      %dma_start3A_1051 = tpu.memref_slice %arg1[%dma_start3A_1049, %dma_start3A_1050] : memref<16384x2048xf32, #tpu.memory_space<any>> -> memref<512x2048xf32, #tpu.memory_space<any>>
      %dma_start3A_1052 = arith.constant 0 : i32
      %dma_start3A_1053 = arith.constant 0 : i32
      %dma_start3A_1054 = tpu.memref_slice %run_scoped3A[%dma_start3A_1045, %dma_start3A_1052, %dma_start3A_1053] : memref<8x512x2048xf32, #tpu.memory_space<vmem>> -> memref<1x512x2048xf32, #tpu.memory_space<vmem>>
      %dma_start3A_1055 = tpu.memref_squeeze %dma_start3A_1054 : memref<1x512x2048xf32, #tpu.memory_space<vmem>> -> memref<512x2048xf32, #tpu.memory_space<vmem>>
      tpu.enqueue_dma source(%dma_start3A_1055 : memref<512x2048xf32, #tpu.memory_space<vmem>>) target(%dma_start3A_1051 : memref<512x2048xf32, #tpu.memory_space<any>>) target_semaphore(%dma_start3A_1048 : memref<!tpu.dma_semaphore, #tpu.memory_space<semaphore_mem>>)
      %dma_wait3A_1056 = arith.constant 4 : i32
      %dma_wait3A_1057 = arith.constant 4 : i32
      %dma_wait3A_1058 = tpu.memref_slice %run_scoped3A_1[%dma_wait3A_1057] : memref<8x!tpu.dma_semaphore, #tpu.memory_space<semaphore_mem>> -> memref<1x!tpu.dma_semaphore, #tpu.memory_space<semaphore_mem>>
      %dma_wait3A_1059 = tpu.memref_squeeze %dma_wait3A_1058 : memref<1x!tpu.dma_semaphore, #tpu.memory_space<semaphore_mem>> -> memref<!tpu.dma_semaphore, #tpu.memory_space<semaphore_mem>>
      %dma_wait3A_1060 = arith.constant 10240 : i32
      %dma_wait3A_1061 = arith.constant 0 : i32
      %dma_wait3A_1062 = tpu.memref_slice %arg1[%dma_wait3A_1060, %dma_wait3A_1061] : memref<16384x2048xf32, #tpu.memory_space<any>> -> memref<512x2048xf32, #tpu.memory_space<any>>
      %dma_wait3A_1063 = arith.constant 0 : i32
      %dma_wait3A_1064 = arith.constant 0 : i32
      %dma_wait3A_1065 = tpu.memref_slice %run_scoped3A[%dma_wait3A_1056, %dma_wait3A_1063, %dma_wait3A_1064] : memref<8x512x2048xf32, #tpu.memory_space<vmem>> -> memref<1x512x2048xf32, #tpu.memory_space<vmem>>
      %dma_wait3A_1066 = tpu.memref_squeeze %dma_wait3A_1065 : memref<1x512x2048xf32, #tpu.memory_space<vmem>> -> memref<512x2048xf32, #tpu.memory_space<vmem>>
      tpu.wait_dma2 semaphore(%dma_wait3A_1059 : memref<!tpu.dma_semaphore, #tpu.memory_space<semaphore_mem>>) src(%dma_wait3A_1066 : memref<512x2048xf32, #tpu.memory_space<vmem>>) dst(%dma_wait3A_1062 : memref<512x2048xf32, #tpu.memory_space<any>>)
      %dma_start3A_1067 = arith.constant 4 : i32
      %dma_start3A_1068 = arith.constant 4 : i32
      %dma_start3A_1069 = tpu.memref_slice %run_scoped3A_0[%dma_start3A_1068] : memref<8x!tpu.dma_semaphore, #tpu.memory_space<semaphore_mem>> -> memref<1x!tpu.dma_semaphore, #tpu.memory_space<semaphore_mem>>
      %dma_start3A_1070 = tpu.memref_squeeze %dma_start3A_1069 : memref<1x!tpu.dma_semaphore, #tpu.memory_space<semaphore_mem>> -> memref<!tpu.dma_semaphore, #tpu.memory_space<semaphore_mem>>
      %dma_start3A_1071 = arith.constant 0 : i32
      %dma_start3A_1072 = arith.constant 0 : i32
      %dma_start3A_1073 = tpu.memref_slice %run_scoped3A[%dma_start3A_1067, %dma_start3A_1071, %dma_start3A_1072] : memref<8x512x2048xf32, #tpu.memory_space<vmem>> -> memref<1x512x2048xf32, #tpu.memory_space<vmem>>
      %dma_start3A_1074 = tpu.memref_squeeze %dma_start3A_1073 : memref<1x512x2048xf32, #tpu.memory_space<vmem>> -> memref<512x2048xf32, #tpu.memory_space<vmem>>
      %dma_start3A_1075 = arith.constant 14336 : i32
      %dma_start3A_1076 = arith.constant 0 : i32
      %dma_start3A_1077 = tpu.memref_slice %arg0[%dma_start3A_1075, %dma_start3A_1076] : memref<16384x2048xf32, #tpu.memory_space<any>> -> memref<512x2048xf32, #tpu.memory_space<any>>
      tpu.enqueue_dma source(%dma_start3A_1077 : memref<512x2048xf32, #tpu.memory_space<any>>) target(%dma_start3A_1074 : memref<512x2048xf32, #tpu.memory_space<vmem>>) target_semaphore(%dma_start3A_1070 : memref<!tpu.dma_semaphore, #tpu.memory_space<semaphore_mem>>)
      %dma_wait3A_1078 = arith.constant 0 : i32
      %dma_wait3A_1079 = arith.constant 0 : i32
      %dma_wait3A_1080 = tpu.memref_slice %run_scoped3A_0[%dma_wait3A_1079] : memref<8x!tpu.dma_semaphore, #tpu.memory_space<semaphore_mem>> -> memref<1x!tpu.dma_semaphore, #tpu.memory_space<semaphore_mem>>
      %dma_wait3A_1081 = tpu.memref_squeeze %dma_wait3A_1080 : memref<1x!tpu.dma_semaphore, #tpu.memory_space<semaphore_mem>> -> memref<!tpu.dma_semaphore, #tpu.memory_space<semaphore_mem>>
      %dma_wait3A_1082 = arith.constant 0 : i32
      %dma_wait3A_1083 = arith.constant 0 : i32
      %dma_wait3A_1084 = tpu.memref_slice %run_scoped3A[%dma_wait3A_1078, %dma_wait3A_1082, %dma_wait3A_1083] : memref<8x512x2048xf32, #tpu.memory_space<vmem>> -> memref<1x512x2048xf32, #tpu.memory_space<vmem>>
      %dma_wait3A_1085 = tpu.memref_squeeze %dma_wait3A_1084 : memref<1x512x2048xf32, #tpu.memory_space<vmem>> -> memref<512x2048xf32, #tpu.memory_space<vmem>>
      %dma_wait3A_1086 = arith.constant 12288 : i32
      %dma_wait3A_1087 = arith.constant 0 : i32
      %dma_wait3A_1088 = tpu.memref_slice %arg0[%dma_wait3A_1086, %dma_wait3A_1087] : memref<16384x2048xf32, #tpu.memory_space<any>> -> memref<512x2048xf32, #tpu.memory_space<any>>
      tpu.wait_dma2 semaphore(%dma_wait3A_1081 : memref<!tpu.dma_semaphore, #tpu.memory_space<semaphore_mem>>) src(%dma_wait3A_1088 : memref<512x2048xf32, #tpu.memory_space<any>>) dst(%dma_wait3A_1085 : memref<512x2048xf32, #tpu.memory_space<vmem>>)
      %dma_start3A_1089 = arith.constant 0 : i32
      %dma_start3A_1090 = arith.constant 0 : i32
      %dma_start3A_1091 = tpu.memref_slice %run_scoped3A_1[%dma_start3A_1090] : memref<8x!tpu.dma_semaphore, #tpu.memory_space<semaphore_mem>> -> memref<1x!tpu.dma_semaphore, #tpu.memory_space<semaphore_mem>>
      %dma_start3A_1092 = tpu.memref_squeeze %dma_start3A_1091 : memref<1x!tpu.dma_semaphore, #tpu.memory_space<semaphore_mem>> -> memref<!tpu.dma_semaphore, #tpu.memory_space<semaphore_mem>>
      %dma_start3A_1093 = arith.constant 12288 : i32
      %dma_start3A_1094 = arith.constant 0 : i32
      %dma_start3A_1095 = tpu.memref_slice %arg1[%dma_start3A_1093, %dma_start3A_1094] : memref<16384x2048xf32, #tpu.memory_space<any>> -> memref<512x2048xf32, #tpu.memory_space<any>>
      %dma_start3A_1096 = arith.constant 0 : i32
      %dma_start3A_1097 = arith.constant 0 : i32
      %dma_start3A_1098 = tpu.memref_slice %run_scoped3A[%dma_start3A_1089, %dma_start3A_1096, %dma_start3A_1097] : memref<8x512x2048xf32, #tpu.memory_space<vmem>> -> memref<1x512x2048xf32, #tpu.memory_space<vmem>>
      %dma_start3A_1099 = tpu.memref_squeeze %dma_start3A_1098 : memref<1x512x2048xf32, #tpu.memory_space<vmem>> -> memref<512x2048xf32, #tpu.memory_space<vmem>>
      tpu.enqueue_dma source(%dma_start3A_1099 : memref<512x2048xf32, #tpu.memory_space<vmem>>) target(%dma_start3A_1095 : memref<512x2048xf32, #tpu.memory_space<any>>) target_semaphore(%dma_start3A_1092 : memref<!tpu.dma_semaphore, #tpu.memory_space<semaphore_mem>>)
      %dma_wait3A_1100 = arith.constant 5 : i32
      %dma_wait3A_1101 = arith.constant 5 : i32
      %dma_wait3A_1102 = tpu.memref_slice %run_scoped3A_1[%dma_wait3A_1101] : memref<8x!tpu.dma_semaphore, #tpu.memory_space<semaphore_mem>> -> memref<1x!tpu.dma_semaphore, #tpu.memory_space<semaphore_mem>>
      %dma_wait3A_1103 = tpu.memref_squeeze %dma_wait3A_1102 : memref<1x!tpu.dma_semaphore, #tpu.memory_space<semaphore_mem>> -> memref<!tpu.dma_semaphore, #tpu.memory_space<semaphore_mem>>
      %dma_wait3A_1104 = arith.constant 10752 : i32
      %dma_wait3A_1105 = arith.constant 0 : i32
      %dma_wait3A_1106 = tpu.memref_slice %arg1[%dma_wait3A_1104, %dma_wait3A_1105] : memref<16384x2048xf32, #tpu.memory_space<any>> -> memref<512x2048xf32, #tpu.memory_space<any>>
      %dma_wait3A_1107 = arith.constant 0 : i32
      %dma_wait3A_1108 = arith.constant 0 : i32
      %dma_wait3A_1109 = tpu.memref_slice %run_scoped3A[%dma_wait3A_1100, %dma_wait3A_1107, %dma_wait3A_1108] : memref<8x512x2048xf32, #tpu.memory_space<vmem>> -> memref<1x512x2048xf32, #tpu.memory_space<vmem>>
      %dma_wait3A_1110 = tpu.memref_squeeze %dma_wait3A_1109 : memref<1x512x2048xf32, #tpu.memory_space<vmem>> -> memref<512x2048xf32, #tpu.memory_space<vmem>>
      tpu.wait_dma2 semaphore(%dma_wait3A_1103 : memref<!tpu.dma_semaphore, #tpu.memory_space<semaphore_mem>>) src(%dma_wait3A_1110 : memref<512x2048xf32, #tpu.memory_space<vmem>>) dst(%dma_wait3A_1106 : memref<512x2048xf32, #tpu.memory_space<any>>)
      %dma_start3A_1111 = arith.constant 5 : i32
      %dma_start3A_1112 = arith.constant 5 : i32
      %dma_start3A_1113 = tpu.memref_slice %run_scoped3A_0[%dma_start3A_1112] : memref<8x!tpu.dma_semaphore, #tpu.memory_space<semaphore_mem>> -> memref<1x!tpu.dma_semaphore, #tpu.memory_space<semaphore_mem>>
      %dma_start3A_1114 = tpu.memref_squeeze %dma_start3A_1113 : memref<1x!tpu.dma_semaphore, #tpu.memory_space<semaphore_mem>> -> memref<!tpu.dma_semaphore, #tpu.memory_space<semaphore_mem>>
      %dma_start3A_1115 = arith.constant 0 : i32
      %dma_start3A_1116 = arith.constant 0 : i32
      %dma_start3A_1117 = tpu.memref_slice %run_scoped3A[%dma_start3A_1111, %dma_start3A_1115, %dma_start3A_1116] : memref<8x512x2048xf32, #tpu.memory_space<vmem>> -> memref<1x512x2048xf32, #tpu.memory_space<vmem>>
      %dma_start3A_1118 = tpu.memref_squeeze %dma_start3A_1117 : memref<1x512x2048xf32, #tpu.memory_space<vmem>> -> memref<512x2048xf32, #tpu.memory_space<vmem>>
      %dma_start3A_1119 = arith.constant 14848 : i32
      %dma_start3A_1120 = arith.constant 0 : i32
      %dma_start3A_1121 = tpu.memref_slice %arg0[%dma_start3A_1119, %dma_start3A_1120] : memref<16384x2048xf32, #tpu.memory_space<any>> -> memref<512x2048xf32, #tpu.memory_space<any>>
      tpu.enqueue_dma source(%dma_start3A_1121 : memref<512x2048xf32, #tpu.memory_space<any>>) target(%dma_start3A_1118 : memref<512x2048xf32, #tpu.memory_space<vmem>>) target_semaphore(%dma_start3A_1114 : memref<!tpu.dma_semaphore, #tpu.memory_space<semaphore_mem>>)
      %dma_wait3A_1122 = arith.constant 1 : i32
      %dma_wait3A_1123 = arith.constant 1 : i32
      %dma_wait3A_1124 = tpu.memref_slice %run_scoped3A_0[%dma_wait3A_1123] : memref<8x!tpu.dma_semaphore, #tpu.memory_space<semaphore_mem>> -> memref<1x!tpu.dma_semaphore, #tpu.memory_space<semaphore_mem>>
      %dma_wait3A_1125 = tpu.memref_squeeze %dma_wait3A_1124 : memref<1x!tpu.dma_semaphore, #tpu.memory_space<semaphore_mem>> -> memref<!tpu.dma_semaphore, #tpu.memory_space<semaphore_mem>>
      %dma_wait3A_1126 = arith.constant 0 : i32
      %dma_wait3A_1127 = arith.constant 0 : i32
      %dma_wait3A_1128 = tpu.memref_slice %run_scoped3A[%dma_wait3A_1122, %dma_wait3A_1126, %dma_wait3A_1127] : memref<8x512x2048xf32, #tpu.memory_space<vmem>> -> memref<1x512x2048xf32, #tpu.memory_space<vmem>>
      %dma_wait3A_1129 = tpu.memref_squeeze %dma_wait3A_1128 : memref<1x512x2048xf32, #tpu.memory_space<vmem>> -> memref<512x2048xf32, #tpu.memory_space<vmem>>
      %dma_wait3A_1130 = arith.constant 12800 : i32
      %dma_wait3A_1131 = arith.constant 0 : i32
      %dma_wait3A_1132 = tpu.memref_slice %arg0[%dma_wait3A_1130, %dma_wait3A_1131] : memref<16384x2048xf32, #tpu.memory_space<any>> -> memref<512x2048xf32, #tpu.memory_space<any>>
      tpu.wait_dma2 semaphore(%dma_wait3A_1125 : memref<!tpu.dma_semaphore, #tpu.memory_space<semaphore_mem>>) src(%dma_wait3A_1132 : memref<512x2048xf32, #tpu.memory_space<any>>) dst(%dma_wait3A_1129 : memref<512x2048xf32, #tpu.memory_space<vmem>>)
      %dma_start3A_1133 = arith.constant 1 : i32
      %dma_start3A_1134 = arith.constant 1 : i32
      %dma_start3A_1135 = tpu.memref_slice %run_scoped3A_1[%dma_start3A_1134] : memref<8x!tpu.dma_semaphore, #tpu.memory_space<semaphore_mem>> -> memref<1x!tpu.dma_semaphore, #tpu.memory_space<semaphore_mem>>
      %dma_start3A_1136 = tpu.memref_squeeze %dma_start3A_1135 : memref<1x!tpu.dma_semaphore, #tpu.memory_space<semaphore_mem>> -> memref<!tpu.dma_semaphore, #tpu.memory_space<semaphore_mem>>
      %dma_start3A_1137 = arith.constant 12800 : i32
      %dma_start3A_1138 = arith.constant 0 : i32
      %dma_start3A_1139 = tpu.memref_slice %arg1[%dma_start3A_1137, %dma_start3A_1138] : memref<16384x2048xf32, #tpu.memory_space<any>> -> memref<512x2048xf32, #tpu.memory_space<any>>
      %dma_start3A_1140 = arith.constant 0 : i32
      %dma_start3A_1141 = arith.constant 0 : i32
      %dma_start3A_1142 = tpu.memref_slice %run_scoped3A[%dma_start3A_1133, %dma_start3A_1140, %dma_start3A_1141] : memref<8x512x2048xf32, #tpu.memory_space<vmem>> -> memref<1x512x2048xf32, #tpu.memory_space<vmem>>
      %dma_start3A_1143 = tpu.memref_squeeze %dma_start3A_1142 : memref<1x512x2048xf32, #tpu.memory_space<vmem>> -> memref<512x2048xf32, #tpu.memory_space<vmem>>
      tpu.enqueue_dma source(%dma_start3A_1143 : memref<512x2048xf32, #tpu.memory_space<vmem>>) target(%dma_start3A_1139 : memref<512x2048xf32, #tpu.memory_space<any>>) target_semaphore(%dma_start3A_1136 : memref<!tpu.dma_semaphore, #tpu.memory_space<semaphore_mem>>)
      %dma_wait3A_1144 = arith.constant 6 : i32
      %dma_wait3A_1145 = arith.constant 6 : i32
      %dma_wait3A_1146 = tpu.memref_slice %run_scoped3A_1[%dma_wait3A_1145] : memref<8x!tpu.dma_semaphore, #tpu.memory_space<semaphore_mem>> -> memref<1x!tpu.dma_semaphore, #tpu.memory_space<semaphore_mem>>
      %dma_wait3A_1147 = tpu.memref_squeeze %dma_wait3A_1146 : memref<1x!tpu.dma_semaphore, #tpu.memory_space<semaphore_mem>> -> memref<!tpu.dma_semaphore, #tpu.memory_space<semaphore_mem>>
      %dma_wait3A_1148 = arith.constant 11264 : i32
      %dma_wait3A_1149 = arith.constant 0 : i32
      %dma_wait3A_1150 = tpu.memref_slice %arg1[%dma_wait3A_1148, %dma_wait3A_1149] : memref<16384x2048xf32, #tpu.memory_space<any>> -> memref<512x2048xf32, #tpu.memory_space<any>>
      %dma_wait3A_1151 = arith.constant 0 : i32
      %dma_wait3A_1152 = arith.constant 0 : i32
      %dma_wait3A_1153 = tpu.memref_slice %run_scoped3A[%dma_wait3A_1144, %dma_wait3A_1151, %dma_wait3A_1152] : memref<8x512x2048xf32, #tpu.memory_space<vmem>> -> memref<1x512x2048xf32, #tpu.memory_space<vmem>>
      %dma_wait3A_1154 = tpu.memref_squeeze %dma_wait3A_1153 : memref<1x512x2048xf32, #tpu.memory_space<vmem>> -> memref<512x2048xf32, #tpu.memory_space<vmem>>
      tpu.wait_dma2 semaphore(%dma_wait3A_1147 : memref<!tpu.dma_semaphore, #tpu.memory_space<semaphore_mem>>) src(%dma_wait3A_1154 : memref<512x2048xf32, #tpu.memory_space<vmem>>) dst(%dma_wait3A_1150 : memref<512x2048xf32, #tpu.memory_space<any>>)
      %dma_start3A_1155 = arith.constant 6 : i32
      %dma_start3A_1156 = arith.constant 6 : i32
      %dma_start3A_1157 = tpu.memref_slice %run_scoped3A_0[%dma_start3A_1156] : memref<8x!tpu.dma_semaphore, #tpu.memory_space<semaphore_mem>> -> memref<1x!tpu.dma_semaphore, #tpu.memory_space<semaphore_mem>>
      %dma_start3A_1158 = tpu.memref_squeeze %dma_start3A_1157 : memref<1x!tpu.dma_semaphore, #tpu.memory_space<semaphore_mem>> -> memref<!tpu.dma_semaphore, #tpu.memory_space<semaphore_mem>>
      %dma_start3A_1159 = arith.constant 0 : i32
      %dma_start3A_1160 = arith.constant 0 : i32
      %dma_start3A_1161 = tpu.memref_slice %run_scoped3A[%dma_start3A_1155, %dma_start3A_1159, %dma_start3A_1160] : memref<8x512x2048xf32, #tpu.memory_space<vmem>> -> memref<1x512x2048xf32, #tpu.memory_space<vmem>>
      %dma_start3A_1162 = tpu.memref_squeeze %dma_start3A_1161 : memref<1x512x2048xf32, #tpu.memory_space<vmem>> -> memref<512x2048xf32, #tpu.memory_space<vmem>>
      %dma_start3A_1163 = arith.constant 15360 : i32
      %dma_start3A_1164 = arith.constant 0 : i32
      %dma_start3A_1165 = tpu.memref_slice %arg0[%dma_start3A_1163, %dma_start3A_1164] : memref<16384x2048xf32, #tpu.memory_space<any>> -> memref<512x2048xf32, #tpu.memory_space<any>>
      tpu.enqueue_dma source(%dma_start3A_1165 : memref<512x2048xf32, #tpu.memory_space<any>>) target(%dma_start3A_1162 : memref<512x2048xf32, #tpu.memory_space<vmem>>) target_semaphore(%dma_start3A_1158 : memref<!tpu.dma_semaphore, #tpu.memory_space<semaphore_mem>>)
      %dma_wait3A_1166 = arith.constant 2 : i32
      %dma_wait3A_1167 = arith.constant 2 : i32
      %dma_wait3A_1168 = tpu.memref_slice %run_scoped3A_0[%dma_wait3A_1167] : memref<8x!tpu.dma_semaphore, #tpu.memory_space<semaphore_mem>> -> memref<1x!tpu.dma_semaphore, #tpu.memory_space<semaphore_mem>>
      %dma_wait3A_1169 = tpu.memref_squeeze %dma_wait3A_1168 : memref<1x!tpu.dma_semaphore, #tpu.memory_space<semaphore_mem>> -> memref<!tpu.dma_semaphore, #tpu.memory_space<semaphore_mem>>
      %dma_wait3A_1170 = arith.constant 0 : i32
      %dma_wait3A_1171 = arith.constant 0 : i32
      %dma_wait3A_1172 = tpu.memref_slice %run_scoped3A[%dma_wait3A_1166, %dma_wait3A_1170, %dma_wait3A_1171] : memref<8x512x2048xf32, #tpu.memory_space<vmem>> -> memref<1x512x2048xf32, #tpu.memory_space<vmem>>
      %dma_wait3A_1173 = tpu.memref_squeeze %dma_wait3A_1172 : memref<1x512x2048xf32, #tpu.memory_space<vmem>> -> memref<512x2048xf32, #tpu.memory_space<vmem>>
      %dma_wait3A_1174 = arith.constant 13312 : i32
      %dma_wait3A_1175 = arith.constant 0 : i32
      %dma_wait3A_1176 = tpu.memref_slice %arg0[%dma_wait3A_1174, %dma_wait3A_1175] : memref<16384x2048xf32, #tpu.memory_space<any>> -> memref<512x2048xf32, #tpu.memory_space<any>>
      tpu.wait_dma2 semaphore(%dma_wait3A_1169 : memref<!tpu.dma_semaphore, #tpu.memory_space<semaphore_mem>>) src(%dma_wait3A_1176 : memref<512x2048xf32, #tpu.memory_space<any>>) dst(%dma_wait3A_1173 : memref<512x2048xf32, #tpu.memory_space<vmem>>)
      %dma_start3A_1177 = arith.constant 2 : i32
      %dma_start3A_1178 = arith.constant 2 : i32
      %dma_start3A_1179 = tpu.memref_slice %run_scoped3A_1[%dma_start3A_1178] : memref<8x!tpu.dma_semaphore, #tpu.memory_space<semaphore_mem>> -> memref<1x!tpu.dma_semaphore, #tpu.memory_space<semaphore_mem>>
      %dma_start3A_1180 = tpu.memref_squeeze %dma_start3A_1179 : memref<1x!tpu.dma_semaphore, #tpu.memory_space<semaphore_mem>> -> memref<!tpu.dma_semaphore, #tpu.memory_space<semaphore_mem>>
      %dma_start3A_1181 = arith.constant 13312 : i32
      %dma_start3A_1182 = arith.constant 0 : i32
      %dma_start3A_1183 = tpu.memref_slice %arg1[%dma_start3A_1181, %dma_start3A_1182] : memref<16384x2048xf32, #tpu.memory_space<any>> -> memref<512x2048xf32, #tpu.memory_space<any>>
      %dma_start3A_1184 = arith.constant 0 : i32
      %dma_start3A_1185 = arith.constant 0 : i32
      %dma_start3A_1186 = tpu.memref_slice %run_scoped3A[%dma_start3A_1177, %dma_start3A_1184, %dma_start3A_1185] : memref<8x512x2048xf32, #tpu.memory_space<vmem>> -> memref<1x512x2048xf32, #tpu.memory_space<vmem>>
      %dma_start3A_1187 = tpu.memref_squeeze %dma_start3A_1186 : memref<1x512x2048xf32, #tpu.memory_space<vmem>> -> memref<512x2048xf32, #tpu.memory_space<vmem>>
      tpu.enqueue_dma source(%dma_start3A_1187 : memref<512x2048xf32, #tpu.memory_space<vmem>>) target(%dma_start3A_1183 : memref<512x2048xf32, #tpu.memory_space<any>>) target_semaphore(%dma_start3A_1180 : memref<!tpu.dma_semaphore, #tpu.memory_space<semaphore_mem>>)
      %dma_wait3A_1188 = arith.constant 7 : i32
      %dma_wait3A_1189 = arith.constant 7 : i32
      %dma_wait3A_1190 = tpu.memref_slice %run_scoped3A_1[%dma_wait3A_1189] : memref<8x!tpu.dma_semaphore, #tpu.memory_space<semaphore_mem>> -> memref<1x!tpu.dma_semaphore, #tpu.memory_space<semaphore_mem>>
      %dma_wait3A_1191 = tpu.memref_squeeze %dma_wait3A_1190 : memref<1x!tpu.dma_semaphore, #tpu.memory_space<semaphore_mem>> -> memref<!tpu.dma_semaphore, #tpu.memory_space<semaphore_mem>>
      %dma_wait3A_1192 = arith.constant 11776 : i32
      %dma_wait3A_1193 = arith.constant 0 : i32
      %dma_wait3A_1194 = tpu.memref_slice %arg1[%dma_wait3A_1192, %dma_wait3A_1193] : memref<16384x2048xf32, #tpu.memory_space<any>> -> memref<512x2048xf32, #tpu.memory_space<any>>
      %dma_wait3A_1195 = arith.constant 0 : i32
      %dma_wait3A_1196 = arith.constant 0 : i32
      %dma_wait3A_1197 = tpu.memref_slice %run_scoped3A[%dma_wait3A_1188, %dma_wait3A_1195, %dma_wait3A_1196] : memref<8x512x2048xf32, #tpu.memory_space<vmem>> -> memref<1x512x2048xf32, #tpu.memory_space<vmem>>
      %dma_wait3A_1198 = tpu.memref_squeeze %dma_wait3A_1197 : memref<1x512x2048xf32, #tpu.memory_space<vmem>> -> memref<512x2048xf32, #tpu.memory_space<vmem>>
      tpu.wait_dma2 semaphore(%dma_wait3A_1191 : memref<!tpu.dma_semaphore, #tpu.memory_space<semaphore_mem>>) src(%dma_wait3A_1198 : memref<512x2048xf32, #tpu.memory_space<vmem>>) dst(%dma_wait3A_1194 : memref<512x2048xf32, #tpu.memory_space<any>>)
      %dma_start3A_1199 = arith.constant 7 : i32
      %dma_start3A_1200 = arith.constant 7 : i32
      %dma_start3A_1201 = tpu.memref_slice %run_scoped3A_0[%dma_start3A_1200] : memref<8x!tpu.dma_semaphore, #tpu.memory_space<semaphore_mem>> -> memref<1x!tpu.dma_semaphore, #tpu.memory_space<semaphore_mem>>
      %dma_start3A_1202 = tpu.memref_squeeze %dma_start3A_1201 : memref<1x!tpu.dma_semaphore, #tpu.memory_space<semaphore_mem>> -> memref<!tpu.dma_semaphore, #tpu.memory_space<semaphore_mem>>
      %dma_start3A_1203 = arith.constant 0 : i32
      %dma_start3A_1204 = arith.constant 0 : i32
      %dma_start3A_1205 = tpu.memref_slice %run_scoped3A[%dma_start3A_1199, %dma_start3A_1203, %dma_start3A_1204] : memref<8x512x2048xf32, #tpu.memory_space<vmem>> -> memref<1x512x2048xf32, #tpu.memory_space<vmem>>
      %dma_start3A_1206 = tpu.memref_squeeze %dma_start3A_1205 : memref<1x512x2048xf32, #tpu.memory_space<vmem>> -> memref<512x2048xf32, #tpu.memory_space<vmem>>
      %dma_start3A_1207 = arith.constant 15872 : i32
      %dma_start3A_1208 = arith.constant 0 : i32
      %dma_start3A_1209 = tpu.memref_slice %arg0[%dma_start3A_1207, %dma_start3A_1208] : memref<16384x2048xf32, #tpu.memory_space<any>> -> memref<512x2048xf32, #tpu.memory_space<any>>
      tpu.enqueue_dma source(%dma_start3A_1209 : memref<512x2048xf32, #tpu.memory_space<any>>) target(%dma_start3A_1206 : memref<512x2048xf32, #tpu.memory_space<vmem>>) target_semaphore(%dma_start3A_1202 : memref<!tpu.dma_semaphore, #tpu.memory_space<semaphore_mem>>)
      %dma_wait3A_1210 = arith.constant 3 : i32
      %dma_wait3A_1211 = arith.constant 3 : i32
      %dma_wait3A_1212 = tpu.memref_slice %run_scoped3A_0[%dma_wait3A_1211] : memref<8x!tpu.dma_semaphore, #tpu.memory_space<semaphore_mem>> -> memref<1x!tpu.dma_semaphore, #tpu.memory_space<semaphore_mem>>
      %dma_wait3A_1213 = tpu.memref_squeeze %dma_wait3A_1212 : memref<1x!tpu.dma_semaphore, #tpu.memory_space<semaphore_mem>> -> memref<!tpu.dma_semaphore, #tpu.memory_space<semaphore_mem>>
      %dma_wait3A_1214 = arith.constant 0 : i32
      %dma_wait3A_1215 = arith.constant 0 : i32
      %dma_wait3A_1216 = tpu.memref_slice %run_scoped3A[%dma_wait3A_1210, %dma_wait3A_1214, %dma_wait3A_1215] : memref<8x512x2048xf32, #tpu.memory_space<vmem>> -> memref<1x512x2048xf32, #tpu.memory_space<vmem>>
      %dma_wait3A_1217 = tpu.memref_squeeze %dma_wait3A_1216 : memref<1x512x2048xf32, #tpu.memory_space<vmem>> -> memref<512x2048xf32, #tpu.memory_space<vmem>>
      %dma_wait3A_1218 = arith.constant 13824 : i32
      %dma_wait3A_1219 = arith.constant 0 : i32
      %dma_wait3A_1220 = tpu.memref_slice %arg0[%dma_wait3A_1218, %dma_wait3A_1219] : memref<16384x2048xf32, #tpu.memory_space<any>> -> memref<512x2048xf32, #tpu.memory_space<any>>
      tpu.wait_dma2 semaphore(%dma_wait3A_1213 : memref<!tpu.dma_semaphore, #tpu.memory_space<semaphore_mem>>) src(%dma_wait3A_1220 : memref<512x2048xf32, #tpu.memory_space<any>>) dst(%dma_wait3A_1217 : memref<512x2048xf32, #tpu.memory_space<vmem>>)
      %dma_start3A_1221 = arith.constant 3 : i32
      %dma_start3A_1222 = arith.constant 3 : i32
      %dma_start3A_1223 = tpu.memref_slice %run_scoped3A_1[%dma_start3A_1222] : memref<8x!tpu.dma_semaphore, #tpu.memory_space<semaphore_mem>> -> memref<1x!tpu.dma_semaphore, #tpu.memory_space<semaphore_mem>>
      %dma_start3A_1224 = tpu.memref_squeeze %dma_start3A_1223 : memref<1x!tpu.dma_semaphore, #tpu.memory_space<semaphore_mem>> -> memref<!tpu.dma_semaphore, #tpu.memory_space<semaphore_mem>>
      %dma_start3A_1225 = arith.constant 13824 : i32
      %dma_start3A_1226 = arith.constant 0 : i32
      %dma_start3A_1227 = tpu.memref_slice %arg1[%dma_start3A_1225, %dma_start3A_1226] : memref<16384x2048xf32, #tpu.memory_space<any>> -> memref<512x2048xf32, #tpu.memory_space<any>>
      %dma_start3A_1228 = arith.constant 0 : i32
      %dma_start3A_1229 = arith.constant 0 : i32
      %dma_start3A_1230 = tpu.memref_slice %run_scoped3A[%dma_start3A_1221, %dma_start3A_1228, %dma_start3A_1229] : memref<8x512x2048xf32, #tpu.memory_space<vmem>> -> memref<1x512x2048xf32, #tpu.memory_space<vmem>>
      %dma_start3A_1231 = tpu.memref_squeeze %dma_start3A_1230 : memref<1x512x2048xf32, #tpu.memory_space<vmem>> -> memref<512x2048xf32, #tpu.memory_space<vmem>>
      tpu.enqueue_dma source(%dma_start3A_1231 : memref<512x2048xf32, #tpu.memory_space<vmem>>) target(%dma_start3A_1227 : memref<512x2048xf32, #tpu.memory_space<any>>) target_semaphore(%dma_start3A_1224 : memref<!tpu.dma_semaphore, #tpu.memory_space<semaphore_mem>>)
      %dma_wait3A_1232 = arith.constant 4 : i32
      %dma_wait3A_1233 = arith.constant 4 : i32
      %dma_wait3A_1234 = tpu.memref_slice %run_scoped3A_0[%dma_wait3A_1233] : memref<8x!tpu.dma_semaphore, #tpu.memory_space<semaphore_mem>> -> memref<1x!tpu.dma_semaphore, #tpu.memory_space<semaphore_mem>>
      %dma_wait3A_1235 = tpu.memref_squeeze %dma_wait3A_1234 : memref<1x!tpu.dma_semaphore, #tpu.memory_space<semaphore_mem>> -> memref<!tpu.dma_semaphore, #tpu.memory_space<semaphore_mem>>
      %dma_wait3A_1236 = arith.constant 0 : i32
      %dma_wait3A_1237 = arith.constant 0 : i32
      %dma_wait3A_1238 = tpu.memref_slice %run_scoped3A[%dma_wait3A_1232, %dma_wait3A_1236, %dma_wait3A_1237] : memref<8x512x2048xf32, #tpu.memory_space<vmem>> -> memref<1x512x2048xf32, #tpu.memory_space<vmem>>
      %dma_wait3A_1239 = tpu.memref_squeeze %dma_wait3A_1238 : memref<1x512x2048xf32, #tpu.memory_space<vmem>> -> memref<512x2048xf32, #tpu.memory_space<vmem>>
      %dma_wait3A_1240 = arith.constant 14336 : i32
      %dma_wait3A_1241 = arith.constant 0 : i32
      %dma_wait3A_1242 = tpu.memref_slice %arg0[%dma_wait3A_1240, %dma_wait3A_1241] : memref<16384x2048xf32, #tpu.memory_space<any>> -> memref<512x2048xf32, #tpu.memory_space<any>>
      tpu.wait_dma2 semaphore(%dma_wait3A_1235 : memref<!tpu.dma_semaphore, #tpu.memory_space<semaphore_mem>>) src(%dma_wait3A_1242 : memref<512x2048xf32, #tpu.memory_space<any>>) dst(%dma_wait3A_1239 : memref<512x2048xf32, #tpu.memory_space<vmem>>)
      %dma_start3A_1243 = arith.constant 4 : i32
      %dma_start3A_1244 = arith.constant 4 : i32
      %dma_start3A_1245 = tpu.memref_slice %run_scoped3A_1[%dma_start3A_1244] : memref<8x!tpu.dma_semaphore, #tpu.memory_space<semaphore_mem>> -> memref<1x!tpu.dma_semaphore, #tpu.memory_space<semaphore_mem>>
      %dma_start3A_1246 = tpu.memref_squeeze %dma_start3A_1245 : memref<1x!tpu.dma_semaphore, #tpu.memory_space<semaphore_mem>> -> memref<!tpu.dma_semaphore, #tpu.memory_space<semaphore_mem>>
      %dma_start3A_1247 = arith.constant 14336 : i32
      %dma_start3A_1248 = arith.constant 0 : i32
      %dma_start3A_1249 = tpu.memref_slice %arg1[%dma_start3A_1247, %dma_start3A_1248] : memref<16384x2048xf32, #tpu.memory_space<any>> -> memref<512x2048xf32, #tpu.memory_space<any>>
      %dma_start3A_1250 = arith.constant 0 : i32
      %dma_start3A_1251 = arith.constant 0 : i32
      %dma_start3A_1252 = tpu.memref_slice %run_scoped3A[%dma_start3A_1243, %dma_start3A_1250, %dma_start3A_1251] : memref<8x512x2048xf32, #tpu.memory_space<vmem>> -> memref<1x512x2048xf32, #tpu.memory_space<vmem>>
      %dma_start3A_1253 = tpu.memref_squeeze %dma_start3A_1252 : memref<1x512x2048xf32, #tpu.memory_space<vmem>> -> memref<512x2048xf32, #tpu.memory_space<vmem>>
      tpu.enqueue_dma source(%dma_start3A_1253 : memref<512x2048xf32, #tpu.memory_space<vmem>>) target(%dma_start3A_1249 : memref<512x2048xf32, #tpu.memory_space<any>>) target_semaphore(%dma_start3A_1246 : memref<!tpu.dma_semaphore, #tpu.memory_space<semaphore_mem>>)
      %dma_wait3A_1254 = arith.constant 5 : i32
      %dma_wait3A_1255 = arith.constant 5 : i32
      %dma_wait3A_1256 = tpu.memref_slice %run_scoped3A_0[%dma_wait3A_1255] : memref<8x!tpu.dma_semaphore, #tpu.memory_space<semaphore_mem>> -> memref<1x!tpu.dma_semaphore, #tpu.memory_space<semaphore_mem>>
      %dma_wait3A_1257 = tpu.memref_squeeze %dma_wait3A_1256 : memref<1x!tpu.dma_semaphore, #tpu.memory_space<semaphore_mem>> -> memref<!tpu.dma_semaphore, #tpu.memory_space<semaphore_mem>>
      %dma_wait3A_1258 = arith.constant 0 : i32
      %dma_wait3A_1259 = arith.constant 0 : i32
      %dma_wait3A_1260 = tpu.memref_slice %run_scoped3A[%dma_wait3A_1254, %dma_wait3A_1258, %dma_wait3A_1259] : memref<8x512x2048xf32, #tpu.memory_space<vmem>> -> memref<1x512x2048xf32, #tpu.memory_space<vmem>>
      %dma_wait3A_1261 = tpu.memref_squeeze %dma_wait3A_1260 : memref<1x512x2048xf32, #tpu.memory_space<vmem>> -> memref<512x2048xf32, #tpu.memory_space<vmem>>
      %dma_wait3A_1262 = arith.constant 14848 : i32
      %dma_wait3A_1263 = arith.constant 0 : i32
      %dma_wait3A_1264 = tpu.memref_slice %arg0[%dma_wait3A_1262, %dma_wait3A_1263] : memref<16384x2048xf32, #tpu.memory_space<any>> -> memref<512x2048xf32, #tpu.memory_space<any>>
      tpu.wait_dma2 semaphore(%dma_wait3A_1257 : memref<!tpu.dma_semaphore, #tpu.memory_space<semaphore_mem>>) src(%dma_wait3A_1264 : memref<512x2048xf32, #tpu.memory_space<any>>) dst(%dma_wait3A_1261 : memref<512x2048xf32, #tpu.memory_space<vmem>>)
      %dma_start3A_1265 = arith.constant 5 : i32
      %dma_start3A_1266 = arith.constant 5 : i32
      %dma_start3A_1267 = tpu.memref_slice %run_scoped3A_1[%dma_start3A_1266] : memref<8x!tpu.dma_semaphore, #tpu.memory_space<semaphore_mem>> -> memref<1x!tpu.dma_semaphore, #tpu.memory_space<semaphore_mem>>
      %dma_start3A_1268 = tpu.memref_squeeze %dma_start3A_1267 : memref<1x!tpu.dma_semaphore, #tpu.memory_space<semaphore_mem>> -> memref<!tpu.dma_semaphore, #tpu.memory_space<semaphore_mem>>
      %dma_start3A_1269 = arith.constant 14848 : i32
      %dma_start3A_1270 = arith.constant 0 : i32
      %dma_start3A_1271 = tpu.memref_slice %arg1[%dma_start3A_1269, %dma_start3A_1270] : memref<16384x2048xf32, #tpu.memory_space<any>> -> memref<512x2048xf32, #tpu.memory_space<any>>
      %dma_start3A_1272 = arith.constant 0 : i32
      %dma_start3A_1273 = arith.constant 0 : i32
      %dma_start3A_1274 = tpu.memref_slice %run_scoped3A[%dma_start3A_1265, %dma_start3A_1272, %dma_start3A_1273] : memref<8x512x2048xf32, #tpu.memory_space<vmem>> -> memref<1x512x2048xf32, #tpu.memory_space<vmem>>
      %dma_start3A_1275 = tpu.memref_squeeze %dma_start3A_1274 : memref<1x512x2048xf32, #tpu.memory_space<vmem>> -> memref<512x2048xf32, #tpu.memory_space<vmem>>
      tpu.enqueue_dma source(%dma_start3A_1275 : memref<512x2048xf32, #tpu.memory_space<vmem>>) target(%dma_start3A_1271 : memref<512x2048xf32, #tpu.memory_space<any>>) target_semaphore(%dma_start3A_1268 : memref<!tpu.dma_semaphore, #tpu.memory_space<semaphore_mem>>)
      %dma_wait3A_1276 = arith.constant 6 : i32
      %dma_wait3A_1277 = arith.constant 6 : i32
      %dma_wait3A_1278 = tpu.memref_slice %run_scoped3A_0[%dma_wait3A_1277] : memref<8x!tpu.dma_semaphore, #tpu.memory_space<semaphore_mem>> -> memref<1x!tpu.dma_semaphore, #tpu.memory_space<semaphore_mem>>
      %dma_wait3A_1279 = tpu.memref_squeeze %dma_wait3A_1278 : memref<1x!tpu.dma_semaphore, #tpu.memory_space<semaphore_mem>> -> memref<!tpu.dma_semaphore, #tpu.memory_space<semaphore_mem>>
      %dma_wait3A_1280 = arith.constant 0 : i32
      %dma_wait3A_1281 = arith.constant 0 : i32
      %dma_wait3A_1282 = tpu.memref_slice %run_scoped3A[%dma_wait3A_1276, %dma_wait3A_1280, %dma_wait3A_1281] : memref<8x512x2048xf32, #tpu.memory_space<vmem>> -> memref<1x512x2048xf32, #tpu.memory_space<vmem>>
      %dma_wait3A_1283 = tpu.memref_squeeze %dma_wait3A_1282 : memref<1x512x2048xf32, #tpu.memory_space<vmem>> -> memref<512x2048xf32, #tpu.memory_space<vmem>>
      %dma_wait3A_1284 = arith.constant 15360 : i32
      %dma_wait3A_1285 = arith.constant 0 : i32
      %dma_wait3A_1286 = tpu.memref_slice %arg0[%dma_wait3A_1284, %dma_wait3A_1285] : memref<16384x2048xf32, #tpu.memory_space<any>> -> memref<512x2048xf32, #tpu.memory_space<any>>
      tpu.wait_dma2 semaphore(%dma_wait3A_1279 : memref<!tpu.dma_semaphore, #tpu.memory_space<semaphore_mem>>) src(%dma_wait3A_1286 : memref<512x2048xf32, #tpu.memory_space<any>>) dst(%dma_wait3A_1283 : memref<512x2048xf32, #tpu.memory_space<vmem>>)
      %dma_start3A_1287 = arith.constant 6 : i32
      %dma_start3A_1288 = arith.constant 6 : i32
      %dma_start3A_1289 = tpu.memref_slice %run_scoped3A_1[%dma_start3A_1288] : memref<8x!tpu.dma_semaphore, #tpu.memory_space<semaphore_mem>> -> memref<1x!tpu.dma_semaphore, #tpu.memory_space<semaphore_mem>>
      %dma_start3A_1290 = tpu.memref_squeeze %dma_start3A_1289 : memref<1x!tpu.dma_semaphore, #tpu.memory_space<semaphore_mem>> -> memref<!tpu.dma_semaphore, #tpu.memory_space<semaphore_mem>>
      %dma_start3A_1291 = arith.constant 15360 : i32
      %dma_start3A_1292 = arith.constant 0 : i32
      %dma_start3A_1293 = tpu.memref_slice %arg1[%dma_start3A_1291, %dma_start3A_1292] : memref<16384x2048xf32, #tpu.memory_space<any>> -> memref<512x2048xf32, #tpu.memory_space<any>>
      %dma_start3A_1294 = arith.constant 0 : i32
      %dma_start3A_1295 = arith.constant 0 : i32
      %dma_start3A_1296 = tpu.memref_slice %run_scoped3A[%dma_start3A_1287, %dma_start3A_1294, %dma_start3A_1295] : memref<8x512x2048xf32, #tpu.memory_space<vmem>> -> memref<1x512x2048xf32, #tpu.memory_space<vmem>>
      %dma_start3A_1297 = tpu.memref_squeeze %dma_start3A_1296 : memref<1x512x2048xf32, #tpu.memory_space<vmem>> -> memref<512x2048xf32, #tpu.memory_space<vmem>>
      tpu.enqueue_dma source(%dma_start3A_1297 : memref<512x2048xf32, #tpu.memory_space<vmem>>) target(%dma_start3A_1293 : memref<512x2048xf32, #tpu.memory_space<any>>) target_semaphore(%dma_start3A_1290 : memref<!tpu.dma_semaphore, #tpu.memory_space<semaphore_mem>>)
      %dma_wait3A_1298 = arith.constant 7 : i32
      %dma_wait3A_1299 = arith.constant 7 : i32
      %dma_wait3A_1300 = tpu.memref_slice %run_scoped3A_0[%dma_wait3A_1299] : memref<8x!tpu.dma_semaphore, #tpu.memory_space<semaphore_mem>> -> memref<1x!tpu.dma_semaphore, #tpu.memory_space<semaphore_mem>>
      %dma_wait3A_1301 = tpu.memref_squeeze %dma_wait3A_1300 : memref<1x!tpu.dma_semaphore, #tpu.memory_space<semaphore_mem>> -> memref<!tpu.dma_semaphore, #tpu.memory_space<semaphore_mem>>
      %dma_wait3A_1302 = arith.constant 0 : i32
      %dma_wait3A_1303 = arith.constant 0 : i32
      %dma_wait3A_1304 = tpu.memref_slice %run_scoped3A[%dma_wait3A_1298, %dma_wait3A_1302, %dma_wait3A_1303] : memref<8x512x2048xf32, #tpu.memory_space<vmem>> -> memref<1x512x2048xf32, #tpu.memory_space<vmem>>
      %dma_wait3A_1305 = tpu.memref_squeeze %dma_wait3A_1304 : memref<1x512x2048xf32, #tpu.memory_space<vmem>> -> memref<512x2048xf32, #tpu.memory_space<vmem>>
      %dma_wait3A_1306 = arith.constant 15872 : i32
      %dma_wait3A_1307 = arith.constant 0 : i32
      %dma_wait3A_1308 = tpu.memref_slice %arg0[%dma_wait3A_1306, %dma_wait3A_1307] : memref<16384x2048xf32, #tpu.memory_space<any>> -> memref<512x2048xf32, #tpu.memory_space<any>>
      tpu.wait_dma2 semaphore(%dma_wait3A_1301 : memref<!tpu.dma_semaphore, #tpu.memory_space<semaphore_mem>>) src(%dma_wait3A_1308 : memref<512x2048xf32, #tpu.memory_space<any>>) dst(%dma_wait3A_1305 : memref<512x2048xf32, #tpu.memory_space<vmem>>)
      %dma_start3A_1309 = arith.constant 7 : i32
      %dma_start3A_1310 = arith.constant 7 : i32
      %dma_start3A_1311 = tpu.memref_slice %run_scoped3A_1[%dma_start3A_1310] : memref<8x!tpu.dma_semaphore, #tpu.memory_space<semaphore_mem>> -> memref<1x!tpu.dma_semaphore, #tpu.memory_space<semaphore_mem>>
      %dma_start3A_1312 = tpu.memref_squeeze %dma_start3A_1311 : memref<1x!tpu.dma_semaphore, #tpu.memory_space<semaphore_mem>> -> memref<!tpu.dma_semaphore, #tpu.memory_space<semaphore_mem>>
      %dma_start3A_1313 = arith.constant 15872 : i32
      %dma_start3A_1314 = arith.constant 0 : i32
      %dma_start3A_1315 = tpu.memref_slice %arg1[%dma_start3A_1313, %dma_start3A_1314] : memref<16384x2048xf32, #tpu.memory_space<any>> -> memref<512x2048xf32, #tpu.memory_space<any>>
      %dma_start3A_1316 = arith.constant 0 : i32
      %dma_start3A_1317 = arith.constant 0 : i32
      %dma_start3A_1318 = tpu.memref_slice %run_scoped3A[%dma_start3A_1309, %dma_start3A_1316, %dma_start3A_1317] : memref<8x512x2048xf32, #tpu.memory_space<vmem>> -> memref<1x512x2048xf32, #tpu.memory_space<vmem>>
      %dma_start3A_1319 = tpu.memref_squeeze %dma_start3A_1318 : memref<1x512x2048xf32, #tpu.memory_space<vmem>> -> memref<512x2048xf32, #tpu.memory_space<vmem>>
      tpu.enqueue_dma source(%dma_start3A_1319 : memref<512x2048xf32, #tpu.memory_space<vmem>>) target(%dma_start3A_1315 : memref<512x2048xf32, #tpu.memory_space<any>>) target_semaphore(%dma_start3A_1312 : memref<!tpu.dma_semaphore, #tpu.memory_space<semaphore_mem>>)
      %dma_wait3A_1320 = arith.constant 0 : i32
      %dma_wait3A_1321 = arith.constant 0 : i32
      %dma_wait3A_1322 = tpu.memref_slice %run_scoped3A_1[%dma_wait3A_1321] : memref<8x!tpu.dma_semaphore, #tpu.memory_space<semaphore_mem>> -> memref<1x!tpu.dma_semaphore, #tpu.memory_space<semaphore_mem>>
      %dma_wait3A_1323 = tpu.memref_squeeze %dma_wait3A_1322 : memref<1x!tpu.dma_semaphore, #tpu.memory_space<semaphore_mem>> -> memref<!tpu.dma_semaphore, #tpu.memory_space<semaphore_mem>>
      %dma_wait3A_1324 = arith.constant 12288 : i32
      %dma_wait3A_1325 = arith.constant 0 : i32
      %dma_wait3A_1326 = tpu.memref_slice %arg1[%dma_wait3A_1324, %dma_wait3A_1325] : memref<16384x2048xf32, #tpu.memory_space<any>> -> memref<512x2048xf32, #tpu.memory_space<any>>
      %dma_wait3A_1327 = arith.constant 0 : i32
      %dma_wait3A_1328 = arith.constant 0 : i32
      %dma_wait3A_1329 = tpu.memref_slice %run_scoped3A[%dma_wait3A_1320, %dma_wait3A_1327, %dma_wait3A_1328] : memref<8x512x2048xf32, #tpu.memory_space<vmem>> -> memref<1x512x2048xf32, #tpu.memory_space<vmem>>
      %dma_wait3A_1330 = tpu.memref_squeeze %dma_wait3A_1329 : memref<1x512x2048xf32, #tpu.memory_space<vmem>> -> memref<512x2048xf32, #tpu.memory_space<vmem>>
      tpu.wait_dma2 semaphore(%dma_wait3A_1323 : memref<!tpu.dma_semaphore, #tpu.memory_space<semaphore_mem>>) src(%dma_wait3A_1330 : memref<512x2048xf32, #tpu.memory_space<vmem>>) dst(%dma_wait3A_1326 : memref<512x2048xf32, #tpu.memory_space<any>>)
      %dma_wait3A_1331 = arith.constant 1 : i32
      %dma_wait3A_1332 = arith.constant 1 : i32
      %dma_wait3A_1333 = tpu.memref_slice %run_scoped3A_1[%dma_wait3A_1332] : memref<8x!tpu.dma_semaphore, #tpu.memory_space<semaphore_mem>> -> memref<1x!tpu.dma_semaphore, #tpu.memory_space<semaphore_mem>>
      %dma_wait3A_1334 = tpu.memref_squeeze %dma_wait3A_1333 : memref<1x!tpu.dma_semaphore, #tpu.memory_space<semaphore_mem>> -> memref<!tpu.dma_semaphore, #tpu.memory_space<semaphore_mem>>
      %dma_wait3A_1335 = arith.constant 12800 : i32
      %dma_wait3A_1336 = arith.constant 0 : i32
      %dma_wait3A_1337 = tpu.memref_slice %arg1[%dma_wait3A_1335, %dma_wait3A_1336] : memref<16384x2048xf32, #tpu.memory_space<any>> -> memref<512x2048xf32, #tpu.memory_space<any>>
      %dma_wait3A_1338 = arith.constant 0 : i32
      %dma_wait3A_1339 = arith.constant 0 : i32
      %dma_wait3A_1340 = tpu.memref_slice %run_scoped3A[%dma_wait3A_1331, %dma_wait3A_1338, %dma_wait3A_1339] : memref<8x512x2048xf32, #tpu.memory_space<vmem>> -> memref<1x512x2048xf32, #tpu.memory_space<vmem>>
      %dma_wait3A_1341 = tpu.memref_squeeze %dma_wait3A_1340 : memref<1x512x2048xf32, #tpu.memory_space<vmem>> -> memref<512x2048xf32, #tpu.memory_space<vmem>>
      tpu.wait_dma2 semaphore(%dma_wait3A_1334 : memref<!tpu.dma_semaphore, #tpu.memory_space<semaphore_mem>>) src(%dma_wait3A_1341 : memref<512x2048xf32, #tpu.memory_space<vmem>>) dst(%dma_wait3A_1337 : memref<512x2048xf32, #tpu.memory_space<any>>)
      %dma_wait3A_1342 = arith.constant 2 : i32
      %dma_wait3A_1343 = arith.constant 2 : i32
      %dma_wait3A_1344 = tpu.memref_slice %run_scoped3A_1[%dma_wait3A_1343] : memref<8x!tpu.dma_semaphore, #tpu.memory_space<semaphore_mem>> -> memref<1x!tpu.dma_semaphore, #tpu.memory_space<semaphore_mem>>
      %dma_wait3A_1345 = tpu.memref_squeeze %dma_wait3A_1344 : memref<1x!tpu.dma_semaphore, #tpu.memory_space<semaphore_mem>> -> memref<!tpu.dma_semaphore, #tpu.memory_space<semaphore_mem>>
      %dma_wait3A_1346 = arith.constant 13312 : i32
      %dma_wait3A_1347 = arith.constant 0 : i32
      %dma_wait3A_1348 = tpu.memref_slice %arg1[%dma_wait3A_1346, %dma_wait3A_1347] : memref<16384x2048xf32, #tpu.memory_space<any>> -> memref<512x2048xf32, #tpu.memory_space<any>>
      %dma_wait3A_1349 = arith.constant 0 : i32
      %dma_wait3A_1350 = arith.constant 0 : i32
      %dma_wait3A_1351 = tpu.memref_slice %run_scoped3A[%dma_wait3A_1342, %dma_wait3A_1349, %dma_wait3A_1350] : memref<8x512x2048xf32, #tpu.memory_space<vmem>> -> memref<1x512x2048xf32, #tpu.memory_space<vmem>>
      %dma_wait3A_1352 = tpu.memref_squeeze %dma_wait3A_1351 : memref<1x512x2048xf32, #tpu.memory_space<vmem>> -> memref<512x2048xf32, #tpu.memory_space<vmem>>
      tpu.wait_dma2 semaphore(%dma_wait3A_1345 : memref<!tpu.dma_semaphore, #tpu.memory_space<semaphore_mem>>) src(%dma_wait3A_1352 : memref<512x2048xf32, #tpu.memory_space<vmem>>) dst(%dma_wait3A_1348 : memref<512x2048xf32, #tpu.memory_space<any>>)
      %dma_wait3A_1353 = arith.constant 3 : i32
      %dma_wait3A_1354 = arith.constant 3 : i32
      %dma_wait3A_1355 = tpu.memref_slice %run_scoped3A_1[%dma_wait3A_1354] : memref<8x!tpu.dma_semaphore, #tpu.memory_space<semaphore_mem>> -> memref<1x!tpu.dma_semaphore, #tpu.memory_space<semaphore_mem>>
      %dma_wait3A_1356 = tpu.memref_squeeze %dma_wait3A_1355 : memref<1x!tpu.dma_semaphore, #tpu.memory_space<semaphore_mem>> -> memref<!tpu.dma_semaphore, #tpu.memory_space<semaphore_mem>>
      %dma_wait3A_1357 = arith.constant 13824 : i32
      %dma_wait3A_1358 = arith.constant 0 : i32
      %dma_wait3A_1359 = tpu.memref_slice %arg1[%dma_wait3A_1357, %dma_wait3A_1358] : memref<16384x2048xf32, #tpu.memory_space<any>> -> memref<512x2048xf32, #tpu.memory_space<any>>
      %dma_wait3A_1360 = arith.constant 0 : i32
      %dma_wait3A_1361 = arith.constant 0 : i32
      %dma_wait3A_1362 = tpu.memref_slice %run_scoped3A[%dma_wait3A_1353, %dma_wait3A_1360, %dma_wait3A_1361] : memref<8x512x2048xf32, #tpu.memory_space<vmem>> -> memref<1x512x2048xf32, #tpu.memory_space<vmem>>
      %dma_wait3A_1363 = tpu.memref_squeeze %dma_wait3A_1362 : memref<1x512x2048xf32, #tpu.memory_space<vmem>> -> memref<512x2048xf32, #tpu.memory_space<vmem>>
      tpu.wait_dma2 semaphore(%dma_wait3A_1356 : memref<!tpu.dma_semaphore, #tpu.memory_space<semaphore_mem>>) src(%dma_wait3A_1363 : memref<512x2048xf32, #tpu.memory_space<vmem>>) dst(%dma_wait3A_1359 : memref<512x2048xf32, #tpu.memory_space<any>>)
      %dma_wait3A_1364 = arith.constant 4 : i32
      %dma_wait3A_1365 = arith.constant 4 : i32
      %dma_wait3A_1366 = tpu.memref_slice %run_scoped3A_1[%dma_wait3A_1365] : memref<8x!tpu.dma_semaphore, #tpu.memory_space<semaphore_mem>> -> memref<1x!tpu.dma_semaphore, #tpu.memory_space<semaphore_mem>>
      %dma_wait3A_1367 = tpu.memref_squeeze %dma_wait3A_1366 : memref<1x!tpu.dma_semaphore, #tpu.memory_space<semaphore_mem>> -> memref<!tpu.dma_semaphore, #tpu.memory_space<semaphore_mem>>
      %dma_wait3A_1368 = arith.constant 14336 : i32
      %dma_wait3A_1369 = arith.constant 0 : i32
      %dma_wait3A_1370 = tpu.memref_slice %arg1[%dma_wait3A_1368, %dma_wait3A_1369] : memref<16384x2048xf32, #tpu.memory_space<any>> -> memref<512x2048xf32, #tpu.memory_space<any>>
      %dma_wait3A_1371 = arith.constant 0 : i32
      %dma_wait3A_1372 = arith.constant 0 : i32
      %dma_wait3A_1373 = tpu.memref_slice %run_scoped3A[%dma_wait3A_1364, %dma_wait3A_1371, %dma_wait3A_1372] : memref<8x512x2048xf32, #tpu.memory_space<vmem>> -> memref<1x512x2048xf32, #tpu.memory_space<vmem>>
      %dma_wait3A_1374 = tpu.memref_squeeze %dma_wait3A_1373 : memref<1x512x2048xf32, #tpu.memory_space<vmem>> -> memref<512x2048xf32, #tpu.memory_space<vmem>>
      tpu.wait_dma2 semaphore(%dma_wait3A_1367 : memref<!tpu.dma_semaphore, #tpu.memory_space<semaphore_mem>>) src(%dma_wait3A_1374 : memref<512x2048xf32, #tpu.memory_space<vmem>>) dst(%dma_wait3A_1370 : memref<512x2048xf32, #tpu.memory_space<any>>)
      %dma_wait3A_1375 = arith.constant 5 : i32
      %dma_wait3A_1376 = arith.constant 5 : i32
      %dma_wait3A_1377 = tpu.memref_slice %run_scoped3A_1[%dma_wait3A_1376] : memref<8x!tpu.dma_semaphore, #tpu.memory_space<semaphore_mem>> -> memref<1x!tpu.dma_semaphore, #tpu.memory_space<semaphore_mem>>
      %dma_wait3A_1378 = tpu.memref_squeeze %dma_wait3A_1377 : memref<1x!tpu.dma_semaphore, #tpu.memory_space<semaphore_mem>> -> memref<!tpu.dma_semaphore, #tpu.memory_space<semaphore_mem>>
      %dma_wait3A_1379 = arith.constant 14848 : i32
      %dma_wait3A_1380 = arith.constant 0 : i32
      %dma_wait3A_1381 = tpu.memref_slice %arg1[%dma_wait3A_1379, %dma_wait3A_1380] : memref<16384x2048xf32, #tpu.memory_space<any>> -> memref<512x2048xf32, #tpu.memory_space<any>>
      %dma_wait3A_1382 = arith.constant 0 : i32
      %dma_wait3A_1383 = arith.constant 0 : i32
      %dma_wait3A_1384 = tpu.memref_slice %run_scoped3A[%dma_wait3A_1375, %dma_wait3A_1382, %dma_wait3A_1383] : memref<8x512x2048xf32, #tpu.memory_space<vmem>> -> memref<1x512x2048xf32, #tpu.memory_space<vmem>>
      %dma_wait3A_1385 = tpu.memref_squeeze %dma_wait3A_1384 : memref<1x512x2048xf32, #tpu.memory_space<vmem>> -> memref<512x2048xf32, #tpu.memory_space<vmem>>
      tpu.wait_dma2 semaphore(%dma_wait3A_1378 : memref<!tpu.dma_semaphore, #tpu.memory_space<semaphore_mem>>) src(%dma_wait3A_1385 : memref<512x2048xf32, #tpu.memory_space<vmem>>) dst(%dma_wait3A_1381 : memref<512x2048xf32, #tpu.memory_space<any>>)
      %dma_wait3A_1386 = arith.constant 6 : i32
      %dma_wait3A_1387 = arith.constant 6 : i32
      %dma_wait3A_1388 = tpu.memref_slice %run_scoped3A_1[%dma_wait3A_1387] : memref<8x!tpu.dma_semaphore, #tpu.memory_space<semaphore_mem>> -> memref<1x!tpu.dma_semaphore, #tpu.memory_space<semaphore_mem>>
      %dma_wait3A_1389 = tpu.memref_squeeze %dma_wait3A_1388 : memref<1x!tpu.dma_semaphore, #tpu.memory_space<semaphore_mem>> -> memref<!tpu.dma_semaphore, #tpu.memory_space<semaphore_mem>>
      %dma_wait3A_1390 = arith.constant 15360 : i32
      %dma_wait3A_1391 = arith.constant 0 : i32
      %dma_wait3A_1392 = tpu.memref_slice %arg1[%dma_wait3A_1390, %dma_wait3A_1391] : memref<16384x2048xf32, #tpu.memory_space<any>> -> memref<512x2048xf32, #tpu.memory_space<any>>
      %dma_wait3A_1393 = arith.constant 0 : i32
      %dma_wait3A_1394 = arith.constant 0 : i32
      %dma_wait3A_1395 = tpu.memref_slice %run_scoped3A[%dma_wait3A_1386, %dma_wait3A_1393, %dma_wait3A_1394] : memref<8x512x2048xf32, #tpu.memory_space<vmem>> -> memref<1x512x2048xf32, #tpu.memory_space<vmem>>
      %dma_wait3A_1396 = tpu.memref_squeeze %dma_wait3A_1395 : memref<1x512x2048xf32, #tpu.memory_space<vmem>> -> memref<512x2048xf32, #tpu.memory_space<vmem>>
      tpu.wait_dma2 semaphore(%dma_wait3A_1389 : memref<!tpu.dma_semaphore, #tpu.memory_space<semaphore_mem>>) src(%dma_wait3A_1396 : memref<512x2048xf32, #tpu.memory_space<vmem>>) dst(%dma_wait3A_1392 : memref<512x2048xf32, #tpu.memory_space<any>>)
      %dma_wait3A_1397 = arith.constant 7 : i32
      %dma_wait3A_1398 = arith.constant 7 : i32
      %dma_wait3A_1399 = tpu.memref_slice %run_scoped3A_1[%dma_wait3A_1398] : memref<8x!tpu.dma_semaphore, #tpu.memory_space<semaphore_mem>> -> memref<1x!tpu.dma_semaphore, #tpu.memory_space<semaphore_mem>>
      %dma_wait3A_1400 = tpu.memref_squeeze %dma_wait3A_1399 : memref<1x!tpu.dma_semaphore, #tpu.memory_space<semaphore_mem>> -> memref<!tpu.dma_semaphore, #tpu.memory_space<semaphore_mem>>
      %dma_wait3A_1401 = arith.constant 15872 : i32
      %dma_wait3A_1402 = arith.constant 0 : i32
      %dma_wait3A_1403 = tpu.memref_slice %arg1[%dma_wait3A_1401, %dma_wait3A_1402] : memref<16384x2048xf32, #tpu.memory_space<any>> -> memref<512x2048xf32, #tpu.memory_space<any>>
      %dma_wait3A_1404 = arith.constant 0 : i32
      %dma_wait3A_1405 = arith.constant 0 : i32
      %dma_wait3A_1406 = tpu.memref_slice %run_scoped3A[%dma_wait3A_1397, %dma_wait3A_1404, %dma_wait3A_1405] : memref<8x512x2048xf32, #tpu.memory_space<vmem>> -> memref<1x512x2048xf32, #tpu.memory_space<vmem>>
      %dma_wait3A_1407 = tpu.memref_squeeze %dma_wait3A_1406 : memref<1x512x2048xf32, #tpu.memory_space<vmem>> -> memref<512x2048xf32, #tpu.memory_space<vmem>>
      tpu.wait_dma2 semaphore(%dma_wait3A_1400 : memref<!tpu.dma_semaphore, #tpu.memory_space<semaphore_mem>>) src(%dma_wait3A_1407 : memref<512x2048xf32, #tpu.memory_space<vmem>>) dst(%dma_wait3A_1403 : memref<512x2048xf32, #tpu.memory_space<any>>)
      tpu.yield
    }) : () -> ()
    return
  }
}

</mosaic_0001>

<sc_bundles>
// kernel: kernel.4.cloned.1.call-start
scs
__scs_entry_jumppad:
0x0: {  	(pc) =	sbr.rel $0x88, $3  }
0x1: {  	(tag) =	ssettag $0x0;
	lr =	simm.s32 $0x1  }
0x2: {  	[smem:$0x3FA0] =	sst lr;
	_ =	strace $0xD0000000  }
0x3: {  	_ = 	snop  }
0x4: {  	_ = 	snop  }
0x5: {  	_ = 	snop  }
0x6: {  	_ = 	snop  }
0x7: {  	_ = 	snop  }
__scs_overlays_trampoline_lowered:
0x8: {  	[smem:$0x3FAF] =	sst s0  }
0x9: {  	[smem:$0x3FB0] =	sst s1  }
0xa: {  	[smem:$0x3FB1] =	sst s2  }
0xb: {  	[smem:$0x3FB2] =	sst s3  }
0xc: {  	[smem:$0x3FB3] =	sst s4  }
0xd: {  	[smem:$0x3FB4] =	sst s5  }
0xe: {  	[smem:$0x3FB5] =	sst s6  }
0xf: {  	[smem:$0x3FB6] =	sst s7  }
0x10: {  	[smem:$0x3FB7] =	sst s8  }
0x11: {  	[smem:$0x3FB8] =	sst s9;
	s0 =	simm.s32 @!p0 $0x0  }
0x12: {  	s1 =	sld [smem:$0x3F9E];
	s0 =	simm.s32 @p0 $0x1  }
0x13: {  	[smem:$0x3FB9] =	sst s0;
	s0 =	simm.s32 @!p1 $0x0  }
0x14: {  	s2 =	sld [smem:$0x3F9D];
	s0 =	simm.s32 @p1 $0x1  }
0x15: {  	[smem:$0x3FBA] =	sst s0;
	s0 =	simm.s32 @!p2 $0x0  }
0x16: {  	s3 =	sld [smem:$0x3FDB];
	s0 =	simm.s32 @p2 $0x1  }
0x17: {  	s4 =	simm.s32 $0x1BF5;
	[smem:$0x3FBC] =	sst s0  }
0x18: {  	s0 =	sld [smem:$0x3F9F];
	_ =	swait.ge [sflag:s4], $0x0  }
0x19: {  	s7 =	sld [smem:$0x3FA0]  }
0x1a: {  	s8 =	sadd.s32 $0xFFFFE003, lr  }
0x1b: {  	s9 =	sadd.s32 $0xFFFFFEF7, lr;
	s5 =	simm.s32 $0xFFFFFFFF;
	p2 =	slt.u32 s8, $0xFFFFF086  }
0x1c: {  	p1 =	slt.u32 s9, $0xF7A;
	s5 =	simm.s32 @!p2 $0x0  }
0x1d: {  	s5 =	simm.s32 @p1 $0x1;
	p0 =	seq.s32 s7, s2  }
0x1e: {  	s7 =	smul.u32 @!p0 $0xF7A, s2;
	p2 =	seq.s32 @!p0 s5, $0x0  }
0x1f: {  	s9 =	smul.u32 $0xF7A, s1;
	s8 =	simm.s32 @!p0 $0x1BF5;
	p2 =	por !p2, p0  }
0x20: {  	[sflag:s8] =	ssyncset.s32 @!p0 $0xFFFFF086;
	s6 =	sadd.s32 @!p0 s3, s7;
	s7 =	simm.s32 @!p0 $0x108  }
0x21: {  	s3 =	sadd.s32 s3, s9;
	s6 =	sadd.s32 @!p0 $0x88, s6;
	s7 =	simm.s32 @p2 $0x1082  }
0x22: {  	[simem:s7], [sflag:s8] =	dma.local @!p0 [hbm:s6], $0xF7A  }
0x23: {  	s9 =	sor.u32 $0xD0000000, s2;
	s6 =	simm.s32 $0x108;
	_ =	swait.ge @!p0 [sflag:s8], $0x0  }
0x24: {  	s3 =	sadd.s32 $0x88, s3;
	s6 =	simm.s32 @!p1 $0x1082;
	[sflag:s4] =	ssyncset.s32 $0xFFFFF086  }
0x25: {  	[simem:s6], [sflag:s4] =	dma.local [hbm:s3], $0xF7A  }
0x26: {  	[smem:$0x3FA0] =	sst s1;
	(tag) =	ssettag s2;
	_ =	strace s9  }
0x27: {  	s1 =	sld [smem:$0x3FB0]  }
0x28: {  	s2 =	sld [smem:$0x3FB1]  }
0x29: {  	s4 =	sld [smem:$0x3FB3]  }
0x2a: {  	p0 =	seq.s32 s5, $0x0;
	s5 =	sld [smem:$0x3FB4]  }
0x2b: {  	s6 =	sld [smem:$0x3FB5]  }
0x2c: {  	s7 =	sld [smem:$0x3FB6]  }
0x2d: {  	s3 =	simm.s32 $0x108;
	s8 =	sld [smem:$0x3FB7]  }
0x2e: {  	s3 =	simm.s32 @!p0 $0x1082;
	s9 =	sld [smem:$0x3FB8]  }
0x2f: {  	lr =	sadd.s32 s0, s3;
	s0 =	sld [smem:$0x3FAF]  }
0x30: {  	s3 =	sld [smem:$0x3FB2]  }
0x31: {  	[smem:$0x3FBB] =	sst s10  }
0x32: {  	s10 =	sld [smem:$0x3FB9];
	_ =	sdelay $0x3  }
0x33: {  	p0 =	seq.s32 s10, $0x1;
	s10 =	sld [smem:$0x3FBB];
	_ =	sdelay $0x3  }
0x34: {  	[smem:$0x3FBB] =	sst s10  }
0x35: {  	s10 =	sld [smem:$0x3FBA];
	_ =	sdelay $0x3  }
0x36: {  	p1 =	seq.s32 s10, $0x1;
	s10 =	sld [smem:$0x3FBB];
	_ =	sdelay $0x3  }
0x37: {  	[smem:$0x3FBB] =	sst s10  }
0x38: {  	s10 =	sld [smem:$0x3FBC]  }
0x39: {  	_ = 	snop;
	(pc) =	sbr.ind lr, $3  }
0x3a: {  	_ = 	snop  }
0x3b: {  	_ = 	snop  }
0x3c: {  	p2 =	seq.s32 s10, $0x1;
	s10 =	sld [smem:$0x3FBB]  }
0x3d: {  	_ =	shalt  }
0x3e: {  	_ =	shalt  }
0x3f: {  	_ =	shalt  }
0x40: {  	_ =	shalt  }
0x41: {  	_ =	shalt  }
0x42: {  	_ =	shalt  }
0x43: {  	_ =	shalt  }
0x44: {  	_ =	shalt  }
0x45: {  	_ =	shalt  }
0x46: {  	_ =	shalt  }
0x47: {  	_ =	shalt  }
0x48: {  	_ =	shalt  }
0x49: {  	_ =	shalt  }
0x4a: {  	_ =	shalt  }
0x4b: {  	_ =	shalt  }
0x4c: {  	_ =	shalt  }
0x4d: {  	_ =	shalt  }
0x4e: {  	_ =	shalt  }
0x4f: {  	_ =	shalt  }
0x50: {  	_ =	shalt  }
0x51: {  	_ =	shalt  }
0x52: {  	_ =	shalt  }
0x53: {  	_ =	shalt  }
0x54: {  	_ =	shalt  }
0x55: {  	_ =	shalt  }
0x56: {  	_ =	shalt  }
0x57: {  	_ =	shalt  }
0x58: {  	_ =	shalt  }
0x59: {  	_ =	shalt  }
0x5a: {  	_ =	shalt  }
0x5b: {  	_ =	shalt  }
0x5c: {  	_ =	shalt  }
0x5d: {  	_ =	shalt  }
0x5e: {  	_ =	shalt  }
0x5f: {  	_ =	shalt  }
0x60: {  	_ =	shalt  }
0x61: {  	_ =	shalt  }
0x62: {  	_ =	shalt  }
0x63: {  	_ =	shalt  }
0x64: {  	_ =	shalt  }
0x65: {  	_ =	shalt  }
0x66: {  	_ =	shalt  }
0x67: {  	_ =	shalt  }
0x68: {  	_ =	shalt  }
0x69: {  	_ =	shalt  }
0x6a: {  	_ =	shalt  }
0x6b: {  	_ =	shalt  }
0x6c: {  	_ =	shalt  }
0x6d: {  	_ =	shalt  }
0x6e: {  	_ =	shalt  }
0x6f: {  	_ =	shalt  }
0x70: {  	_ =	shalt  }
0x71: {  	_ =	shalt  }
0x72: {  	_ =	shalt  }
0x73: {  	_ =	shalt  }
0x74: {  	_ =	shalt  }
0x75: {  	_ =	shalt  }
0x76: {  	_ =	shalt  }
0x77: {  	_ =	shalt  }
0x78: {  	_ =	shalt  }
0x79: {  	_ =	shalt  }
0x7a: {  	_ =	shalt  }
0x7b: {  	_ =	shalt  }
0x7c: {  	_ =	shalt  }
0x7d: {  	_ =	shalt  }
0x7e: {  	_ =	shalt  }
0x7f: {  	_ =	shalt  }
0x80: {  	_ =	shalt  }
0x81: {  	_ =	shalt  }
0x82: {  	_ =	shalt  }
0x83: {  	_ =	shalt  }
0x84: {  	_ =	shalt  }
0x85: {  	_ =	shalt  }
0x86: {  	_ =	shalt  }
0x87: {  	_ =	shalt  }
.Lfunc_end0:
.L_simem_size_0:
called_computation_lowered:
.L_overlay_start_0:
0x88: {  	s2 =	sld [smem:$0x3FD9]  }
0x89: {  	s3 =	sld [smem:$0x3FFE];
	_ =	sdelay $0x1  }
0x8a: {  	s1 =	srdreg.scid  }
0x8b: {  	s0 =	sand.u32 $0x1, s1  }
0x8c: {  	s17 =	sshll.u32 s0, $0xA;
	s2 =	sadd.s32 s3, s2  }
0x8d: {  	s2 =	sadd.s32 s2, s17  }
0x8e: {  	[smem:$0x3FC7] =	sst s2  }
0x8f: {  	_ = 	snop  }
0x90: {  	s2 =	sld [smem:$0x3FC9];
	(tm) =	ssettm $0x1  }
0x91: {  	s18 =	sld [smem:$0x3FFB];
	_ =	sdelay $0x3  }
0x92: {  	_ =	strace s18  }
0x93: {  	s3 =	sld [smem:$0x3FFC];
	_ =	sdelay $0x3  }
0x94: {  	_ =	strace s3  }
0x95: {  	s3 =	sld [smem:$0x3FFD];
	_ =	sdelay $0x3  }
0x96: {  	_ =	strace s3  }
0x97: {  	_ =	strace $0x8FFFFFFF  }
0x98: {  	s19 =	sld [smem:$0x3FDB];
	_ =	sdelay $0x1  }
0x99: {  	s4 =	simm.s32 $_scs_section_size  }
0x9a: {  	s5 =	simm.s32 $_size__tile_overlayer_lowered;
	s6 =	simm.s32 $_tile_overlayer_lowered  }
0x9b: {  	s22 =	simm.s32 $0x1BFF;
	s21 =	sshll.u32 s6, $0x1;
	s3 =	sadd.s32 s4, s19  }
0x9c: {  	s7 =	simm.s32 $0x0;
	s20 =	sshll.u32 s5, $0x1;
	s5 =	sadd.s32 s21, s3  }
0x9d: {  	[timem:s7], [sflag:s22] =	dma.local [hbm:s5], s20  }
0x9e: {  	_ =	swait.ge [sflag:s22], s20  }
0x9f: {  	s4 =	ssub.s32 $0x0, s20;
	[sflag:s22] =	ssyncset.done $0x0  }
0xa0: {  	[sflag:s22] =	ssyncadd.s32 s4;
	_ =	sdelay $0x1  }
0xa1: {  	s23 =	simm.s32 $0x1B8B  }
0xa2: {  	_ =	swait.ge [sflag:s23], $0x1  }
0xa3: {  	[sflag:s23] =	ssyncset.done $0x0  }
0xa4: {  	s25 =	simm.s32 $0x1B8E;
	s24 =	sld [smem:$0x3FFE];
	[sflag:s23] =	ssyncadd.s32 $0xFFFFFFFF  }
0xa5: {  	s26 =	simm.s32 $execute0_lowered;
	[smem:$0x3FD2] =	sst s25  }
0xa6: {  	s5 =	sshll.u32 s26, $0x1;
	_ =	strace $0x80000046;
	[dreg:$0x1] =	wrdreg $0xFFFFFFFF  }
0xa7: {  	s28 =	simm.s32 $_size_execute0_lowered;
	s3 =	sadd.s32 s3, s5;
	[dreg:$0x0] =	wrdreg $0x0  }
0xa8: {  	s5 =	sshll.u32 s28, $0x1;
	[dreg:$0x2] =	wrdreg s3  }
0xa9: {  	[dreg:$0x3] =	wrdreg s5  }
0xaa: {  	[dreg:$0x4] =	wrdreg $0xC0  }
0xab: {  	_ =	task [dreg:s7], $0x5FFFF  }
0xac: {  	[dreg:$0x1] =	wrdreg $0xFFFFFFFF  }
0xad: {  	[dreg:$0x0] =	wrdreg $0x60  }
0xae: {  	[dreg:$0x2] =	wrdreg s2  }
0xaf: {  	[dreg:$0x3] =	wrdreg s24  }
0xb0: {  	[dreg:$0x4] =	wrdreg $0x9  }
0xb1: {  	_ =	task.clear_ibuf [dreg:s7], $0x5FFFF;
	_ =	strace $0x90000046  }
0xb2: {  	s29 =	simm.s32 $0x9;
	_ =	strace $0x80000048  }
0xb3: {  	_ =	swait.ge [sflag:s29], $0x1  }
0xb4: {  	[sflag:s29] =	ssyncadd.s32 $0xFFFFFFFF  }
0xb5: {  	_ =	strace $0x90000048  }
0xb6: {  	_ =	sfence  }
0xb7: {  	s30 =	sld [smem:$0x0];
	_ =	sdelay $0x2  }
0xb8: {  	s31 =	sshll.u32 s1, $0xD;
	s1 =	sshrl.u32 s1, $0x2  }
0xb9: {  	s3 =	sand.u32 $0x4000, s31;
	s1 =	sadd.s32 s1, s30  }
0xba: {  	s0 =	sor.u32 s3, s0;
	s1 =	sshll.u32 s1, $0x11  }
0xbb: {  	s0 =	sor.u32 s1, s0  }
0xbc: {  	s0 =	sadd.s32 $0x8F2B, s0  }
0xbd: {  	[sflag:s0] =	ssyncadd.remote.s32 $0x1  }
0xbe: {  	_ =	sfence.sel $0xFFFF  }
0xbf: {  	[dreg:$0x0] =	wrdreg $0xFFFFFFFF;
	(pc) =	sbr.abs _section_cstart, $3  }
0xc0: {  	[dreg:$0x1] =	wrdreg $0xFFFFFFFF  }
0xc1: {  	_ =	task.clear_ibuf [dreg:s7], $0x2FFFF;
	_ =	strace $0x9FFFFFFF  }
0xc2: {  	(tm) =	ssettm $0x7FFFFFFF  }
0xc3: {  	_ =	shalt  }
tec
execute0_lowered:
.L_overlay_start_1:
0x0: {  	(tag) =	ssettag $0x1  }
0x1: {  	s8 =	rddreg [dreg:$0x0]  }
0x2: {  	s3 =	rddreg [dreg:$0x1]  }
0x3: {  	s0 =	rddreg [dreg:$0x2];
	s1 =	simm.s32 $0x0  }
0x4: {  	s2 =	srdreg.scid;
	s12 =	simm.s32 $0x2;
	s13 =	simm.s32 $0x0  }
0x5: {  	[smem:$0x7FF] =	sst s1;
	s4 =	sand.u32 $0x1, s2;
	s2 =	stileid.u32  }
0x6: {  	s5 =	ssub.s32 $0x2, s4;
	s9 =	sshll.u32 s2, $0x12;
	s10 =	sshll.u32 s4, $0x11  }
0x7: {  	s11 =	sadd.s32 $0x400, s3;
	s6 =	sshrl.u32 s5, $0x1;
	s30 =	sor.u32 s10, s9  }
0x8: {  	_ =	strace $0x80000047;
	s29 =	ssub.s32 s5, s6;
	s3 =	sadd.s32 s8, s30  }
0x9: {  	s31 =	sadd.s32 s11, s30;
	s7 =	sor.u32 $0x1F800, s30;
	s4 =	smax.u32 s29, $0x1  }
0xa: {  	s5 =	sadd.s32 s8, s7;
	s6 =	sadd.s32 $0x1F000, s31;
	s7 =	sadd.s32 s11, s7  }
0xb: {  	s8 =	sadd.s32 s9, s8;
	s9 =	sadd.s32 s9, s11;
	s11 =	simm.s32 $0x1  }
0xc: {  	s8 =	sadd.s32 s10, s8;
	s9 =	sadd.s32 s10, s9;
	s10 =	simm.s32 $0x4000  }
.LBB2_1:
0xd: {  	[tilespmem:s1], [sflag:$0x1] =	stream.linear.gather [hbm4b:s3+s1], $0x4000, $0x38;
	[tilespmem:$0x8000] =	vst v63  }
0xe: {  	s14 =	sadd.s32 $0x0, s8  }
0xf: {  	s15 =	sadd.s32 $0x800, s14  }
0x10: {  	[tilespmem:s10], [sflag:$0x2] =	stream.linear.gather [hbm4b:s15+s1], $0x4000, $0x38;
	[tilespmem:$0x8000] =	vst v63  }
0x11: {  	_ =	swait.ge [sflag:s11], $0x4000  }
0x12: {  	[sflag:s11] =	ssyncset.done $0x0  }
0x13: {  	s30 =	sadd.s32 $0x0, s9;
	[sflag:s11] =	ssyncadd.s32 $0xFFFFC000  }
0x14: {  	[hbm4b:s30+s1] =	stream.linear.scatter [tilespmem:s1], [sflag:$0x1], $0x4000, $0x38;
	[tilespmem:$0x8000] =	vst v63  }
0x15: {  	_ =	swait.ge [sflag:s11], $0x4000  }
0x16: {  	[sflag:s11] =	ssyncset.done $0x0  }
0x17: {  	s14 =	sadd.s32 $0x1000, s14;
	[sflag:s11] =	ssyncadd.s32 $0xFFFFC000  }
0x18: {  	[tilespmem:s1], [sflag:$0x1] =	stream.linear.gather [hbm4b:s14+s1], $0x4000, $0x38;
	[tilespmem:$0x8000] =	vst v63  }
0x19: {  	_ =	swait.ge [sflag:s12], $0x4000  }
0x1a: {  	[sflag:s12] =	ssyncset.done $0x0  }
0x1b: {  	s31 =	sadd.s32 $0x800, s30;
	[sflag:s12] =	ssyncadd.s32 $0xFFFFC000  }
0x1c: {  	[hbm4b:s31+s1] =	stream.linear.scatter [tilespmem:s10], [sflag:$0x2], $0x4000, $0x38;
	[tilespmem:$0x8000] =	vst v63  }
0x1d: {  	s16 =	simm.s32 $0x2000;
	_ =	swait.ge [sflag:s12], $0x4000  }
0x1e: {  	s15 =	sadd.s32 $0x1000, s8;
	s14 =	simm.s32 $0x1000;
	[sflag:s12] =	ssyncset.done $0x0  }
.LBB2_2:
0x1f: {  	s17 =	sadd.s32 $0x800, s15  }
0x20: {  	[sflag:s12] =	ssyncadd.s32 $0xFFFFC000;
	s18 =	smov.u32 s16;
	s19 =	sadd.s32 $0x1000, s16  }
0x21: {  	[tilespmem:s10], [sflag:$0x2] =	stream.linear.gather [hbm4b:s17+s1], $0x4000, $0x38;
	[tilespmem:$0x8000] =	vst v63  }
0x22: {  	p0 =	sne.s32 s16, $0x1E000;
	_ =	swait.ge [sflag:s11], $0x4000  }
0x23: {  	[sflag:s11] =	ssyncset.done $0x0  }
0x24: {  	s16 =	sadd.s32 s14, s9;
	s14 =	smov.u32 s18;
	[sflag:s11] =	ssyncadd.s32 $0xFFFFC000  }
0x25: {  	[hbm4b:s16+s1] =	stream.linear.scatter [tilespmem:s1], [sflag:$0x1], $0x4000, $0x38;
	[tilespmem:$0x8000] =	vst v63  }
0x26: {  	_ =	swait.ge [sflag:s11], $0x4000  }
0x27: {  	[sflag:s11] =	ssyncset.done $0x0  }
0x28: {  	s15 =	sadd.s32 $0x1000, s15;
	[sflag:s11] =	ssyncadd.s32 $0xFFFFC000  }
0x29: {  	[tilespmem:s1], [sflag:$0x1] =	stream.linear.gather [hbm4b:s15+s1], $0x4000, $0x38;
	[tilespmem:$0x8000] =	vst v63  }
0x2a: {  	_ =	swait.ge [sflag:s12], $0x4000  }
.Ltmp0:
0x2b: {  	[sflag:s12] =	ssyncset.done $0x0;
	(pc) =	sbr.rel @p0 .LBB2_2-.Ltmp0, $4  }
0x2c: {  	s15 =	sadd.s32 $0x800, s16;
	[sflag:s12] =	ssyncadd.s32 $0xFFFFC000  }
0x2d: {  	[hbm4b:s15+s1] =	stream.linear.scatter [tilespmem:s10], [sflag:$0x2], $0x4000, $0x38;
	[tilespmem:$0x8000] =	vst v63  }
0x2e: {  	_ =	swait.ge [sflag:s12], $0x4000  }
0x2f: {  	s16 =	smov.u32 s19;
	s15 =	sadd.s32 s14, s8;
	[sflag:s12] =	ssyncset.done $0x0  }
0x30: {  	s16 =	sadd.s32 $0x800, s15;
	[sflag:s12] =	ssyncadd.s32 $0xFFFFC000  }
0x31: {  	[tilespmem:s10], [sflag:$0x2] =	stream.linear.gather [hbm4b:s16+s1], $0x4000, $0x38;
	[tilespmem:$0x8000] =	vst v63  }
0x32: {  	_ =	swait.ge [sflag:s11], $0x4000  }
0x33: {  	[sflag:s11] =	ssyncset.done $0x0  }
0x34: {  	s14 =	sadd.s32 s14, s9;
	[sflag:s11] =	ssyncadd.s32 $0xFFFFC000  }
0x35: {  	[hbm4b:s14+s1] =	stream.linear.scatter [tilespmem:s1], [sflag:$0x1], $0x4000, $0x38;
	[tilespmem:$0x8000] =	vst v63  }
0x36: {  	_ =	swait.ge [sflag:s11], $0x4000  }
0x37: {  	[sflag:s11] =	ssyncset.done $0x0  }
0x38: {  	s31 =	sadd.s32 $0x1000, s15;
	[sflag:s11] =	ssyncadd.s32 $0xFFFFC000  }
0x39: {  	[tilespmem:s1], [sflag:$0x1] =	stream.linear.gather [hbm4b:s31+s1], $0x4000, $0x38;
	[tilespmem:$0x8000] =	vst v63  }
0x3a: {  	_ =	swait.ge [sflag:s12], $0x4000  }
0x3b: {  	[sflag:s12] =	ssyncset.done $0x0  }
0x3c: {  	s14 =	sadd.s32 $0x800, s14;
	[sflag:s12] =	ssyncadd.s32 $0xFFFFC000  }
0x3d: {  	[hbm4b:s14+s1] =	stream.linear.scatter [tilespmem:s10], [sflag:$0x2], $0x4000, $0x38;
	[tilespmem:$0x8000] =	vst v63  }
0x3e: {  	_ =	swait.ge [sflag:s12], $0x4000  }
0x3f: {  	[sflag:s12] =	ssyncset.done $0x0  }
0x40: {  	[sflag:s12] =	ssyncadd.s32 $0xFFFFC000  }
0x41: {  	[tilespmem:s10], [sflag:$0x2] =	stream.linear.gather [hbm4b:s5+s1], $0x4000, $0x38;
	[tilespmem:$0x8000] =	vst v63  }
0x42: {  	_ =	swait.ge [sflag:s11], $0x4000  }
0x43: {  	[sflag:s11] =	ssyncset.done $0x0  }
0x44: {  	[sflag:s11] =	ssyncadd.s32 $0xFFFFC000  }
0x45: {  	[hbm4b:s6+s1] =	stream.linear.scatter [tilespmem:s1], [sflag:$0x1], $0x4000, $0x38;
	[tilespmem:$0x8000] =	vst v63  }
0x46: {  	_ =	swait.ge [sflag:s11], $0x4000  }
0x47: {  	[sflag:s11] =	ssyncset.done $0x0  }
0x48: {  	[sflag:s11] =	ssyncadd.s32 $0xFFFFC000  }
0x49: {  	s13 =	sadd.s32 $0x1, s13;
	_ =	swait.ge [sflag:s12], $0x4000  }
0x4a: {  	p0 =	sne.s32 s13, s4;
	[sflag:s12] =	ssyncset.done $0x0  }
.Ltmp1:
0x4b: {  	[sflag:s12] =	ssyncadd.s32 $0xFFFFC000;
	(pc) =	sbr.rel @p0 .LBB2_1-.Ltmp1, $4  }
0x4c: {  	[hbm4b:s7+s1] =	stream.linear.scatter [tilespmem:s10], [sflag:$0x2], $0x4000, $0x38;
	[tilespmem:$0x8000] =	vst v63  }
0x4d: {  	_ =	swait.ge [sflag:s12], $0x4000  }
0x4e: {  	[sflag:s12] =	ssyncset.done $0x0  }
0x4f: {  	[sflag:s12] =	ssyncadd.s32 $0xFFFFC000  }
0x50: {  	_ =	sfence.sel $0x180000  }
0x51: {  	[bflag:$0x0] =	sbarrier.arrive $0xFFFF  }
0x52: {  	p0 =	sne.s32 s2, $0x0;
	_ =	strace $0x90000047  }
0x53: {  	s0 =	sadd.s32 @!p0 $0x100000, s0;
	[bflag:$0x2] =	sbarrier.arrive $0xFFFF  }
0x54: {  	[sflag:s0] =	ssyncadd.tile.s32 @!p0 $0x1;
	_ =	shalt  }
.Lfunc_end2:
_tile_overlayer_lowered:
.L_overlay_start_2:
0x55: {  	(tag) =	ssettag $0x2  }
0x56: {  	s0 =	rddreg [dreg:$0x0];
	s2 =	stileid.u32  }
0x57: {  	s1 =	rddreg [dreg:$0x1];
	p0 =	sne.s32 s2, $0x0  }
0x58: {  	s3 =	rddreg [dreg:$0x2];
	[bflag:$0x3] =	sbarrier.arrive $0xFFFF;
	s2 =	simm.s32 @!p0 $0x1C03  }
0x59: {  	[timem:s3], [sflag:s2] =	dma.local @!p0 [hbm:s0], s1  }
0x5a: {  	s0 =	simm.s32 @!p0 $0x3  }
0x5b: {  	_ =	swait.ge @!p0 [sflag:s0], s1  }
0x5c: {  	s1 =	ssub.s32 @!p0 $0x0, s1;
	[sflag:s0] =	ssyncset.done @!p0 $0x0  }
0x5d: {  	[sflag:s0] =	ssyncadd.s32 @!p0 s1  }
0x5e: {  	[bflag:$0x3] =	sbarrier.arrive $0xFFFF  }
0x5f: {  	_ =	shalt  }

</sc_bundles>
